<compile_context>
chip_gen: v7x
topology: tpu7x:2x2x1
jax: 0.10.2.dev20260603
libtpu: 0.0.44.dev20260713+nightly
codegen_flags: <defaults>
</compile_context>

<pallas_src>
import functools

import jax
import jax.numpy as jnp
from jax import lax
from jax.experimental import pallas as pl
from jax.experimental.pallas import tpu as pltpu
from jax.experimental.pallas import tpu_sc as plsc

N_NODES = 10000
DIM = 256
HALF = 128
N_EDGES = 160000
NC = 2
NS = 16
CHUNK = 128
E_PAD = 161792
N_ACC = N_NODES + 8
ROWS_A = 632
ROWS_B = N_NODES - 15 * ROWS_A
BM = 1000

_mesh = plsc.VectorSubcoreMesh(core_axis_name="c", subcore_axis_name="s")


def _copy_rows(src_ref, dst_ref, sid):

    @pl.when(sid < NS - 1)
    def _():
        row0 = pl.multiple_of(sid * ROWS_A, 8)
        pltpu.sync_copy(src_ref.at[pl.ds(row0, ROWS_A)],
                        dst_ref.at[pl.ds(row0, ROWS_A)])

    @pl.when(sid == NS - 1)
    def _():
        row0 = (NS - 1) * ROWS_A
        pltpu.sync_copy(src_ref.at[pl.ds(row0, ROWS_B)],
                        dst_ref.at[pl.ds(row0, ROWS_B)])


DEGW = 128
NC_DEG = N_EDGES // CHUNK
DEG_BASE = NC_DEG // (NC * NS)
DEG_EXTRA = NC_DEG - NC * NS * DEG_BASE


def _deg_body(dst_hbm, ones_hbm, zeros_hbm, out0, out1, acc,
              d0, d1, d2, ones_v, i0, i1, i2, s0, s1, s2):
    cid = lax.axis_index("c")
    sid = lax.axis_index("s")
    didx = (d0, d1, d2)
    isem = (i0, i1, i2)
    ssem = (s0, s1, s2)
    _copy_rows(zeros_hbm, acc, sid)
    pltpu.sync_copy(ones_hbm, ones_v)
    plsc.subcore_barrier()
    lid = cid * NS + sid
    nch = DEG_BASE + jnp.where(lid < DEG_EXTRA, 1, 0)
    cbase = lid * DEG_BASE + jnp.minimum(lid, DEG_EXTRA)

    def idx_hbm(c):
        return dst_hbm.at[pl.ds(pl.multiple_of((cbase + c) * CHUNK, CHUNK),
                                CHUNK)]

    def fire_didx(c, b):
        pltpu.async_copy(idx_hbm(c), didx[b], isem[b])

    def wait_didx(c, b):
        pltpu.make_async_copy(idx_hbm(c), didx[b], isem[b]).wait()

    def fire_scatter(c, b):
        pltpu.async_copy(ones_v, acc.at[didx[b]], ssem[b], add=True)

    def wait_scatter(c, b):
        pltpu.make_async_copy(ones_v, acc.at[didx[b]], ssem[b]).wait()

    fire_didx(0, 0)

    @pl.loop(0, (DEG_BASE + 1 + 2 + 3) // 3)
    def _steps(i):
        for k in range(3):
            b = k
            f = (k + 1) % 3
            c = i * 3 + k

            @pl.when(jnp.logical_and(c >= 2, c < nch + 2))
            def _():
                wait_scatter(c - 2, f)

            @pl.when(c + 1 < nch)
            def _():
                fire_didx(c + 1, f)

            @pl.when(c < nch)
            def _():
                wait_didx(c, b)
                fire_scatter(c, b)

    plsc.subcore_barrier()

    @pl.when(cid == 0)
    def _():
        _copy_rows(acc, out0, sid)

    @pl.when(cid == 1)
    def _():
        _copy_rows(acc, out1, sid)


_deg_call = functools.partial(
    pl.kernel,
    _deg_body,
    out_type=(
        jax.ShapeDtypeStruct((N_NODES, DEGW), jnp.float32),
        jax.ShapeDtypeStruct((N_NODES, DEGW), jnp.float32),
    ),
    mesh=_mesh,
    scratch_types=[
        pltpu.VMEM_SHARED((N_ACC, DEGW), jnp.float32),
    ]
    + [pltpu.VMEM((CHUNK,), jnp.int32)] * 3
    + [
        pltpu.VMEM((CHUNK, DEGW), jnp.float32),
    ]
    + [pltpu.SemaphoreType.DMA] * 6,
)()


PCH = 128
EPT = E_PAD // NS
NCH = EPT // PCH
NBUF = 3


def _prop_half(hs, out, src_hbm, dst_hbm, acc,
               rows, sidx, didx, gsem, ssem, isem, dsem, sid):
    _copy_rows(hs, acc, sid)
    plsc.subcore_barrier()
    ebase = pl.multiple_of(sid * EPT, CHUNK)

    def idx_hbm(ref, c):
        return ref.at[pl.ds(pl.multiple_of(ebase + c * PCH, PCH), PCH)]

    def fire_sidx(c, b):
        pltpu.async_copy(idx_hbm(src_hbm, c), sidx[b], isem[b])

    def wait_sidx(c, b):
        pltpu.make_async_copy(idx_hbm(src_hbm, c), sidx[b], isem[b]).wait()

    def fire_didx(c, b):
        pltpu.async_copy(idx_hbm(dst_hbm, c), didx[b], dsem[b])

    def wait_didx(c, b):
        pltpu.make_async_copy(idx_hbm(dst_hbm, c), didx[b], dsem[b]).wait()

    def fire_gather(c, b):
        pltpu.async_copy(hs.at[sidx[b]], rows[b], gsem[b])

    def wait_gather(c, b):
        pltpu.make_async_copy(hs.at[sidx[b]], rows[b], gsem[b]).wait()

    def fire_scatter(c, b):
        pltpu.async_copy(rows[b], acc.at[didx[b]], ssem[b], add=True)

    def wait_scatter(c, b):
        pltpu.make_async_copy(rows[b], acc.at[didx[b]], ssem[b]).wait()

    fire_sidx(0, 0)
    fire_sidx(1, 1)
    fire_sidx(2, 2)
    fire_didx(0, 0)
    wait_sidx(0, 0)
    fire_gather(0, 0)

    @pl.loop(0, (NCH + 2 + NBUF) // NBUF)
    def _steps(i):
        for k in range(NBUF):
            b = k
            f = (k + 1) % NBUF
            c = i * NBUF + k

            @pl.when(jnp.logical_and(c >= 2, c < NCH + 2))
            def _():
                wait_scatter(c - 2, f)

            @pl.when(c + 1 < NCH)
            def _():
                fire_didx(c + 1, f)
                wait_sidx(c + 1, f)
                fire_gather(c + 1, f)

            @pl.when(c < NCH)
            def _():
                wait_gather(c, b)

                @pl.when(c + 3 < NCH)
                def _():
                    fire_sidx(c + 3, b)

                wait_didx(c, b)
                fire_scatter(c, b)

    plsc.subcore_barrier()
    _copy_rows(acc, out, sid)


def _prop_body(hs0, hs1, src_hbm, dst_hbm, out0, out1, acc,
               r0, r1, r2, j0, j1, j2, i0, i1, i2,
               g0, g1, g2, s0, s1, s2, e0, e1, e2, d0, d1, d2):
    cid = lax.axis_index("c")
    sid = lax.axis_index("s")
    rows = (r0, r1, r2)
    sidx = (j0, j1, j2)
    didx = (i0, i1, i2)
    gsem = (g0, g1, g2)
    ssem = (s0, s1, s2)
    isem = (e0, e1, e2)
    dsem = (d0, d1, d2)

    @pl.when(cid == 0)
    def _():
        _prop_half(hs0, out0, src_hbm, dst_hbm, acc,
                   rows, sidx, didx, gsem, ssem, isem, dsem, sid)

    @pl.when(cid == 1)
    def _():
        _prop_half(hs1, out1, src_hbm, dst_hbm, acc,
                   rows, sidx, didx, gsem, ssem, isem, dsem, sid)


_prop_call = functools.partial(
    pl.kernel,
    _prop_body,
    out_type=(
        jax.ShapeDtypeStruct((N_NODES, HALF), jnp.float32),
        jax.ShapeDtypeStruct((N_NODES, HALF), jnp.float32),
    ),
    mesh=_mesh,
    scratch_types=[
        pltpu.VMEM_SHARED((N_ACC, HALF), jnp.float32),
    ]
    + [pltpu.VMEM((PCH, HALF), jnp.float32)] * NBUF
    + [pltpu.VMEM((PCH,), jnp.int32)] * (2 * NBUF)
    + [pltpu.SemaphoreType.DMA] * (4 * NBUF),
)()


def _dis(d0_ref, d1_ref):
    deg = d0_ref[...] + d1_ref[...] + 1.0
    return lax.rsqrt(deg)


def _mm1_body(d0, d1, x_ref, w_ref, hs0_ref, hs1_ref):
    dis = _dis(d0, d1)
    h = jnp.dot(x_ref[...], w_ref[...], preferred_element_type=jnp.float32)
    hs = h * dis
    hs0_ref[...] = hs[:, :HALF]
    hs1_ref[...] = hs[:, HALF:]


def _mm2_body(d0, d1, p0, p1, b_ref, w_ref, q0_ref, q1_ref):
    dis = _dis(d0, d1)
    p = jnp.concatenate([p0[...], p1[...]], axis=1)
    act = jnp.maximum(p * dis + b_ref[...], 0.0)
    h = jnp.dot(act, w_ref[...], preferred_element_type=jnp.float32)
    hs = h * dis
    q0_ref[...] = hs[:, :HALF]
    q1_ref[...] = hs[:, HALF:]


def _final_body(d0, d1, q0, q1, b_ref, out_ref):
    dis = _dis(d0, d1)
    q = jnp.concatenate([q0[...], q1[...]], axis=1)
    out_ref[...] = q * dis + b_ref[...]


def _row_spec(width):
    return pl.BlockSpec((BM, width), lambda i: (i, 0))


def _full_spec(shape):
    return pl.BlockSpec(shape, lambda i: (0,) * len(shape))


_GRID = (N_NODES // BM,)

_mm1_call = pl.pallas_call(
    _mm1_body,
    grid=_GRID,
    in_specs=[_row_spec(1), _row_spec(1), _row_spec(DIM), _full_spec((DIM, DIM))],
    out_specs=[_row_spec(HALF), _row_spec(HALF)],
    out_shape=[
        jax.ShapeDtypeStruct((N_NODES, HALF), jnp.float32),
        jax.ShapeDtypeStruct((N_NODES, HALF), jnp.float32),
    ],
)

_mm2_call = pl.pallas_call(
    _mm2_body,
    grid=_GRID,
    in_specs=[_row_spec(1), _row_spec(1), _row_spec(HALF), _row_spec(HALF),
              _full_spec((1, DIM)), _full_spec((DIM, DIM))],
    out_specs=[_row_spec(HALF), _row_spec(HALF)],
    out_shape=[
        jax.ShapeDtypeStruct((N_NODES, HALF), jnp.float32),
        jax.ShapeDtypeStruct((N_NODES, HALF), jnp.float32),
    ],
)

_final_call = pl.pallas_call(
    _final_body,
    grid=_GRID,
    in_specs=[_row_spec(1), _row_spec(1), _row_spec(HALF), _row_spec(HALF),
              _full_spec((1, DIM))],
    out_specs=_row_spec(DIM),
    out_shape=jax.ShapeDtypeStruct((N_NODES, DIM), jnp.float32),
)


def kernel(x, edge_index, W1, b1, W2, b2):
    src = edge_index[0].astype(jnp.int32)
    dst = edge_index[1].astype(jnp.int32)
    pad = E_PAD - N_EDGES
    src_p = jnp.concatenate([src, jnp.zeros((pad,), jnp.int32)])
    dst_p = jnp.concatenate([dst, jnp.full((pad,), N_NODES, jnp.int32)])
    ones = jnp.ones((CHUNK, DEGW), jnp.float32)
    zeros = jnp.zeros((N_NODES, DEGW), jnp.float32)

    deg0w, deg1w = _deg_call(dst_p, ones, zeros)
    deg0 = deg0w[:, :1]
    deg1 = deg1w[:, :1]
    b1r = b1.reshape(1, DIM)
    b2r = b2.reshape(1, DIM)

    hs0, hs1 = _mm1_call(deg0, deg1, x, W1)
    p0, p1 = _prop_call(hs0, hs1, src_p, dst_p)
    q0, q1 = _mm2_call(deg0, deg1, p0, p1, b1r, W2)
    r0, r1 = _prop_call(q0, q1, src_p, dst_p)
    return _final_call(deg0, deg1, r0, r1, b2r)

# --- scband reference (transcript-rebuilt; emitter-appended) ---
"""Pipeline reference for scband-subsequence-encoder-33741263077895 (READ-ONLY COPY).

The authoritative reference and input builder live on the scoring server;
editing this copy changes nothing except your own understanding.
"""

import jax, jax.numpy as jnp
import numpy as np

N_NODES = 10000
IN_DIM = 256
HID_DIM = 256
N_EDGES = 160000


def setup_inputs(seed: int = 0) -> dict:
    key = jax.random.key(seed)
    k_x, k_ei, k_w1, k_b1, k_w2, k_b2 = jax.random.split(key, 6)
    x = jax.random.normal(k_x, (N_NODES, IN_DIM), dtype=jnp.float32)
    edge_index = jax.random.randint(k_ei, (2, N_EDGES), 0, N_NODES, dtype=jnp.int64)
    # Glorot-style init for GCN weights, zeros for bias (PyG default)
    s1 = float(np.sqrt(6.0 / (IN_DIM + HID_DIM)))
    s2 = float(np.sqrt(6.0 / (HID_DIM + HID_DIM)))
    W1 = jax.random.uniform(k_w1, (IN_DIM, HID_DIM), minval=-s1, maxval=s1, dtype=jnp.float32)
    b1 = jnp.zeros((HID_DIM,), dtype=jnp.float32)
    W2 = jax.random.uniform(k_w2, (HID_DIM, HID_DIM), minval=-s2, maxval=s2, dtype=jnp.float32)
    b2 = jnp.zeros((HID_DIM,), dtype=jnp.float32)
    return {"x": x, "edge_index": edge_index, "W1": W1, "b1": b1, "W2": W2, "b2": b2}


def _gcn_conv(x, src, dst, W, b, num_nodes):
    # PyG GCNConv: x' = D^{-1/2} (A + I) D^{-1/2} X W + b
    # self loops already appended to src/dst by caller
    h = x @ W
    deg = jnp.zeros((num_nodes,), dtype=x.dtype).at[dst].add(1.0)
    deg_inv_sqrt = jnp.where(deg > 0, deg ** -0.5, 0.0)
    norm = deg_inv_sqrt[src] * deg_inv_sqrt[dst]
    msg = h[src] * norm[:, None]
    out = jnp.zeros((num_nodes, h.shape[1]), dtype=x.dtype).at[dst].add(msg)
    return out + b


def reference(x, edge_index, W1, b1, W2, b2):
    num_nodes = x.shape[0]
    loop = jnp.arange(num_nodes, dtype=edge_index.dtype)
    src = jnp.concatenate([edge_index[0], loop])
    dst = jnp.concatenate([edge_index[1], loop])
    h = _gcn_conv(x, src, dst, W1, b1, num_nodes)
    h = jax.nn.relu(h)
    out = _gcn_conv(h, src, dst, W2, b2, num_nodes)
    return out

if __name__ == "__main__":
    import jax
    _d = setup_inputs()
    print(jax.jit(kernel)(*tuple(_d.values())))

</pallas_src>

<mosaic_0001>
#map = affine_map<(d0, d1) -> (0, 0)>
#map1 = affine_map<(d0, d1) -> (0)>
module attributes {stable_mosaic.version = 14 : i64} {
  func.func @_prop_body(%arg0: i32, %arg1: i32, %arg2: memref<10000x128xf32, #tpu.memory_space<hbm>>, %arg3: memref<10000x128xf32, #tpu.memory_space<hbm>>, %arg4: memref<161792xi32, #tpu.memory_space<hbm>>, %arg5: memref<161792xi32, #tpu.memory_space<hbm>>, %arg6: memref<10000x128xf32, #tpu.memory_space<hbm>>, %arg7: memref<10000x128xf32, #tpu.memory_space<hbm>>, %arg8: memref<10008x128xf32, #tpu.memory_space<vmem_shared>>, %arg9: memref<128x128xf32, #tpu.memory_space<vmem>>, %arg10: memref<128x128xf32, #tpu.memory_space<vmem>>, %arg11: memref<128x128xf32, #tpu.memory_space<vmem>>, %arg12: memref<128xi32, #tpu.memory_space<vmem>>, %arg13: memref<128xi32, #tpu.memory_space<vmem>>, %arg14: memref<128xi32, #tpu.memory_space<vmem>>, %arg15: memref<128xi32, #tpu.memory_space<vmem>>, %arg16: memref<128xi32, #tpu.memory_space<vmem>>, %arg17: memref<128xi32, #tpu.memory_space<vmem>>, %arg18: memref<!tpu.dma_semaphore, #tpu.memory_space<semaphore_mem>>, %arg19: memref<!tpu.dma_semaphore, #tpu.memory_space<semaphore_mem>>, %arg20: memref<!tpu.dma_semaphore, #tpu.memory_space<semaphore_mem>>, %arg21: memref<!tpu.dma_semaphore, #tpu.memory_space<semaphore_mem>>, %arg22: memref<!tpu.dma_semaphore, #tpu.memory_space<semaphore_mem>>, %arg23: memref<!tpu.dma_semaphore, #tpu.memory_space<semaphore_mem>>, %arg24: memref<!tpu.dma_semaphore, #tpu.memory_space<semaphore_mem>>, %arg25: memref<!tpu.dma_semaphore, #tpu.memory_space<semaphore_mem>>, %arg26: memref<!tpu.dma_semaphore, #tpu.memory_space<semaphore_mem>>, %arg27: memref<!tpu.dma_semaphore, #tpu.memory_space<semaphore_mem>>, %arg28: memref<!tpu.dma_semaphore, #tpu.memory_space<semaphore_mem>>, %arg29: memref<!tpu.dma_semaphore, #tpu.memory_space<semaphore_mem>>) attributes {dimension_semantics = [#tpu.dimension_semantics<core_parallel>, #tpu.dimension_semantics<subcore_parallel>], iteration_bounds = array<i64: 2, 16>, scalar_prefetch = 0 : i64, scratch_operands = 22 : i64, tpu.core_type = #tpu.core_type<sc_vector_subcore>, window_params = [{transform_indices = #map}, {transform_indices = #map}, {transform_indices = #map1}, {transform_indices = #map1}, {transform_indices = #map}, {transform_indices = #map}]} {
    %eq3A = arith.constant 0 : i32
    %eq3A_0 = arith.cmpi eq, %arg0, %eq3A : i32
    %convert_element_type3A = arith.extui %eq3A_0 : i1 to i32
    %cond3A = arith.constant 0 : i32
    %cond3A_1 = arith.cmpi ne, %convert_element_type3A, %cond3A : i32
    scf.if %cond3A_1 {
      %lt3A = arith.constant 15 : i32
      %lt3A_7 = arith.cmpi slt, %arg1, %lt3A : i32
      %convert_element_type3A_8 = arith.extui %lt3A_7 : i1 to i32
      %cond3A_9 = arith.constant 0 : i32
      %cond3A_10 = arith.cmpi ne, %convert_element_type3A_8, %cond3A_9 : i32
      scf.if %cond3A_10 {
        %mul3A_57 = arith.constant 632 : i32
        %mul3A_58 = arith.muli %arg1, %mul3A_57 : i32
        %multiple_of3A_59 = tpu.assume_multiple %mul3A_58, 8 : i32
        "tpu.region"() ({
          %run_scoped3A = tpu.sem_alloc : memref<!tpu.dma_semaphore, #tpu.memory_space<semaphore_mem>>
          %dma_start3A_60 = arith.constant 0 : i32
          %dma_start3A_61 = tpu.memref_slice %arg8[%multiple_of3A_59, %dma_start3A_60] : memref<10008x128xf32, #tpu.memory_space<vmem_shared>> -> memref<632x128xf32, #tpu.memory_space<vmem_shared>>
          %dma_start3A_62 = arith.constant 0 : i32
          %dma_start3A_63 = tpu.memref_slice %arg2[%multiple_of3A_59, %dma_start3A_62] : memref<10000x128xf32, #tpu.memory_space<hbm>> -> memref<632x128xf32, #tpu.memory_space<hbm>>
          tpu.enqueue_dma source(%dma_start3A_63 : memref<632x128xf32, #tpu.memory_space<hbm>>) target(%dma_start3A_61 : memref<632x128xf32, #tpu.memory_space<vmem_shared>>) target_semaphore(%run_scoped3A : memref<!tpu.dma_semaphore, #tpu.memory_space<semaphore_mem>>)
          %dma_wait3A_64 = arith.constant 0 : i32
          %dma_wait3A_65 = tpu.memref_slice %arg8[%multiple_of3A_59, %dma_wait3A_64] : memref<10008x128xf32, #tpu.memory_space<vmem_shared>> -> memref<632x128xf32, #tpu.memory_space<vmem_shared>>
          %dma_wait3A_66 = arith.constant 0 : i32
          %dma_wait3A_67 = tpu.memref_slice %arg2[%multiple_of3A_59, %dma_wait3A_66] : memref<10000x128xf32, #tpu.memory_space<hbm>> -> memref<632x128xf32, #tpu.memory_space<hbm>>
          tpu.wait_dma2 semaphore(%run_scoped3A : memref<!tpu.dma_semaphore, #tpu.memory_space<semaphore_mem>>) src(%dma_wait3A_67 : memref<632x128xf32, #tpu.memory_space<hbm>>) dst(%dma_wait3A_65 : memref<632x128xf32, #tpu.memory_space<vmem_shared>>)
          tpu.yield
        }) : () -> ()
      } else {
      }
      %eq3A_11 = arith.constant 15 : i32
      %eq3A_12 = arith.cmpi eq, %arg1, %eq3A_11 : i32
      %convert_element_type3A_13 = arith.extui %eq3A_12 : i1 to i32
      %cond3A_14 = arith.constant 0 : i32
      %cond3A_15 = arith.cmpi ne, %convert_element_type3A_13, %cond3A_14 : i32
      scf.if %cond3A_15 {
        "tpu.region"() ({
          %run_scoped3A = tpu.sem_alloc : memref<!tpu.dma_semaphore, #tpu.memory_space<semaphore_mem>>
          %dma_start3A_57 = arith.constant 9480 : i32
          %dma_start3A_58 = arith.constant 0 : i32
          %dma_start3A_59 = tpu.memref_slice %arg8[%dma_start3A_57, %dma_start3A_58] : memref<10008x128xf32, #tpu.memory_space<vmem_shared>> -> memref<520x128xf32, #tpu.memory_space<vmem_shared>>
          %dma_start3A_60 = arith.constant 9480 : i32
          %dma_start3A_61 = arith.constant 0 : i32
          %dma_start3A_62 = tpu.memref_slice %arg2[%dma_start3A_60, %dma_start3A_61] : memref<10000x128xf32, #tpu.memory_space<hbm>> -> memref<520x128xf32, #tpu.memory_space<hbm>>
          tpu.enqueue_dma source(%dma_start3A_62 : memref<520x128xf32, #tpu.memory_space<hbm>>) target(%dma_start3A_59 : memref<520x128xf32, #tpu.memory_space<vmem_shared>>) target_semaphore(%run_scoped3A : memref<!tpu.dma_semaphore, #tpu.memory_space<semaphore_mem>>)
          %dma_wait3A_63 = arith.constant 9480 : i32
          %dma_wait3A_64 = arith.constant 0 : i32
          %dma_wait3A_65 = tpu.memref_slice %arg8[%dma_wait3A_63, %dma_wait3A_64] : memref<10008x128xf32, #tpu.memory_space<vmem_shared>> -> memref<520x128xf32, #tpu.memory_space<vmem_shared>>
          %dma_wait3A_66 = arith.constant 9480 : i32
          %dma_wait3A_67 = arith.constant 0 : i32
          %dma_wait3A_68 = tpu.memref_slice %arg2[%dma_wait3A_66, %dma_wait3A_67] : memref<10000x128xf32, #tpu.memory_space<hbm>> -> memref<520x128xf32, #tpu.memory_space<hbm>>
          tpu.wait_dma2 semaphore(%run_scoped3A : memref<!tpu.dma_semaphore, #tpu.memory_space<semaphore_mem>>) src(%dma_wait3A_68 : memref<520x128xf32, #tpu.memory_space<hbm>>) dst(%dma_wait3A_65 : memref<520x128xf32, #tpu.memory_space<vmem_shared>>)
          tpu.yield
        }) : () -> ()
      } else {
      }
      %barrier3A = arith.constant 0 : index
      tpu.barrier barrier_id(%barrier3A)
      %mul3A = arith.constant 10112 : i32
      %mul3A_16 = arith.muli %arg1, %mul3A : i32
      %multiple_of3A = tpu.assume_multiple %mul3A_16, 128 : i32
      %add3A = arith.constant 0 : i32
      %add3A_17 = arith.addi %multiple_of3A, %add3A : i32
      %multiple_of3A_18 = tpu.assume_multiple %add3A_17, 128 : i32
      %dma_start3A = tpu.memref_slice %arg4[%multiple_of3A_18] : memref<161792xi32, #tpu.memory_space<hbm>> -> memref<128xi32, #tpu.memory_space<hbm>>
      %dma_start3A_19 = tpu.memref_slice %arg4[%multiple_of3A_18] : memref<161792xi32, #tpu.memory_space<hbm>> -> memref<128xi32, #tpu.memory_space<hbm>>
      tpu.enqueue_dma source(%dma_start3A_19 : memref<128xi32, #tpu.memory_space<hbm>>) target(%arg12 : memref<128xi32, #tpu.memory_space<vmem>>) target_semaphore(%arg24 : memref<!tpu.dma_semaphore, #tpu.memory_space<semaphore_mem>>)
      %add3A_20 = arith.constant 128 : i32
      %add3A_21 = arith.addi %multiple_of3A, %add3A_20 : i32
      %multiple_of3A_22 = tpu.assume_multiple %add3A_21, 128 : i32
      %dma_start3A_23 = tpu.memref_slice %arg4[%multiple_of3A_22] : memref<161792xi32, #tpu.memory_space<hbm>> -> memref<128xi32, #tpu.memory_space<hbm>>
      %dma_start3A_24 = tpu.memref_slice %arg4[%multiple_of3A_22] : memref<161792xi32, #tpu.memory_space<hbm>> -> memref<128xi32, #tpu.memory_space<hbm>>
      tpu.enqueue_dma source(%dma_start3A_24 : memref<128xi32, #tpu.memory_space<hbm>>) target(%arg13 : memref<128xi32, #tpu.memory_space<vmem>>) target_semaphore(%arg25 : memref<!tpu.dma_semaphore, #tpu.memory_space<semaphore_mem>>)
      %add3A_25 = arith.constant 256 : i32
      %add3A_26 = arith.addi %multiple_of3A, %add3A_25 : i32
      %multiple_of3A_27 = tpu.assume_multiple %add3A_26, 128 : i32
      %dma_start3A_28 = tpu.memref_slice %arg4[%multiple_of3A_27] : memref<161792xi32, #tpu.memory_space<hbm>> -> memref<128xi32, #tpu.memory_space<hbm>>
      %dma_start3A_29 = tpu.memref_slice %arg4[%multiple_of3A_27] : memref<161792xi32, #tpu.memory_space<hbm>> -> memref<128xi32, #tpu.memory_space<hbm>>
      tpu.enqueue_dma source(%dma_start3A_29 : memref<128xi32, #tpu.memory_space<hbm>>) target(%arg14 : memref<128xi32, #tpu.memory_space<vmem>>) target_semaphore(%arg26 : memref<!tpu.dma_semaphore, #tpu.memory_space<semaphore_mem>>)
      %add3A_30 = arith.constant 0 : i32
      %add3A_31 = arith.addi %multiple_of3A, %add3A_30 : i32
      %multiple_of3A_32 = tpu.assume_multiple %add3A_31, 128 : i32
      %dma_start3A_33 = tpu.memref_slice %arg5[%multiple_of3A_32] : memref<161792xi32, #tpu.memory_space<hbm>> -> memref<128xi32, #tpu.memory_space<hbm>>
      %dma_start3A_34 = tpu.memref_slice %arg5[%multiple_of3A_32] : memref<161792xi32, #tpu.memory_space<hbm>> -> memref<128xi32, #tpu.memory_space<hbm>>
      tpu.enqueue_dma source(%dma_start3A_34 : memref<128xi32, #tpu.memory_space<hbm>>) target(%arg15 : memref<128xi32, #tpu.memory_space<vmem>>) target_semaphore(%arg27 : memref<!tpu.dma_semaphore, #tpu.memory_space<semaphore_mem>>)
      %add3A_35 = arith.constant 0 : i32
      %add3A_36 = arith.addi %multiple_of3A, %add3A_35 : i32
      %multiple_of3A_37 = tpu.assume_multiple %add3A_36, 128 : i32
      %dma_wait3A = tpu.memref_slice %arg4[%multiple_of3A_37] : memref<161792xi32, #tpu.memory_space<hbm>> -> memref<128xi32, #tpu.memory_space<hbm>>
      %dma_wait3A_38 = tpu.memref_slice %arg4[%multiple_of3A_37] : memref<161792xi32, #tpu.memory_space<hbm>> -> memref<128xi32, #tpu.memory_space<hbm>>
      tpu.wait_dma2 semaphore(%arg24 : memref<!tpu.dma_semaphore, #tpu.memory_space<semaphore_mem>>) src(%dma_wait3A_38 : memref<128xi32, #tpu.memory_space<hbm>>) dst(%arg12 : memref<128xi32, #tpu.memory_space<vmem>>)
      %dma_start3A_39 = arith.constant 0 : i32
      %dma_start3A_40 = arith.constant 0 : i32
      %dma_start3A_41 = tpu.memref_slice %arg2[%dma_start3A_39, %dma_start3A_40] : memref<10000x128xf32, #tpu.memory_space<hbm>> -> memref<10000x128xf32, #tpu.memory_space<hbm>>
      tpu.enqueue_indirect_dma source(%dma_start3A_41 : memref<10000x128xf32, #tpu.memory_space<hbm>>) target(%arg9 : memref<128x128xf32, #tpu.memory_space<vmem>>) offsets(%arg12 : memref<128xi32, #tpu.memory_space<vmem>>) semaphore(%arg18 : memref<!tpu.dma_semaphore, #tpu.memory_space<semaphore_mem>>)
      %scan3A = arith.constant 0 : i32
      %scan3A_42 = arith.constant 28 : i32
      %scan3A_43 = arith.addi %scan3A, %scan3A_42 : i32
      %scan3A_44 = arith.constant 1 : i32
      scf.for %scan3A_57 = %scan3A to %scan3A_43 step %scan3A_44  : i32 {
        %mul3A_58 = arith.constant 1 : i32
        %mul3A_59 = arith.muli %scan3A_57, %mul3A_58 : i32
        %add3A_60 = arith.constant 0 : i32
        %add3A_61 = arith.addi %add3A_60, %mul3A_59 : i32
        %mul3A_62 = arith.constant 3 : i32
        %mul3A_63 = arith.muli %add3A_61, %mul3A_62 : i32
        %add3A_64 = arith.constant 0 : i32
        %add3A_65 = arith.addi %mul3A_63, %add3A_64 : i32
        %ge3A = arith.constant 2 : i32
        %ge3A_66 = arith.cmpi sge, %add3A_65, %ge3A : i32
        %lt3A_67 = arith.constant 81 : i32
        %lt3A_68 = arith.cmpi slt, %add3A_65, %lt3A_67 : i32
        %and3A = arith.andi %ge3A_66, %lt3A_68 : i1
        %convert_element_type3A_69 = arith.extui %and3A : i1 to i32
        %cond3A_70 = arith.constant 0 : i32
        %cond3A_71 = arith.cmpi ne, %convert_element_type3A_69, %cond3A_70 : i32
        scf.if %cond3A_71 {
          %sub3A = arith.constant 2 : i32
          %sub3A_132 = arith.subi %add3A_65, %sub3A : i32
          %dma_wait3A_133 = arith.constant 0 : i32
          %dma_wait3A_134 = arith.constant 0 : i32
          %dma_wait3A_135 = tpu.memref_slice %arg8[%dma_wait3A_133, %dma_wait3A_134] : memref<10008x128xf32, #tpu.memory_space<vmem_shared>> -> memref<10008x128xf32, #tpu.memory_space<vmem_shared>>
          tpu.wait_indirect_dma semaphore(%arg22 : memref<!tpu.dma_semaphore, #tpu.memory_space<semaphore_mem>>) src(%arg10 : memref<128x128xf32, #tpu.memory_space<vmem>>) dst(%dma_wait3A_135 : memref<10008x128xf32, #tpu.memory_space<vmem_shared>>)
        } else {
        }
        %add3A_72 = arith.constant 1 : i32
        %add3A_73 = arith.addi %add3A_65, %add3A_72 : i32
        %lt3A_74 = arith.constant 79 : i32
        %lt3A_75 = arith.cmpi slt, %add3A_73, %lt3A_74 : i32
        %convert_element_type3A_76 = arith.extui %lt3A_75 : i1 to i32
        %cond3A_77 = arith.constant 0 : i32
        %cond3A_78 = arith.cmpi ne, %convert_element_type3A_76, %cond3A_77 : i32
        scf.if %cond3A_78 {
          %add3A_132 = arith.constant 1 : i32
          %add3A_133 = arith.addi %add3A_65, %add3A_132 : i32
          %mul3A_134 = arith.constant 128 : i32
          %mul3A_135 = arith.muli %add3A_133, %mul3A_134 : i32
          %add3A_136 = arith.addi %multiple_of3A, %mul3A_135 : i32
          %multiple_of3A_137 = tpu.assume_multiple %add3A_136, 128 : i32
          %dma_start3A_138 = tpu.memref_slice %arg5[%multiple_of3A_137] : memref<161792xi32, #tpu.memory_space<hbm>> -> memref<128xi32, #tpu.memory_space<hbm>>
          %dma_start3A_139 = tpu.memref_slice %arg5[%multiple_of3A_137] : memref<161792xi32, #tpu.memory_space<hbm>> -> memref<128xi32, #tpu.memory_space<hbm>>
          tpu.enqueue_dma source(%dma_start3A_139 : memref<128xi32, #tpu.memory_space<hbm>>) target(%arg16 : memref<128xi32, #tpu.memory_space<vmem>>) target_semaphore(%arg28 : memref<!tpu.dma_semaphore, #tpu.memory_space<semaphore_mem>>)
          %add3A_140 = arith.constant 1 : i32
          %add3A_141 = arith.addi %add3A_65, %add3A_140 : i32
          %mul3A_142 = arith.constant 128 : i32
          %mul3A_143 = arith.muli %add3A_141, %mul3A_142 : i32
          %add3A_144 = arith.addi %multiple_of3A, %mul3A_143 : i32
          %multiple_of3A_145 = tpu.assume_multiple %add3A_144, 128 : i32
          %dma_wait3A_146 = tpu.memref_slice %arg4[%multiple_of3A_145] : memref<161792xi32, #tpu.memory_space<hbm>> -> memref<128xi32, #tpu.memory_space<hbm>>
          %dma_wait3A_147 = tpu.memref_slice %arg4[%multiple_of3A_145] : memref<161792xi32, #tpu.memory_space<hbm>> -> memref<128xi32, #tpu.memory_space<hbm>>
          tpu.wait_dma2 semaphore(%arg25 : memref<!tpu.dma_semaphore, #tpu.memory_space<semaphore_mem>>) src(%dma_wait3A_147 : memref<128xi32, #tpu.memory_space<hbm>>) dst(%arg13 : memref<128xi32, #tpu.memory_space<vmem>>)
          %add3A_148 = arith.constant 1 : i32
          %add3A_149 = arith.addi %add3A_65, %add3A_148 : i32
          %dma_start3A_150 = arith.constant 0 : i32
          %dma_start3A_151 = arith.constant 0 : i32
          %dma_start3A_152 = tpu.memref_slice %arg2[%dma_start3A_150, %dma_start3A_151] : memref<10000x128xf32, #tpu.memory_space<hbm>> -> memref<10000x128xf32, #tpu.memory_space<hbm>>
          tpu.enqueue_indirect_dma source(%dma_start3A_152 : memref<10000x128xf32, #tpu.memory_space<hbm>>) target(%arg10 : memref<128x128xf32, #tpu.memory_space<vmem>>) offsets(%arg13 : memref<128xi32, #tpu.memory_space<vmem>>) semaphore(%arg19 : memref<!tpu.dma_semaphore, #tpu.memory_space<semaphore_mem>>)
        } else {
        }
        %lt3A_79 = arith.constant 79 : i32
        %lt3A_80 = arith.cmpi slt, %add3A_65, %lt3A_79 : i32
        %convert_element_type3A_81 = arith.extui %lt3A_80 : i1 to i32
        %cond3A_82 = arith.constant 0 : i32
        %cond3A_83 = arith.cmpi ne, %convert_element_type3A_81, %cond3A_82 : i32
        scf.if %cond3A_83 {
          %dma_wait3A_132 = arith.constant 0 : i32
          %dma_wait3A_133 = arith.constant 0 : i32
          %dma_wait3A_134 = tpu.memref_slice %arg2[%dma_wait3A_132, %dma_wait3A_133] : memref<10000x128xf32, #tpu.memory_space<hbm>> -> memref<10000x128xf32, #tpu.memory_space<hbm>>
          tpu.wait_indirect_dma semaphore(%arg18 : memref<!tpu.dma_semaphore, #tpu.memory_space<semaphore_mem>>) src(%dma_wait3A_134 : memref<10000x128xf32, #tpu.memory_space<hbm>>) dst(%arg9 : memref<128x128xf32, #tpu.memory_space<vmem>>)
          %add3A_135 = arith.constant 3 : i32
          %add3A_136 = arith.addi %add3A_65, %add3A_135 : i32
          %lt3A_137 = arith.constant 79 : i32
          %lt3A_138 = arith.cmpi slt, %add3A_136, %lt3A_137 : i32
          %convert_element_type3A_139 = arith.extui %lt3A_138 : i1 to i32
          %cond3A_140 = arith.constant 0 : i32
          %cond3A_141 = arith.cmpi ne, %convert_element_type3A_139, %cond3A_140 : i32
          scf.if %cond3A_141 {
            %add3A_151 = arith.constant 3 : i32
            %add3A_152 = arith.addi %add3A_65, %add3A_151 : i32
            %mul3A_153 = arith.constant 128 : i32
            %mul3A_154 = arith.muli %add3A_152, %mul3A_153 : i32
            %add3A_155 = arith.addi %multiple_of3A, %mul3A_154 : i32
            %multiple_of3A_156 = tpu.assume_multiple %add3A_155, 128 : i32
            %dma_start3A_157 = tpu.memref_slice %arg4[%multiple_of3A_156] : memref<161792xi32, #tpu.memory_space<hbm>> -> memref<128xi32, #tpu.memory_space<hbm>>
            %dma_start3A_158 = tpu.memref_slice %arg4[%multiple_of3A_156] : memref<161792xi32, #tpu.memory_space<hbm>> -> memref<128xi32, #tpu.memory_space<hbm>>
            tpu.enqueue_dma source(%dma_start3A_158 : memref<128xi32, #tpu.memory_space<hbm>>) target(%arg12 : memref<128xi32, #tpu.memory_space<vmem>>) target_semaphore(%arg24 : memref<!tpu.dma_semaphore, #tpu.memory_space<semaphore_mem>>)
          } else {
          }
          %mul3A_142 = arith.constant 128 : i32
          %mul3A_143 = arith.muli %add3A_65, %mul3A_142 : i32
          %add3A_144 = arith.addi %multiple_of3A, %mul3A_143 : i32
          %multiple_of3A_145 = tpu.assume_multiple %add3A_144, 128 : i32
          %dma_wait3A_146 = tpu.memref_slice %arg5[%multiple_of3A_145] : memref<161792xi32, #tpu.memory_space<hbm>> -> memref<128xi32, #tpu.memory_space<hbm>>
          %dma_wait3A_147 = tpu.memref_slice %arg5[%multiple_of3A_145] : memref<161792xi32, #tpu.memory_space<hbm>> -> memref<128xi32, #tpu.memory_space<hbm>>
          tpu.wait_dma2 semaphore(%arg27 : memref<!tpu.dma_semaphore, #tpu.memory_space<semaphore_mem>>) src(%dma_wait3A_147 : memref<128xi32, #tpu.memory_space<hbm>>) dst(%arg15 : memref<128xi32, #tpu.memory_space<vmem>>)
          %dma_start3A_148 = arith.constant 0 : i32
          %dma_start3A_149 = arith.constant 0 : i32
          %dma_start3A_150 = tpu.memref_slice %arg8[%dma_start3A_148, %dma_start3A_149] : memref<10008x128xf32, #tpu.memory_space<vmem_shared>> -> memref<10008x128xf32, #tpu.memory_space<vmem_shared>>
          tpu.enqueue_indirect_dma source(%arg9 : memref<128x128xf32, #tpu.memory_space<vmem>>) target(%dma_start3A_150 : memref<10008x128xf32, #tpu.memory_space<vmem_shared>>) offsets(%arg15 : memref<128xi32, #tpu.memory_space<vmem>>) semaphore(%arg21 : memref<!tpu.dma_semaphore, #tpu.memory_space<semaphore_mem>>) {add = true}
        } else {
        }
        %mul3A_84 = arith.constant 3 : i32
        %mul3A_85 = arith.muli %add3A_61, %mul3A_84 : i32
        %add3A_86 = arith.constant 1 : i32
        %add3A_87 = arith.addi %mul3A_85, %add3A_86 : i32
        %ge3A_88 = arith.constant 2 : i32
        %ge3A_89 = arith.cmpi sge, %add3A_87, %ge3A_88 : i32
        %lt3A_90 = arith.constant 81 : i32
        %lt3A_91 = arith.cmpi slt, %add3A_87, %lt3A_90 : i32
        %and3A_92 = arith.andi %ge3A_89, %lt3A_91 : i1
        %convert_element_type3A_93 = arith.extui %and3A_92 : i1 to i32
        %cond3A_94 = arith.constant 0 : i32
        %cond3A_95 = arith.cmpi ne, %convert_element_type3A_93, %cond3A_94 : i32
        scf.if %cond3A_95 {
          %sub3A = arith.constant 2 : i32
          %sub3A_132 = arith.subi %add3A_87, %sub3A : i32
          %dma_wait3A_133 = arith.constant 0 : i32
          %dma_wait3A_134 = arith.constant 0 : i32
          %dma_wait3A_135 = tpu.memref_slice %arg8[%dma_wait3A_133, %dma_wait3A_134] : memref<10008x128xf32, #tpu.memory_space<vmem_shared>> -> memref<10008x128xf32, #tpu.memory_space<vmem_shared>>
          tpu.wait_indirect_dma semaphore(%arg23 : memref<!tpu.dma_semaphore, #tpu.memory_space<semaphore_mem>>) src(%arg11 : memref<128x128xf32, #tpu.memory_space<vmem>>) dst(%dma_wait3A_135 : memref<10008x128xf32, #tpu.memory_space<vmem_shared>>)
        } else {
        }
        %add3A_96 = arith.constant 1 : i32
        %add3A_97 = arith.addi %add3A_87, %add3A_96 : i32
        %lt3A_98 = arith.constant 79 : i32
        %lt3A_99 = arith.cmpi slt, %add3A_97, %lt3A_98 : i32
        %convert_element_type3A_100 = arith.extui %lt3A_99 : i1 to i32
        %cond3A_101 = arith.constant 0 : i32
        %cond3A_102 = arith.cmpi ne, %convert_element_type3A_100, %cond3A_101 : i32
        scf.if %cond3A_102 {
          %add3A_132 = arith.constant 1 : i32
          %add3A_133 = arith.addi %add3A_87, %add3A_132 : i32
          %mul3A_134 = arith.constant 128 : i32
          %mul3A_135 = arith.muli %add3A_133, %mul3A_134 : i32
          %add3A_136 = arith.addi %multiple_of3A, %mul3A_135 : i32
          %multiple_of3A_137 = tpu.assume_multiple %add3A_136, 128 : i32
          %dma_start3A_138 = tpu.memref_slice %arg5[%multiple_of3A_137] : memref<161792xi32, #tpu.memory_space<hbm>> -> memref<128xi32, #tpu.memory_space<hbm>>
          %dma_start3A_139 = tpu.memref_slice %arg5[%multiple_of3A_137] : memref<161792xi32, #tpu.memory_space<hbm>> -> memref<128xi32, #tpu.memory_space<hbm>>
          tpu.enqueue_dma source(%dma_start3A_139 : memref<128xi32, #tpu.memory_space<hbm>>) target(%arg17 : memref<128xi32, #tpu.memory_space<vmem>>) target_semaphore(%arg29 : memref<!tpu.dma_semaphore, #tpu.memory_space<semaphore_mem>>)
          %add3A_140 = arith.constant 1 : i32
          %add3A_141 = arith.addi %add3A_87, %add3A_140 : i32
          %mul3A_142 = arith.constant 128 : i32
          %mul3A_143 = arith.muli %add3A_141, %mul3A_142 : i32
          %add3A_144 = arith.addi %multiple_of3A, %mul3A_143 : i32
          %multiple_of3A_145 = tpu.assume_multiple %add3A_144, 128 : i32
          %dma_wait3A_146 = tpu.memref_slice %arg4[%multiple_of3A_145] : memref<161792xi32, #tpu.memory_space<hbm>> -> memref<128xi32, #tpu.memory_space<hbm>>
          %dma_wait3A_147 = tpu.memref_slice %arg4[%multiple_of3A_145] : memref<161792xi32, #tpu.memory_space<hbm>> -> memref<128xi32, #tpu.memory_space<hbm>>
          tpu.wait_dma2 semaphore(%arg26 : memref<!tpu.dma_semaphore, #tpu.memory_space<semaphore_mem>>) src(%dma_wait3A_147 : memref<128xi32, #tpu.memory_space<hbm>>) dst(%arg14 : memref<128xi32, #tpu.memory_space<vmem>>)
          %add3A_148 = arith.constant 1 : i32
          %add3A_149 = arith.addi %add3A_87, %add3A_148 : i32
          %dma_start3A_150 = arith.constant 0 : i32
          %dma_start3A_151 = arith.constant 0 : i32
          %dma_start3A_152 = tpu.memref_slice %arg2[%dma_start3A_150, %dma_start3A_151] : memref<10000x128xf32, #tpu.memory_space<hbm>> -> memref<10000x128xf32, #tpu.memory_space<hbm>>
          tpu.enqueue_indirect_dma source(%dma_start3A_152 : memref<10000x128xf32, #tpu.memory_space<hbm>>) target(%arg11 : memref<128x128xf32, #tpu.memory_space<vmem>>) offsets(%arg14 : memref<128xi32, #tpu.memory_space<vmem>>) semaphore(%arg20 : memref<!tpu.dma_semaphore, #tpu.memory_space<semaphore_mem>>)
        } else {
        }
        %lt3A_103 = arith.constant 79 : i32
        %lt3A_104 = arith.cmpi slt, %add3A_87, %lt3A_103 : i32
        %convert_element_type3A_105 = arith.extui %lt3A_104 : i1 to i32
        %cond3A_106 = arith.constant 0 : i32
        %cond3A_107 = arith.cmpi ne, %convert_element_type3A_105, %cond3A_106 : i32
        scf.if %cond3A_107 {
          %dma_wait3A_132 = arith.constant 0 : i32
          %dma_wait3A_133 = arith.constant 0 : i32
          %dma_wait3A_134 = tpu.memref_slice %arg2[%dma_wait3A_132, %dma_wait3A_133] : memref<10000x128xf32, #tpu.memory_space<hbm>> -> memref<10000x128xf32, #tpu.memory_space<hbm>>
          tpu.wait_indirect_dma semaphore(%arg19 : memref<!tpu.dma_semaphore, #tpu.memory_space<semaphore_mem>>) src(%dma_wait3A_134 : memref<10000x128xf32, #tpu.memory_space<hbm>>) dst(%arg10 : memref<128x128xf32, #tpu.memory_space<vmem>>)
          %add3A_135 = arith.constant 3 : i32
          %add3A_136 = arith.addi %add3A_87, %add3A_135 : i32
          %lt3A_137 = arith.constant 79 : i32
          %lt3A_138 = arith.cmpi slt, %add3A_136, %lt3A_137 : i32
          %convert_element_type3A_139 = arith.extui %lt3A_138 : i1 to i32
          %cond3A_140 = arith.constant 0 : i32
          %cond3A_141 = arith.cmpi ne, %convert_element_type3A_139, %cond3A_140 : i32
          scf.if %cond3A_141 {
            %add3A_151 = arith.constant 3 : i32
            %add3A_152 = arith.addi %add3A_87, %add3A_151 : i32
            %mul3A_153 = arith.constant 128 : i32
            %mul3A_154 = arith.muli %add3A_152, %mul3A_153 : i32
            %add3A_155 = arith.addi %multiple_of3A, %mul3A_154 : i32
            %multiple_of3A_156 = tpu.assume_multiple %add3A_155, 128 : i32
            %dma_start3A_157 = tpu.memref_slice %arg4[%multiple_of3A_156] : memref<161792xi32, #tpu.memory_space<hbm>> -> memref<128xi32, #tpu.memory_space<hbm>>
            %dma_start3A_158 = tpu.memref_slice %arg4[%multiple_of3A_156] : memref<161792xi32, #tpu.memory_space<hbm>> -> memref<128xi32, #tpu.memory_space<hbm>>
            tpu.enqueue_dma source(%dma_start3A_158 : memref<128xi32, #tpu.memory_space<hbm>>) target(%arg13 : memref<128xi32, #tpu.memory_space<vmem>>) target_semaphore(%arg25 : memref<!tpu.dma_semaphore, #tpu.memory_space<semaphore_mem>>)
          } else {
          }
          %mul3A_142 = arith.constant 128 : i32
          %mul3A_143 = arith.muli %add3A_87, %mul3A_142 : i32
          %add3A_144 = arith.addi %multiple_of3A, %mul3A_143 : i32
          %multiple_of3A_145 = tpu.assume_multiple %add3A_144, 128 : i32
          %dma_wait3A_146 = tpu.memref_slice %arg5[%multiple_of3A_145] : memref<161792xi32, #tpu.memory_space<hbm>> -> memref<128xi32, #tpu.memory_space<hbm>>
          %dma_wait3A_147 = tpu.memref_slice %arg5[%multiple_of3A_145] : memref<161792xi32, #tpu.memory_space<hbm>> -> memref<128xi32, #tpu.memory_space<hbm>>
          tpu.wait_dma2 semaphore(%arg28 : memref<!tpu.dma_semaphore, #tpu.memory_space<semaphore_mem>>) src(%dma_wait3A_147 : memref<128xi32, #tpu.memory_space<hbm>>) dst(%arg16 : memref<128xi32, #tpu.memory_space<vmem>>)
          %dma_start3A_148 = arith.constant 0 : i32
          %dma_start3A_149 = arith.constant 0 : i32
          %dma_start3A_150 = tpu.memref_slice %arg8[%dma_start3A_148, %dma_start3A_149] : memref<10008x128xf32, #tpu.memory_space<vmem_shared>> -> memref<10008x128xf32, #tpu.memory_space<vmem_shared>>
          tpu.enqueue_indirect_dma source(%arg10 : memref<128x128xf32, #tpu.memory_space<vmem>>) target(%dma_start3A_150 : memref<10008x128xf32, #tpu.memory_space<vmem_shared>>) offsets(%arg16 : memref<128xi32, #tpu.memory_space<vmem>>) semaphore(%arg22 : memref<!tpu.dma_semaphore, #tpu.memory_space<semaphore_mem>>) {add = true}
        } else {
        }
        %mul3A_108 = arith.constant 3 : i32
        %mul3A_109 = arith.muli %add3A_61, %mul3A_108 : i32
        %add3A_110 = arith.constant 2 : i32
        %add3A_111 = arith.addi %mul3A_109, %add3A_110 : i32
        %ge3A_112 = arith.constant 2 : i32
        %ge3A_113 = arith.cmpi sge, %add3A_111, %ge3A_112 : i32
        %lt3A_114 = arith.constant 81 : i32
        %lt3A_115 = arith.cmpi slt, %add3A_111, %lt3A_114 : i32
        %and3A_116 = arith.andi %ge3A_113, %lt3A_115 : i1
        %convert_element_type3A_117 = arith.extui %and3A_116 : i1 to i32
        %cond3A_118 = arith.constant 0 : i32
        %cond3A_119 = arith.cmpi ne, %convert_element_type3A_117, %cond3A_118 : i32
        scf.if %cond3A_119 {
          %sub3A = arith.constant 2 : i32
          %sub3A_132 = arith.subi %add3A_111, %sub3A : i32
          %dma_wait3A_133 = arith.constant 0 : i32
          %dma_wait3A_134 = arith.constant 0 : i32
          %dma_wait3A_135 = tpu.memref_slice %arg8[%dma_wait3A_133, %dma_wait3A_134] : memref<10008x128xf32, #tpu.memory_space<vmem_shared>> -> memref<10008x128xf32, #tpu.memory_space<vmem_shared>>
          tpu.wait_indirect_dma semaphore(%arg21 : memref<!tpu.dma_semaphore, #tpu.memory_space<semaphore_mem>>) src(%arg9 : memref<128x128xf32, #tpu.memory_space<vmem>>) dst(%dma_wait3A_135 : memref<10008x128xf32, #tpu.memory_space<vmem_shared>>)
        } else {
        }
        %add3A_120 = arith.constant 1 : i32
        %add3A_121 = arith.addi %add3A_111, %add3A_120 : i32
        %lt3A_122 = arith.constant 79 : i32
        %lt3A_123 = arith.cmpi slt, %add3A_121, %lt3A_122 : i32
        %convert_element_type3A_124 = arith.extui %lt3A_123 : i1 to i32
        %cond3A_125 = arith.constant 0 : i32
        %cond3A_126 = arith.cmpi ne, %convert_element_type3A_124, %cond3A_125 : i32
        scf.if %cond3A_126 {
          %add3A_132 = arith.constant 1 : i32
          %add3A_133 = arith.addi %add3A_111, %add3A_132 : i32
          %mul3A_134 = arith.constant 128 : i32
          %mul3A_135 = arith.muli %add3A_133, %mul3A_134 : i32
          %add3A_136 = arith.addi %multiple_of3A, %mul3A_135 : i32
          %multiple_of3A_137 = tpu.assume_multiple %add3A_136, 128 : i32
          %dma_start3A_138 = tpu.memref_slice %arg5[%multiple_of3A_137] : memref<161792xi32, #tpu.memory_space<hbm>> -> memref<128xi32, #tpu.memory_space<hbm>>
          %dma_start3A_139 = tpu.memref_slice %arg5[%multiple_of3A_137] : memref<161792xi32, #tpu.memory_space<hbm>> -> memref<128xi32, #tpu.memory_space<hbm>>
          tpu.enqueue_dma source(%dma_start3A_139 : memref<128xi32, #tpu.memory_space<hbm>>) target(%arg15 : memref<128xi32, #tpu.memory_space<vmem>>) target_semaphore(%arg27 : memref<!tpu.dma_semaphore, #tpu.memory_space<semaphore_mem>>)
          %add3A_140 = arith.constant 1 : i32
          %add3A_141 = arith.addi %add3A_111, %add3A_140 : i32
          %mul3A_142 = arith.constant 128 : i32
          %mul3A_143 = arith.muli %add3A_141, %mul3A_142 : i32
          %add3A_144 = arith.addi %multiple_of3A, %mul3A_143 : i32
          %multiple_of3A_145 = tpu.assume_multiple %add3A_144, 128 : i32
          %dma_wait3A_146 = tpu.memref_slice %arg4[%multiple_of3A_145] : memref<161792xi32, #tpu.memory_space<hbm>> -> memref<128xi32, #tpu.memory_space<hbm>>
          %dma_wait3A_147 = tpu.memref_slice %arg4[%multiple_of3A_145] : memref<161792xi32, #tpu.memory_space<hbm>> -> memref<128xi32, #tpu.memory_space<hbm>>
          tpu.wait_dma2 semaphore(%arg24 : memref<!tpu.dma_semaphore, #tpu.memory_space<semaphore_mem>>) src(%dma_wait3A_147 : memref<128xi32, #tpu.memory_space<hbm>>) dst(%arg12 : memref<128xi32, #tpu.memory_space<vmem>>)
          %add3A_148 = arith.constant 1 : i32
          %add3A_149 = arith.addi %add3A_111, %add3A_148 : i32
          %dma_start3A_150 = arith.constant 0 : i32
          %dma_start3A_151 = arith.constant 0 : i32
          %dma_start3A_152 = tpu.memref_slice %arg2[%dma_start3A_150, %dma_start3A_151] : memref<10000x128xf32, #tpu.memory_space<hbm>> -> memref<10000x128xf32, #tpu.memory_space<hbm>>
          tpu.enqueue_indirect_dma source(%dma_start3A_152 : memref<10000x128xf32, #tpu.memory_space<hbm>>) target(%arg9 : memref<128x128xf32, #tpu.memory_space<vmem>>) offsets(%arg12 : memref<128xi32, #tpu.memory_space<vmem>>) semaphore(%arg18 : memref<!tpu.dma_semaphore, #tpu.memory_space<semaphore_mem>>)
        } else {
        }
        %lt3A_127 = arith.constant 79 : i32
        %lt3A_128 = arith.cmpi slt, %add3A_111, %lt3A_127 : i32
        %convert_element_type3A_129 = arith.extui %lt3A_128 : i1 to i32
        %cond3A_130 = arith.constant 0 : i32
        %cond3A_131 = arith.cmpi ne, %convert_element_type3A_129, %cond3A_130 : i32
        scf.if %cond3A_131 {
          %dma_wait3A_132 = arith.constant 0 : i32
          %dma_wait3A_133 = arith.constant 0 : i32
          %dma_wait3A_134 = tpu.memref_slice %arg2[%dma_wait3A_132, %dma_wait3A_133] : memref<10000x128xf32, #tpu.memory_space<hbm>> -> memref<10000x128xf32, #tpu.memory_space<hbm>>
          tpu.wait_indirect_dma semaphore(%arg20 : memref<!tpu.dma_semaphore, #tpu.memory_space<semaphore_mem>>) src(%dma_wait3A_134 : memref<10000x128xf32, #tpu.memory_space<hbm>>) dst(%arg11 : memref<128x128xf32, #tpu.memory_space<vmem>>)
          %add3A_135 = arith.constant 3 : i32
          %add3A_136 = arith.addi %add3A_111, %add3A_135 : i32
          %lt3A_137 = arith.constant 79 : i32
          %lt3A_138 = arith.cmpi slt, %add3A_136, %lt3A_137 : i32
          %convert_element_type3A_139 = arith.extui %lt3A_138 : i1 to i32
          %cond3A_140 = arith.constant 0 : i32
          %cond3A_141 = arith.cmpi ne, %convert_element_type3A_139, %cond3A_140 : i32
          scf.if %cond3A_141 {
            %add3A_151 = arith.constant 3 : i32
            %add3A_152 = arith.addi %add3A_111, %add3A_151 : i32
            %mul3A_153 = arith.constant 128 : i32
            %mul3A_154 = arith.muli %add3A_152, %mul3A_153 : i32
            %add3A_155 = arith.addi %multiple_of3A, %mul3A_154 : i32
            %multiple_of3A_156 = tpu.assume_multiple %add3A_155, 128 : i32
            %dma_start3A_157 = tpu.memref_slice %arg4[%multiple_of3A_156] : memref<161792xi32, #tpu.memory_space<hbm>> -> memref<128xi32, #tpu.memory_space<hbm>>
            %dma_start3A_158 = tpu.memref_slice %arg4[%multiple_of3A_156] : memref<161792xi32, #tpu.memory_space<hbm>> -> memref<128xi32, #tpu.memory_space<hbm>>
            tpu.enqueue_dma source(%dma_start3A_158 : memref<128xi32, #tpu.memory_space<hbm>>) target(%arg14 : memref<128xi32, #tpu.memory_space<vmem>>) target_semaphore(%arg26 : memref<!tpu.dma_semaphore, #tpu.memory_space<semaphore_mem>>)
          } else {
          }
          %mul3A_142 = arith.constant 128 : i32
          %mul3A_143 = arith.muli %add3A_111, %mul3A_142 : i32
          %add3A_144 = arith.addi %multiple_of3A, %mul3A_143 : i32
          %multiple_of3A_145 = tpu.assume_multiple %add3A_144, 128 : i32
          %dma_wait3A_146 = tpu.memref_slice %arg5[%multiple_of3A_145] : memref<161792xi32, #tpu.memory_space<hbm>> -> memref<128xi32, #tpu.memory_space<hbm>>
          %dma_wait3A_147 = tpu.memref_slice %arg5[%multiple_of3A_145] : memref<161792xi32, #tpu.memory_space<hbm>> -> memref<128xi32, #tpu.memory_space<hbm>>
          tpu.wait_dma2 semaphore(%arg29 : memref<!tpu.dma_semaphore, #tpu.memory_space<semaphore_mem>>) src(%dma_wait3A_147 : memref<128xi32, #tpu.memory_space<hbm>>) dst(%arg17 : memref<128xi32, #tpu.memory_space<vmem>>)
          %dma_start3A_148 = arith.constant 0 : i32
          %dma_start3A_149 = arith.constant 0 : i32
          %dma_start3A_150 = tpu.memref_slice %arg8[%dma_start3A_148, %dma_start3A_149] : memref<10008x128xf32, #tpu.memory_space<vmem_shared>> -> memref<10008x128xf32, #tpu.memory_space<vmem_shared>>
          tpu.enqueue_indirect_dma source(%arg11 : memref<128x128xf32, #tpu.memory_space<vmem>>) target(%dma_start3A_150 : memref<10008x128xf32, #tpu.memory_space<vmem_shared>>) offsets(%arg17 : memref<128xi32, #tpu.memory_space<vmem>>) semaphore(%arg23 : memref<!tpu.dma_semaphore, #tpu.memory_space<semaphore_mem>>) {add = true}
        } else {
        }
      }
      %scan3A_45 = arith.constant 28 : i32
      %barrier3A_46 = arith.constant 0 : index
      tpu.barrier barrier_id(%barrier3A_46)
      %lt3A_47 = arith.constant 15 : i32
      %lt3A_48 = arith.cmpi slt, %arg1, %lt3A_47 : i32
      %convert_element_type3A_49 = arith.extui %lt3A_48 : i1 to i32
      %cond3A_50 = arith.constant 0 : i32
      %cond3A_51 = arith.cmpi ne, %convert_element_type3A_49, %cond3A_50 : i32
      scf.if %cond3A_51 {
        %mul3A_57 = arith.constant 632 : i32
        %mul3A_58 = arith.muli %arg1, %mul3A_57 : i32
        %multiple_of3A_59 = tpu.assume_multiple %mul3A_58, 8 : i32
        "tpu.region"() ({
          %run_scoped3A = tpu.sem_alloc : memref<!tpu.dma_semaphore, #tpu.memory_space<semaphore_mem>>
          %dma_start3A_60 = arith.constant 0 : i32
          %dma_start3A_61 = tpu.memref_slice %arg6[%multiple_of3A_59, %dma_start3A_60] : memref<10000x128xf32, #tpu.memory_space<hbm>> -> memref<632x128xf32, #tpu.memory_space<hbm>>
          %dma_start3A_62 = arith.constant 0 : i32
          %dma_start3A_63 = tpu.memref_slice %arg8[%multiple_of3A_59, %dma_start3A_62] : memref<10008x128xf32, #tpu.memory_space<vmem_shared>> -> memref<632x128xf32, #tpu.memory_space<vmem_shared>>
          tpu.enqueue_dma source(%dma_start3A_63 : memref<632x128xf32, #tpu.memory_space<vmem_shared>>) target(%dma_start3A_61 : memref<632x128xf32, #tpu.memory_space<hbm>>) target_semaphore(%run_scoped3A : memref<!tpu.dma_semaphore, #tpu.memory_space<semaphore_mem>>)
          %dma_wait3A_64 = arith.constant 0 : i32
          %dma_wait3A_65 = tpu.memref_slice %arg6[%multiple_of3A_59, %dma_wait3A_64] : memref<10000x128xf32, #tpu.memory_space<hbm>> -> memref<632x128xf32, #tpu.memory_space<hbm>>
          %dma_wait3A_66 = arith.constant 0 : i32
          %dma_wait3A_67 = tpu.memref_slice %arg8[%multiple_of3A_59, %dma_wait3A_66] : memref<10008x128xf32, #tpu.memory_space<vmem_shared>> -> memref<632x128xf32, #tpu.memory_space<vmem_shared>>
          tpu.wait_dma2 semaphore(%run_scoped3A : memref<!tpu.dma_semaphore, #tpu.memory_space<semaphore_mem>>) src(%dma_wait3A_67 : memref<632x128xf32, #tpu.memory_space<vmem_shared>>) dst(%dma_wait3A_65 : memref<632x128xf32, #tpu.memory_space<hbm>>)
          tpu.yield
        }) : () -> ()
      } else {
      }
      %eq3A_52 = arith.constant 15 : i32
      %eq3A_53 = arith.cmpi eq, %arg1, %eq3A_52 : i32
      %convert_element_type3A_54 = arith.extui %eq3A_53 : i1 to i32
      %cond3A_55 = arith.constant 0 : i32
      %cond3A_56 = arith.cmpi ne, %convert_element_type3A_54, %cond3A_55 : i32
      scf.if %cond3A_56 {
        "tpu.region"() ({
          %run_scoped3A = tpu.sem_alloc : memref<!tpu.dma_semaphore, #tpu.memory_space<semaphore_mem>>
          %dma_start3A_57 = arith.constant 9480 : i32
          %dma_start3A_58 = arith.constant 0 : i32
          %dma_start3A_59 = tpu.memref_slice %arg6[%dma_start3A_57, %dma_start3A_58] : memref<10000x128xf32, #tpu.memory_space<hbm>> -> memref<520x128xf32, #tpu.memory_space<hbm>>
          %dma_start3A_60 = arith.constant 9480 : i32
          %dma_start3A_61 = arith.constant 0 : i32
          %dma_start3A_62 = tpu.memref_slice %arg8[%dma_start3A_60, %dma_start3A_61] : memref<10008x128xf32, #tpu.memory_space<vmem_shared>> -> memref<520x128xf32, #tpu.memory_space<vmem_shared>>
          tpu.enqueue_dma source(%dma_start3A_62 : memref<520x128xf32, #tpu.memory_space<vmem_shared>>) target(%dma_start3A_59 : memref<520x128xf32, #tpu.memory_space<hbm>>) target_semaphore(%run_scoped3A : memref<!tpu.dma_semaphore, #tpu.memory_space<semaphore_mem>>)
          %dma_wait3A_63 = arith.constant 9480 : i32
          %dma_wait3A_64 = arith.constant 0 : i32
          %dma_wait3A_65 = tpu.memref_slice %arg6[%dma_wait3A_63, %dma_wait3A_64] : memref<10000x128xf32, #tpu.memory_space<hbm>> -> memref<520x128xf32, #tpu.memory_space<hbm>>
          %dma_wait3A_66 = arith.constant 9480 : i32
          %dma_wait3A_67 = arith.constant 0 : i32
          %dma_wait3A_68 = tpu.memref_slice %arg8[%dma_wait3A_66, %dma_wait3A_67] : memref<10008x128xf32, #tpu.memory_space<vmem_shared>> -> memref<520x128xf32, #tpu.memory_space<vmem_shared>>
          tpu.wait_dma2 semaphore(%run_scoped3A : memref<!tpu.dma_semaphore, #tpu.memory_space<semaphore_mem>>) src(%dma_wait3A_68 : memref<520x128xf32, #tpu.memory_space<vmem_shared>>) dst(%dma_wait3A_65 : memref<520x128xf32, #tpu.memory_space<hbm>>)
          tpu.yield
        }) : () -> ()
      } else {
      }
    } else {
    }
    %eq3A_2 = arith.constant 1 : i32
    %eq3A_3 = arith.cmpi eq, %arg0, %eq3A_2 : i32
    %convert_element_type3A_4 = arith.extui %eq3A_3 : i1 to i32
    %cond3A_5 = arith.constant 0 : i32
    %cond3A_6 = arith.cmpi ne, %convert_element_type3A_4, %cond3A_5 : i32
    scf.if %cond3A_6 {
      %lt3A = arith.constant 15 : i32
      %lt3A_7 = arith.cmpi slt, %arg1, %lt3A : i32
      %convert_element_type3A_8 = arith.extui %lt3A_7 : i1 to i32
      %cond3A_9 = arith.constant 0 : i32
      %cond3A_10 = arith.cmpi ne, %convert_element_type3A_8, %cond3A_9 : i32
      scf.if %cond3A_10 {
        %mul3A_57 = arith.constant 632 : i32
        %mul3A_58 = arith.muli %arg1, %mul3A_57 : i32
        %multiple_of3A_59 = tpu.assume_multiple %mul3A_58, 8 : i32
        "tpu.region"() ({
          %run_scoped3A = tpu.sem_alloc : memref<!tpu.dma_semaphore, #tpu.memory_space<semaphore_mem>>
          %dma_start3A_60 = arith.constant 0 : i32
          %dma_start3A_61 = tpu.memref_slice %arg8[%multiple_of3A_59, %dma_start3A_60] : memref<10008x128xf32, #tpu.memory_space<vmem_shared>> -> memref<632x128xf32, #tpu.memory_space<vmem_shared>>
          %dma_start3A_62 = arith.constant 0 : i32
          %dma_start3A_63 = tpu.memref_slice %arg3[%multiple_of3A_59, %dma_start3A_62] : memref<10000x128xf32, #tpu.memory_space<hbm>> -> memref<632x128xf32, #tpu.memory_space<hbm>>
          tpu.enqueue_dma source(%dma_start3A_63 : memref<632x128xf32, #tpu.memory_space<hbm>>) target(%dma_start3A_61 : memref<632x128xf32, #tpu.memory_space<vmem_shared>>) target_semaphore(%run_scoped3A : memref<!tpu.dma_semaphore, #tpu.memory_space<semaphore_mem>>)
          %dma_wait3A_64 = arith.constant 0 : i32
          %dma_wait3A_65 = tpu.memref_slice %arg8[%multiple_of3A_59, %dma_wait3A_64] : memref<10008x128xf32, #tpu.memory_space<vmem_shared>> -> memref<632x128xf32, #tpu.memory_space<vmem_shared>>
          %dma_wait3A_66 = arith.constant 0 : i32
          %dma_wait3A_67 = tpu.memref_slice %arg3[%multiple_of3A_59, %dma_wait3A_66] : memref<10000x128xf32, #tpu.memory_space<hbm>> -> memref<632x128xf32, #tpu.memory_space<hbm>>
          tpu.wait_dma2 semaphore(%run_scoped3A : memref<!tpu.dma_semaphore, #tpu.memory_space<semaphore_mem>>) src(%dma_wait3A_67 : memref<632x128xf32, #tpu.memory_space<hbm>>) dst(%dma_wait3A_65 : memref<632x128xf32, #tpu.memory_space<vmem_shared>>)
          tpu.yield
        }) : () -> ()
      } else {
      }
      %eq3A_11 = arith.constant 15 : i32
      %eq3A_12 = arith.cmpi eq, %arg1, %eq3A_11 : i32
      %convert_element_type3A_13 = arith.extui %eq3A_12 : i1 to i32
      %cond3A_14 = arith.constant 0 : i32
      %cond3A_15 = arith.cmpi ne, %convert_element_type3A_13, %cond3A_14 : i32
      scf.if %cond3A_15 {
        "tpu.region"() ({
          %run_scoped3A = tpu.sem_alloc : memref<!tpu.dma_semaphore, #tpu.memory_space<semaphore_mem>>
          %dma_start3A_57 = arith.constant 9480 : i32
          %dma_start3A_58 = arith.constant 0 : i32
          %dma_start3A_59 = tpu.memref_slice %arg8[%dma_start3A_57, %dma_start3A_58] : memref<10008x128xf32, #tpu.memory_space<vmem_shared>> -> memref<520x128xf32, #tpu.memory_space<vmem_shared>>
          %dma_start3A_60 = arith.constant 9480 : i32
          %dma_start3A_61 = arith.constant 0 : i32
          %dma_start3A_62 = tpu.memref_slice %arg3[%dma_start3A_60, %dma_start3A_61] : memref<10000x128xf32, #tpu.memory_space<hbm>> -> memref<520x128xf32, #tpu.memory_space<hbm>>
          tpu.enqueue_dma source(%dma_start3A_62 : memref<520x128xf32, #tpu.memory_space<hbm>>) target(%dma_start3A_59 : memref<520x128xf32, #tpu.memory_space<vmem_shared>>) target_semaphore(%run_scoped3A : memref<!tpu.dma_semaphore, #tpu.memory_space<semaphore_mem>>)
          %dma_wait3A_63 = arith.constant 9480 : i32
          %dma_wait3A_64 = arith.constant 0 : i32
          %dma_wait3A_65 = tpu.memref_slice %arg8[%dma_wait3A_63, %dma_wait3A_64] : memref<10008x128xf32, #tpu.memory_space<vmem_shared>> -> memref<520x128xf32, #tpu.memory_space<vmem_shared>>
          %dma_wait3A_66 = arith.constant 9480 : i32
          %dma_wait3A_67 = arith.constant 0 : i32
          %dma_wait3A_68 = tpu.memref_slice %arg3[%dma_wait3A_66, %dma_wait3A_67] : memref<10000x128xf32, #tpu.memory_space<hbm>> -> memref<520x128xf32, #tpu.memory_space<hbm>>
          tpu.wait_dma2 semaphore(%run_scoped3A : memref<!tpu.dma_semaphore, #tpu.memory_space<semaphore_mem>>) src(%dma_wait3A_68 : memref<520x128xf32, #tpu.memory_space<hbm>>) dst(%dma_wait3A_65 : memref<520x128xf32, #tpu.memory_space<vmem_shared>>)
          tpu.yield
        }) : () -> ()
      } else {
      }
      %barrier3A = arith.constant 0 : index
      tpu.barrier barrier_id(%barrier3A)
      %mul3A = arith.constant 10112 : i32
      %mul3A_16 = arith.muli %arg1, %mul3A : i32
      %multiple_of3A = tpu.assume_multiple %mul3A_16, 128 : i32
      %add3A = arith.constant 0 : i32
      %add3A_17 = arith.addi %multiple_of3A, %add3A : i32
      %multiple_of3A_18 = tpu.assume_multiple %add3A_17, 128 : i32
      %dma_start3A = tpu.memref_slice %arg4[%multiple_of3A_18] : memref<161792xi32, #tpu.memory_space<hbm>> -> memref<128xi32, #tpu.memory_space<hbm>>
      %dma_start3A_19 = tpu.memref_slice %arg4[%multiple_of3A_18] : memref<161792xi32, #tpu.memory_space<hbm>> -> memref<128xi32, #tpu.memory_space<hbm>>
      tpu.enqueue_dma source(%dma_start3A_19 : memref<128xi32, #tpu.memory_space<hbm>>) target(%arg12 : memref<128xi32, #tpu.memory_space<vmem>>) target_semaphore(%arg24 : memref<!tpu.dma_semaphore, #tpu.memory_space<semaphore_mem>>)
      %add3A_20 = arith.constant 128 : i32
      %add3A_21 = arith.addi %multiple_of3A, %add3A_20 : i32
      %multiple_of3A_22 = tpu.assume_multiple %add3A_21, 128 : i32
      %dma_start3A_23 = tpu.memref_slice %arg4[%multiple_of3A_22] : memref<161792xi32, #tpu.memory_space<hbm>> -> memref<128xi32, #tpu.memory_space<hbm>>
      %dma_start3A_24 = tpu.memref_slice %arg4[%multiple_of3A_22] : memref<161792xi32, #tpu.memory_space<hbm>> -> memref<128xi32, #tpu.memory_space<hbm>>
      tpu.enqueue_dma source(%dma_start3A_24 : memref<128xi32, #tpu.memory_space<hbm>>) target(%arg13 : memref<128xi32, #tpu.memory_space<vmem>>) target_semaphore(%arg25 : memref<!tpu.dma_semaphore, #tpu.memory_space<semaphore_mem>>)
      %add3A_25 = arith.constant 256 : i32
      %add3A_26 = arith.addi %multiple_of3A, %add3A_25 : i32
      %multiple_of3A_27 = tpu.assume_multiple %add3A_26, 128 : i32
      %dma_start3A_28 = tpu.memref_slice %arg4[%multiple_of3A_27] : memref<161792xi32, #tpu.memory_space<hbm>> -> memref<128xi32, #tpu.memory_space<hbm>>
      %dma_start3A_29 = tpu.memref_slice %arg4[%multiple_of3A_27] : memref<161792xi32, #tpu.memory_space<hbm>> -> memref<128xi32, #tpu.memory_space<hbm>>
      tpu.enqueue_dma source(%dma_start3A_29 : memref<128xi32, #tpu.memory_space<hbm>>) target(%arg14 : memref<128xi32, #tpu.memory_space<vmem>>) target_semaphore(%arg26 : memref<!tpu.dma_semaphore, #tpu.memory_space<semaphore_mem>>)
      %add3A_30 = arith.constant 0 : i32
      %add3A_31 = arith.addi %multiple_of3A, %add3A_30 : i32
      %multiple_of3A_32 = tpu.assume_multiple %add3A_31, 128 : i32
      %dma_start3A_33 = tpu.memref_slice %arg5[%multiple_of3A_32] : memref<161792xi32, #tpu.memory_space<hbm>> -> memref<128xi32, #tpu.memory_space<hbm>>
      %dma_start3A_34 = tpu.memref_slice %arg5[%multiple_of3A_32] : memref<161792xi32, #tpu.memory_space<hbm>> -> memref<128xi32, #tpu.memory_space<hbm>>
      tpu.enqueue_dma source(%dma_start3A_34 : memref<128xi32, #tpu.memory_space<hbm>>) target(%arg15 : memref<128xi32, #tpu.memory_space<vmem>>) target_semaphore(%arg27 : memref<!tpu.dma_semaphore, #tpu.memory_space<semaphore_mem>>)
      %add3A_35 = arith.constant 0 : i32
      %add3A_36 = arith.addi %multiple_of3A, %add3A_35 : i32
      %multiple_of3A_37 = tpu.assume_multiple %add3A_36, 128 : i32
      %dma_wait3A = tpu.memref_slice %arg4[%multiple_of3A_37] : memref<161792xi32, #tpu.memory_space<hbm>> -> memref<128xi32, #tpu.memory_space<hbm>>
      %dma_wait3A_38 = tpu.memref_slice %arg4[%multiple_of3A_37] : memref<161792xi32, #tpu.memory_space<hbm>> -> memref<128xi32, #tpu.memory_space<hbm>>
      tpu.wait_dma2 semaphore(%arg24 : memref<!tpu.dma_semaphore, #tpu.memory_space<semaphore_mem>>) src(%dma_wait3A_38 : memref<128xi32, #tpu.memory_space<hbm>>) dst(%arg12 : memref<128xi32, #tpu.memory_space<vmem>>)
      %dma_start3A_39 = arith.constant 0 : i32
      %dma_start3A_40 = arith.constant 0 : i32
      %dma_start3A_41 = tpu.memref_slice %arg3[%dma_start3A_39, %dma_start3A_40] : memref<10000x128xf32, #tpu.memory_space<hbm>> -> memref<10000x128xf32, #tpu.memory_space<hbm>>
      tpu.enqueue_indirect_dma source(%dma_start3A_41 : memref<10000x128xf32, #tpu.memory_space<hbm>>) target(%arg9 : memref<128x128xf32, #tpu.memory_space<vmem>>) offsets(%arg12 : memref<128xi32, #tpu.memory_space<vmem>>) semaphore(%arg18 : memref<!tpu.dma_semaphore, #tpu.memory_space<semaphore_mem>>)
      %scan3A = arith.constant 0 : i32
      %scan3A_42 = arith.constant 28 : i32
      %scan3A_43 = arith.addi %scan3A, %scan3A_42 : i32
      %scan3A_44 = arith.constant 1 : i32
      scf.for %scan3A_57 = %scan3A to %scan3A_43 step %scan3A_44  : i32 {
        %mul3A_58 = arith.constant 1 : i32
        %mul3A_59 = arith.muli %scan3A_57, %mul3A_58 : i32
        %add3A_60 = arith.constant 0 : i32
        %add3A_61 = arith.addi %add3A_60, %mul3A_59 : i32
        %mul3A_62 = arith.constant 3 : i32
        %mul3A_63 = arith.muli %add3A_61, %mul3A_62 : i32
        %add3A_64 = arith.constant 0 : i32
        %add3A_65 = arith.addi %mul3A_63, %add3A_64 : i32
        %ge3A = arith.constant 2 : i32
        %ge3A_66 = arith.cmpi sge, %add3A_65, %ge3A : i32
        %lt3A_67 = arith.constant 81 : i32
        %lt3A_68 = arith.cmpi slt, %add3A_65, %lt3A_67 : i32
        %and3A = arith.andi %ge3A_66, %lt3A_68 : i1
        %convert_element_type3A_69 = arith.extui %and3A : i1 to i32
        %cond3A_70 = arith.constant 0 : i32
        %cond3A_71 = arith.cmpi ne, %convert_element_type3A_69, %cond3A_70 : i32
        scf.if %cond3A_71 {
          %sub3A = arith.constant 2 : i32
          %sub3A_132 = arith.subi %add3A_65, %sub3A : i32
          %dma_wait3A_133 = arith.constant 0 : i32
          %dma_wait3A_134 = arith.constant 0 : i32
          %dma_wait3A_135 = tpu.memref_slice %arg8[%dma_wait3A_133, %dma_wait3A_134] : memref<10008x128xf32, #tpu.memory_space<vmem_shared>> -> memref<10008x128xf32, #tpu.memory_space<vmem_shared>>
          tpu.wait_indirect_dma semaphore(%arg22 : memref<!tpu.dma_semaphore, #tpu.memory_space<semaphore_mem>>) src(%arg10 : memref<128x128xf32, #tpu.memory_space<vmem>>) dst(%dma_wait3A_135 : memref<10008x128xf32, #tpu.memory_space<vmem_shared>>)
        } else {
        }
        %add3A_72 = arith.constant 1 : i32
        %add3A_73 = arith.addi %add3A_65, %add3A_72 : i32
        %lt3A_74 = arith.constant 79 : i32
        %lt3A_75 = arith.cmpi slt, %add3A_73, %lt3A_74 : i32
        %convert_element_type3A_76 = arith.extui %lt3A_75 : i1 to i32
        %cond3A_77 = arith.constant 0 : i32
        %cond3A_78 = arith.cmpi ne, %convert_element_type3A_76, %cond3A_77 : i32
        scf.if %cond3A_78 {
          %add3A_132 = arith.constant 1 : i32
          %add3A_133 = arith.addi %add3A_65, %add3A_132 : i32
          %mul3A_134 = arith.constant 128 : i32
          %mul3A_135 = arith.muli %add3A_133, %mul3A_134 : i32
          %add3A_136 = arith.addi %multiple_of3A, %mul3A_135 : i32
          %multiple_of3A_137 = tpu.assume_multiple %add3A_136, 128 : i32
          %dma_start3A_138 = tpu.memref_slice %arg5[%multiple_of3A_137] : memref<161792xi32, #tpu.memory_space<hbm>> -> memref<128xi32, #tpu.memory_space<hbm>>
          %dma_start3A_139 = tpu.memref_slice %arg5[%multiple_of3A_137] : memref<161792xi32, #tpu.memory_space<hbm>> -> memref<128xi32, #tpu.memory_space<hbm>>
          tpu.enqueue_dma source(%dma_start3A_139 : memref<128xi32, #tpu.memory_space<hbm>>) target(%arg16 : memref<128xi32, #tpu.memory_space<vmem>>) target_semaphore(%arg28 : memref<!tpu.dma_semaphore, #tpu.memory_space<semaphore_mem>>)
          %add3A_140 = arith.constant 1 : i32
          %add3A_141 = arith.addi %add3A_65, %add3A_140 : i32
          %mul3A_142 = arith.constant 128 : i32
          %mul3A_143 = arith.muli %add3A_141, %mul3A_142 : i32
          %add3A_144 = arith.addi %multiple_of3A, %mul3A_143 : i32
          %multiple_of3A_145 = tpu.assume_multiple %add3A_144, 128 : i32
          %dma_wait3A_146 = tpu.memref_slice %arg4[%multiple_of3A_145] : memref<161792xi32, #tpu.memory_space<hbm>> -> memref<128xi32, #tpu.memory_space<hbm>>
          %dma_wait3A_147 = tpu.memref_slice %arg4[%multiple_of3A_145] : memref<161792xi32, #tpu.memory_space<hbm>> -> memref<128xi32, #tpu.memory_space<hbm>>
          tpu.wait_dma2 semaphore(%arg25 : memref<!tpu.dma_semaphore, #tpu.memory_space<semaphore_mem>>) src(%dma_wait3A_147 : memref<128xi32, #tpu.memory_space<hbm>>) dst(%arg13 : memref<128xi32, #tpu.memory_space<vmem>>)
          %add3A_148 = arith.constant 1 : i32
          %add3A_149 = arith.addi %add3A_65, %add3A_148 : i32
          %dma_start3A_150 = arith.constant 0 : i32
          %dma_start3A_151 = arith.constant 0 : i32
          %dma_start3A_152 = tpu.memref_slice %arg3[%dma_start3A_150, %dma_start3A_151] : memref<10000x128xf32, #tpu.memory_space<hbm>> -> memref<10000x128xf32, #tpu.memory_space<hbm>>
          tpu.enqueue_indirect_dma source(%dma_start3A_152 : memref<10000x128xf32, #tpu.memory_space<hbm>>) target(%arg10 : memref<128x128xf32, #tpu.memory_space<vmem>>) offsets(%arg13 : memref<128xi32, #tpu.memory_space<vmem>>) semaphore(%arg19 : memref<!tpu.dma_semaphore, #tpu.memory_space<semaphore_mem>>)
        } else {
        }
        %lt3A_79 = arith.constant 79 : i32
        %lt3A_80 = arith.cmpi slt, %add3A_65, %lt3A_79 : i32
        %convert_element_type3A_81 = arith.extui %lt3A_80 : i1 to i32
        %cond3A_82 = arith.constant 0 : i32
        %cond3A_83 = arith.cmpi ne, %convert_element_type3A_81, %cond3A_82 : i32
        scf.if %cond3A_83 {
          %dma_wait3A_132 = arith.constant 0 : i32
          %dma_wait3A_133 = arith.constant 0 : i32
          %dma_wait3A_134 = tpu.memref_slice %arg3[%dma_wait3A_132, %dma_wait3A_133] : memref<10000x128xf32, #tpu.memory_space<hbm>> -> memref<10000x128xf32, #tpu.memory_space<hbm>>
          tpu.wait_indirect_dma semaphore(%arg18 : memref<!tpu.dma_semaphore, #tpu.memory_space<semaphore_mem>>) src(%dma_wait3A_134 : memref<10000x128xf32, #tpu.memory_space<hbm>>) dst(%arg9 : memref<128x128xf32, #tpu.memory_space<vmem>>)
          %add3A_135 = arith.constant 3 : i32
          %add3A_136 = arith.addi %add3A_65, %add3A_135 : i32
          %lt3A_137 = arith.constant 79 : i32
          %lt3A_138 = arith.cmpi slt, %add3A_136, %lt3A_137 : i32
          %convert_element_type3A_139 = arith.extui %lt3A_138 : i1 to i32
          %cond3A_140 = arith.constant 0 : i32
          %cond3A_141 = arith.cmpi ne, %convert_element_type3A_139, %cond3A_140 : i32
          scf.if %cond3A_141 {
            %add3A_151 = arith.constant 3 : i32
            %add3A_152 = arith.addi %add3A_65, %add3A_151 : i32
            %mul3A_153 = arith.constant 128 : i32
            %mul3A_154 = arith.muli %add3A_152, %mul3A_153 : i32
            %add3A_155 = arith.addi %multiple_of3A, %mul3A_154 : i32
            %multiple_of3A_156 = tpu.assume_multiple %add3A_155, 128 : i32
            %dma_start3A_157 = tpu.memref_slice %arg4[%multiple_of3A_156] : memref<161792xi32, #tpu.memory_space<hbm>> -> memref<128xi32, #tpu.memory_space<hbm>>
            %dma_start3A_158 = tpu.memref_slice %arg4[%multiple_of3A_156] : memref<161792xi32, #tpu.memory_space<hbm>> -> memref<128xi32, #tpu.memory_space<hbm>>
            tpu.enqueue_dma source(%dma_start3A_158 : memref<128xi32, #tpu.memory_space<hbm>>) target(%arg12 : memref<128xi32, #tpu.memory_space<vmem>>) target_semaphore(%arg24 : memref<!tpu.dma_semaphore, #tpu.memory_space<semaphore_mem>>)
          } else {
          }
          %mul3A_142 = arith.constant 128 : i32
          %mul3A_143 = arith.muli %add3A_65, %mul3A_142 : i32
          %add3A_144 = arith.addi %multiple_of3A, %mul3A_143 : i32
          %multiple_of3A_145 = tpu.assume_multiple %add3A_144, 128 : i32
          %dma_wait3A_146 = tpu.memref_slice %arg5[%multiple_of3A_145] : memref<161792xi32, #tpu.memory_space<hbm>> -> memref<128xi32, #tpu.memory_space<hbm>>
          %dma_wait3A_147 = tpu.memref_slice %arg5[%multiple_of3A_145] : memref<161792xi32, #tpu.memory_space<hbm>> -> memref<128xi32, #tpu.memory_space<hbm>>
          tpu.wait_dma2 semaphore(%arg27 : memref<!tpu.dma_semaphore, #tpu.memory_space<semaphore_mem>>) src(%dma_wait3A_147 : memref<128xi32, #tpu.memory_space<hbm>>) dst(%arg15 : memref<128xi32, #tpu.memory_space<vmem>>)
          %dma_start3A_148 = arith.constant 0 : i32
          %dma_start3A_149 = arith.constant 0 : i32
          %dma_start3A_150 = tpu.memref_slice %arg8[%dma_start3A_148, %dma_start3A_149] : memref<10008x128xf32, #tpu.memory_space<vmem_shared>> -> memref<10008x128xf32, #tpu.memory_space<vmem_shared>>
          tpu.enqueue_indirect_dma source(%arg9 : memref<128x128xf32, #tpu.memory_space<vmem>>) target(%dma_start3A_150 : memref<10008x128xf32, #tpu.memory_space<vmem_shared>>) offsets(%arg15 : memref<128xi32, #tpu.memory_space<vmem>>) semaphore(%arg21 : memref<!tpu.dma_semaphore, #tpu.memory_space<semaphore_mem>>) {add = true}
        } else {
        }
        %mul3A_84 = arith.constant 3 : i32
        %mul3A_85 = arith.muli %add3A_61, %mul3A_84 : i32
        %add3A_86 = arith.constant 1 : i32
        %add3A_87 = arith.addi %mul3A_85, %add3A_86 : i32
        %ge3A_88 = arith.constant 2 : i32
        %ge3A_89 = arith.cmpi sge, %add3A_87, %ge3A_88 : i32
        %lt3A_90 = arith.constant 81 : i32
        %lt3A_91 = arith.cmpi slt, %add3A_87, %lt3A_90 : i32
        %and3A_92 = arith.andi %ge3A_89, %lt3A_91 : i1
        %convert_element_type3A_93 = arith.extui %and3A_92 : i1 to i32
        %cond3A_94 = arith.constant 0 : i32
        %cond3A_95 = arith.cmpi ne, %convert_element_type3A_93, %cond3A_94 : i32
        scf.if %cond3A_95 {
          %sub3A = arith.constant 2 : i32
          %sub3A_132 = arith.subi %add3A_87, %sub3A : i32
          %dma_wait3A_133 = arith.constant 0 : i32
          %dma_wait3A_134 = arith.constant 0 : i32
          %dma_wait3A_135 = tpu.memref_slice %arg8[%dma_wait3A_133, %dma_wait3A_134] : memref<10008x128xf32, #tpu.memory_space<vmem_shared>> -> memref<10008x128xf32, #tpu.memory_space<vmem_shared>>
          tpu.wait_indirect_dma semaphore(%arg23 : memref<!tpu.dma_semaphore, #tpu.memory_space<semaphore_mem>>) src(%arg11 : memref<128x128xf32, #tpu.memory_space<vmem>>) dst(%dma_wait3A_135 : memref<10008x128xf32, #tpu.memory_space<vmem_shared>>)
        } else {
        }
        %add3A_96 = arith.constant 1 : i32
        %add3A_97 = arith.addi %add3A_87, %add3A_96 : i32
        %lt3A_98 = arith.constant 79 : i32
        %lt3A_99 = arith.cmpi slt, %add3A_97, %lt3A_98 : i32
        %convert_element_type3A_100 = arith.extui %lt3A_99 : i1 to i32
        %cond3A_101 = arith.constant 0 : i32
        %cond3A_102 = arith.cmpi ne, %convert_element_type3A_100, %cond3A_101 : i32
        scf.if %cond3A_102 {
          %add3A_132 = arith.constant 1 : i32
          %add3A_133 = arith.addi %add3A_87, %add3A_132 : i32
          %mul3A_134 = arith.constant 128 : i32
          %mul3A_135 = arith.muli %add3A_133, %mul3A_134 : i32
          %add3A_136 = arith.addi %multiple_of3A, %mul3A_135 : i32
          %multiple_of3A_137 = tpu.assume_multiple %add3A_136, 128 : i32
          %dma_start3A_138 = tpu.memref_slice %arg5[%multiple_of3A_137] : memref<161792xi32, #tpu.memory_space<hbm>> -> memref<128xi32, #tpu.memory_space<hbm>>
          %dma_start3A_139 = tpu.memref_slice %arg5[%multiple_of3A_137] : memref<161792xi32, #tpu.memory_space<hbm>> -> memref<128xi32, #tpu.memory_space<hbm>>
          tpu.enqueue_dma source(%dma_start3A_139 : memref<128xi32, #tpu.memory_space<hbm>>) target(%arg17 : memref<128xi32, #tpu.memory_space<vmem>>) target_semaphore(%arg29 : memref<!tpu.dma_semaphore, #tpu.memory_space<semaphore_mem>>)
          %add3A_140 = arith.constant 1 : i32
          %add3A_141 = arith.addi %add3A_87, %add3A_140 : i32
          %mul3A_142 = arith.constant 128 : i32
          %mul3A_143 = arith.muli %add3A_141, %mul3A_142 : i32
          %add3A_144 = arith.addi %multiple_of3A, %mul3A_143 : i32
          %multiple_of3A_145 = tpu.assume_multiple %add3A_144, 128 : i32
          %dma_wait3A_146 = tpu.memref_slice %arg4[%multiple_of3A_145] : memref<161792xi32, #tpu.memory_space<hbm>> -> memref<128xi32, #tpu.memory_space<hbm>>
          %dma_wait3A_147 = tpu.memref_slice %arg4[%multiple_of3A_145] : memref<161792xi32, #tpu.memory_space<hbm>> -> memref<128xi32, #tpu.memory_space<hbm>>
          tpu.wait_dma2 semaphore(%arg26 : memref<!tpu.dma_semaphore, #tpu.memory_space<semaphore_mem>>) src(%dma_wait3A_147 : memref<128xi32, #tpu.memory_space<hbm>>) dst(%arg14 : memref<128xi32, #tpu.memory_space<vmem>>)
          %add3A_148 = arith.constant 1 : i32
          %add3A_149 = arith.addi %add3A_87, %add3A_148 : i32
          %dma_start3A_150 = arith.constant 0 : i32
          %dma_start3A_151 = arith.constant 0 : i32
          %dma_start3A_152 = tpu.memref_slice %arg3[%dma_start3A_150, %dma_start3A_151] : memref<10000x128xf32, #tpu.memory_space<hbm>> -> memref<10000x128xf32, #tpu.memory_space<hbm>>
          tpu.enqueue_indirect_dma source(%dma_start3A_152 : memref<10000x128xf32, #tpu.memory_space<hbm>>) target(%arg11 : memref<128x128xf32, #tpu.memory_space<vmem>>) offsets(%arg14 : memref<128xi32, #tpu.memory_space<vmem>>) semaphore(%arg20 : memref<!tpu.dma_semaphore, #tpu.memory_space<semaphore_mem>>)
        } else {
        }
        %lt3A_103 = arith.constant 79 : i32
        %lt3A_104 = arith.cmpi slt, %add3A_87, %lt3A_103 : i32
        %convert_element_type3A_105 = arith.extui %lt3A_104 : i1 to i32
        %cond3A_106 = arith.constant 0 : i32
        %cond3A_107 = arith.cmpi ne, %convert_element_type3A_105, %cond3A_106 : i32
        scf.if %cond3A_107 {
          %dma_wait3A_132 = arith.constant 0 : i32
          %dma_wait3A_133 = arith.constant 0 : i32
          %dma_wait3A_134 = tpu.memref_slice %arg3[%dma_wait3A_132, %dma_wait3A_133] : memref<10000x128xf32, #tpu.memory_space<hbm>> -> memref<10000x128xf32, #tpu.memory_space<hbm>>
          tpu.wait_indirect_dma semaphore(%arg19 : memref<!tpu.dma_semaphore, #tpu.memory_space<semaphore_mem>>) src(%dma_wait3A_134 : memref<10000x128xf32, #tpu.memory_space<hbm>>) dst(%arg10 : memref<128x128xf32, #tpu.memory_space<vmem>>)
          %add3A_135 = arith.constant 3 : i32
          %add3A_136 = arith.addi %add3A_87, %add3A_135 : i32
          %lt3A_137 = arith.constant 79 : i32
          %lt3A_138 = arith.cmpi slt, %add3A_136, %lt3A_137 : i32
          %convert_element_type3A_139 = arith.extui %lt3A_138 : i1 to i32
          %cond3A_140 = arith.constant 0 : i32
          %cond3A_141 = arith.cmpi ne, %convert_element_type3A_139, %cond3A_140 : i32
          scf.if %cond3A_141 {
            %add3A_151 = arith.constant 3 : i32
            %add3A_152 = arith.addi %add3A_87, %add3A_151 : i32
            %mul3A_153 = arith.constant 128 : i32
            %mul3A_154 = arith.muli %add3A_152, %mul3A_153 : i32
            %add3A_155 = arith.addi %multiple_of3A, %mul3A_154 : i32
            %multiple_of3A_156 = tpu.assume_multiple %add3A_155, 128 : i32
            %dma_start3A_157 = tpu.memref_slice %arg4[%multiple_of3A_156] : memref<161792xi32, #tpu.memory_space<hbm>> -> memref<128xi32, #tpu.memory_space<hbm>>
            %dma_start3A_158 = tpu.memref_slice %arg4[%multiple_of3A_156] : memref<161792xi32, #tpu.memory_space<hbm>> -> memref<128xi32, #tpu.memory_space<hbm>>
            tpu.enqueue_dma source(%dma_start3A_158 : memref<128xi32, #tpu.memory_space<hbm>>) target(%arg13 : memref<128xi32, #tpu.memory_space<vmem>>) target_semaphore(%arg25 : memref<!tpu.dma_semaphore, #tpu.memory_space<semaphore_mem>>)
          } else {
          }
          %mul3A_142 = arith.constant 128 : i32
          %mul3A_143 = arith.muli %add3A_87, %mul3A_142 : i32
          %add3A_144 = arith.addi %multiple_of3A, %mul3A_143 : i32
          %multiple_of3A_145 = tpu.assume_multiple %add3A_144, 128 : i32
          %dma_wait3A_146 = tpu.memref_slice %arg5[%multiple_of3A_145] : memref<161792xi32, #tpu.memory_space<hbm>> -> memref<128xi32, #tpu.memory_space<hbm>>
          %dma_wait3A_147 = tpu.memref_slice %arg5[%multiple_of3A_145] : memref<161792xi32, #tpu.memory_space<hbm>> -> memref<128xi32, #tpu.memory_space<hbm>>
          tpu.wait_dma2 semaphore(%arg28 : memref<!tpu.dma_semaphore, #tpu.memory_space<semaphore_mem>>) src(%dma_wait3A_147 : memref<128xi32, #tpu.memory_space<hbm>>) dst(%arg16 : memref<128xi32, #tpu.memory_space<vmem>>)
          %dma_start3A_148 = arith.constant 0 : i32
          %dma_start3A_149 = arith.constant 0 : i32
          %dma_start3A_150 = tpu.memref_slice %arg8[%dma_start3A_148, %dma_start3A_149] : memref<10008x128xf32, #tpu.memory_space<vmem_shared>> -> memref<10008x128xf32, #tpu.memory_space<vmem_shared>>
          tpu.enqueue_indirect_dma source(%arg10 : memref<128x128xf32, #tpu.memory_space<vmem>>) target(%dma_start3A_150 : memref<10008x128xf32, #tpu.memory_space<vmem_shared>>) offsets(%arg16 : memref<128xi32, #tpu.memory_space<vmem>>) semaphore(%arg22 : memref<!tpu.dma_semaphore, #tpu.memory_space<semaphore_mem>>) {add = true}
        } else {
        }
        %mul3A_108 = arith.constant 3 : i32
        %mul3A_109 = arith.muli %add3A_61, %mul3A_108 : i32
        %add3A_110 = arith.constant 2 : i32
        %add3A_111 = arith.addi %mul3A_109, %add3A_110 : i32
        %ge3A_112 = arith.constant 2 : i32
        %ge3A_113 = arith.cmpi sge, %add3A_111, %ge3A_112 : i32
        %lt3A_114 = arith.constant 81 : i32
        %lt3A_115 = arith.cmpi slt, %add3A_111, %lt3A_114 : i32
        %and3A_116 = arith.andi %ge3A_113, %lt3A_115 : i1
        %convert_element_type3A_117 = arith.extui %and3A_116 : i1 to i32
        %cond3A_118 = arith.constant 0 : i32
        %cond3A_119 = arith.cmpi ne, %convert_element_type3A_117, %cond3A_118 : i32
        scf.if %cond3A_119 {
          %sub3A = arith.constant 2 : i32
          %sub3A_132 = arith.subi %add3A_111, %sub3A : i32
          %dma_wait3A_133 = arith.constant 0 : i32
          %dma_wait3A_134 = arith.constant 0 : i32
          %dma_wait3A_135 = tpu.memref_slice %arg8[%dma_wait3A_133, %dma_wait3A_134] : memref<10008x128xf32, #tpu.memory_space<vmem_shared>> -> memref<10008x128xf32, #tpu.memory_space<vmem_shared>>
          tpu.wait_indirect_dma semaphore(%arg21 : memref<!tpu.dma_semaphore, #tpu.memory_space<semaphore_mem>>) src(%arg9 : memref<128x128xf32, #tpu.memory_space<vmem>>) dst(%dma_wait3A_135 : memref<10008x128xf32, #tpu.memory_space<vmem_shared>>)
        } else {
        }
        %add3A_120 = arith.constant 1 : i32
        %add3A_121 = arith.addi %add3A_111, %add3A_120 : i32
        %lt3A_122 = arith.constant 79 : i32
        %lt3A_123 = arith.cmpi slt, %add3A_121, %lt3A_122 : i32
        %convert_element_type3A_124 = arith.extui %lt3A_123 : i1 to i32
        %cond3A_125 = arith.constant 0 : i32
        %cond3A_126 = arith.cmpi ne, %convert_element_type3A_124, %cond3A_125 : i32
        scf.if %cond3A_126 {
          %add3A_132 = arith.constant 1 : i32
          %add3A_133 = arith.addi %add3A_111, %add3A_132 : i32
          %mul3A_134 = arith.constant 128 : i32
          %mul3A_135 = arith.muli %add3A_133, %mul3A_134 : i32
          %add3A_136 = arith.addi %multiple_of3A, %mul3A_135 : i32
          %multiple_of3A_137 = tpu.assume_multiple %add3A_136, 128 : i32
          %dma_start3A_138 = tpu.memref_slice %arg5[%multiple_of3A_137] : memref<161792xi32, #tpu.memory_space<hbm>> -> memref<128xi32, #tpu.memory_space<hbm>>
          %dma_start3A_139 = tpu.memref_slice %arg5[%multiple_of3A_137] : memref<161792xi32, #tpu.memory_space<hbm>> -> memref<128xi32, #tpu.memory_space<hbm>>
          tpu.enqueue_dma source(%dma_start3A_139 : memref<128xi32, #tpu.memory_space<hbm>>) target(%arg15 : memref<128xi32, #tpu.memory_space<vmem>>) target_semaphore(%arg27 : memref<!tpu.dma_semaphore, #tpu.memory_space<semaphore_mem>>)
          %add3A_140 = arith.constant 1 : i32
          %add3A_141 = arith.addi %add3A_111, %add3A_140 : i32
          %mul3A_142 = arith.constant 128 : i32
          %mul3A_143 = arith.muli %add3A_141, %mul3A_142 : i32
          %add3A_144 = arith.addi %multiple_of3A, %mul3A_143 : i32
          %multiple_of3A_145 = tpu.assume_multiple %add3A_144, 128 : i32
          %dma_wait3A_146 = tpu.memref_slice %arg4[%multiple_of3A_145] : memref<161792xi32, #tpu.memory_space<hbm>> -> memref<128xi32, #tpu.memory_space<hbm>>
          %dma_wait3A_147 = tpu.memref_slice %arg4[%multiple_of3A_145] : memref<161792xi32, #tpu.memory_space<hbm>> -> memref<128xi32, #tpu.memory_space<hbm>>
          tpu.wait_dma2 semaphore(%arg24 : memref<!tpu.dma_semaphore, #tpu.memory_space<semaphore_mem>>) src(%dma_wait3A_147 : memref<128xi32, #tpu.memory_space<hbm>>) dst(%arg12 : memref<128xi32, #tpu.memory_space<vmem>>)
          %add3A_148 = arith.constant 1 : i32
          %add3A_149 = arith.addi %add3A_111, %add3A_148 : i32
          %dma_start3A_150 = arith.constant 0 : i32
          %dma_start3A_151 = arith.constant 0 : i32
          %dma_start3A_152 = tpu.memref_slice %arg3[%dma_start3A_150, %dma_start3A_151] : memref<10000x128xf32, #tpu.memory_space<hbm>> -> memref<10000x128xf32, #tpu.memory_space<hbm>>
          tpu.enqueue_indirect_dma source(%dma_start3A_152 : memref<10000x128xf32, #tpu.memory_space<hbm>>) target(%arg9 : memref<128x128xf32, #tpu.memory_space<vmem>>) offsets(%arg12 : memref<128xi32, #tpu.memory_space<vmem>>) semaphore(%arg18 : memref<!tpu.dma_semaphore, #tpu.memory_space<semaphore_mem>>)
        } else {
        }
        %lt3A_127 = arith.constant 79 : i32
        %lt3A_128 = arith.cmpi slt, %add3A_111, %lt3A_127 : i32
        %convert_element_type3A_129 = arith.extui %lt3A_128 : i1 to i32
        %cond3A_130 = arith.constant 0 : i32
        %cond3A_131 = arith.cmpi ne, %convert_element_type3A_129, %cond3A_130 : i32
        scf.if %cond3A_131 {
          %dma_wait3A_132 = arith.constant 0 : i32
          %dma_wait3A_133 = arith.constant 0 : i32
          %dma_wait3A_134 = tpu.memref_slice %arg3[%dma_wait3A_132, %dma_wait3A_133] : memref<10000x128xf32, #tpu.memory_space<hbm>> -> memref<10000x128xf32, #tpu.memory_space<hbm>>
          tpu.wait_indirect_dma semaphore(%arg20 : memref<!tpu.dma_semaphore, #tpu.memory_space<semaphore_mem>>) src(%dma_wait3A_134 : memref<10000x128xf32, #tpu.memory_space<hbm>>) dst(%arg11 : memref<128x128xf32, #tpu.memory_space<vmem>>)
          %add3A_135 = arith.constant 3 : i32
          %add3A_136 = arith.addi %add3A_111, %add3A_135 : i32
          %lt3A_137 = arith.constant 79 : i32
          %lt3A_138 = arith.cmpi slt, %add3A_136, %lt3A_137 : i32
          %convert_element_type3A_139 = arith.extui %lt3A_138 : i1 to i32
          %cond3A_140 = arith.constant 0 : i32
          %cond3A_141 = arith.cmpi ne, %convert_element_type3A_139, %cond3A_140 : i32
          scf.if %cond3A_141 {
            %add3A_151 = arith.constant 3 : i32
            %add3A_152 = arith.addi %add3A_111, %add3A_151 : i32
            %mul3A_153 = arith.constant 128 : i32
            %mul3A_154 = arith.muli %add3A_152, %mul3A_153 : i32
            %add3A_155 = arith.addi %multiple_of3A, %mul3A_154 : i32
            %multiple_of3A_156 = tpu.assume_multiple %add3A_155, 128 : i32
            %dma_start3A_157 = tpu.memref_slice %arg4[%multiple_of3A_156] : memref<161792xi32, #tpu.memory_space<hbm>> -> memref<128xi32, #tpu.memory_space<hbm>>
            %dma_start3A_158 = tpu.memref_slice %arg4[%multiple_of3A_156] : memref<161792xi32, #tpu.memory_space<hbm>> -> memref<128xi32, #tpu.memory_space<hbm>>
            tpu.enqueue_dma source(%dma_start3A_158 : memref<128xi32, #tpu.memory_space<hbm>>) target(%arg14 : memref<128xi32, #tpu.memory_space<vmem>>) target_semaphore(%arg26 : memref<!tpu.dma_semaphore, #tpu.memory_space<semaphore_mem>>)
          } else {
          }
          %mul3A_142 = arith.constant 128 : i32
          %mul3A_143 = arith.muli %add3A_111, %mul3A_142 : i32
          %add3A_144 = arith.addi %multiple_of3A, %mul3A_143 : i32
          %multiple_of3A_145 = tpu.assume_multiple %add3A_144, 128 : i32
          %dma_wait3A_146 = tpu.memref_slice %arg5[%multiple_of3A_145] : memref<161792xi32, #tpu.memory_space<hbm>> -> memref<128xi32, #tpu.memory_space<hbm>>
          %dma_wait3A_147 = tpu.memref_slice %arg5[%multiple_of3A_145] : memref<161792xi32, #tpu.memory_space<hbm>> -> memref<128xi32, #tpu.memory_space<hbm>>
          tpu.wait_dma2 semaphore(%arg29 : memref<!tpu.dma_semaphore, #tpu.memory_space<semaphore_mem>>) src(%dma_wait3A_147 : memref<128xi32, #tpu.memory_space<hbm>>) dst(%arg17 : memref<128xi32, #tpu.memory_space<vmem>>)
          %dma_start3A_148 = arith.constant 0 : i32
          %dma_start3A_149 = arith.constant 0 : i32
          %dma_start3A_150 = tpu.memref_slice %arg8[%dma_start3A_148, %dma_start3A_149] : memref<10008x128xf32, #tpu.memory_space<vmem_shared>> -> memref<10008x128xf32, #tpu.memory_space<vmem_shared>>
          tpu.enqueue_indirect_dma source(%arg11 : memref<128x128xf32, #tpu.memory_space<vmem>>) target(%dma_start3A_150 : memref<10008x128xf32, #tpu.memory_space<vmem_shared>>) offsets(%arg17 : memref<128xi32, #tpu.memory_space<vmem>>) semaphore(%arg23 : memref<!tpu.dma_semaphore, #tpu.memory_space<semaphore_mem>>) {add = true}
        } else {
        }
      }
      %scan3A_45 = arith.constant 28 : i32
      %barrier3A_46 = arith.constant 0 : index
      tpu.barrier barrier_id(%barrier3A_46)
      %lt3A_47 = arith.constant 15 : i32
      %lt3A_48 = arith.cmpi slt, %arg1, %lt3A_47 : i32
      %convert_element_type3A_49 = arith.extui %lt3A_48 : i1 to i32
      %cond3A_50 = arith.constant 0 : i32
      %cond3A_51 = arith.cmpi ne, %convert_element_type3A_49, %cond3A_50 : i32
      scf.if %cond3A_51 {
        %mul3A_57 = arith.constant 632 : i32
        %mul3A_58 = arith.muli %arg1, %mul3A_57 : i32
        %multiple_of3A_59 = tpu.assume_multiple %mul3A_58, 8 : i32
        "tpu.region"() ({
          %run_scoped3A = tpu.sem_alloc : memref<!tpu.dma_semaphore, #tpu.memory_space<semaphore_mem>>
          %dma_start3A_60 = arith.constant 0 : i32
          %dma_start3A_61 = tpu.memref_slice %arg7[%multiple_of3A_59, %dma_start3A_60] : memref<10000x128xf32, #tpu.memory_space<hbm>> -> memref<632x128xf32, #tpu.memory_space<hbm>>
          %dma_start3A_62 = arith.constant 0 : i32
          %dma_start3A_63 = tpu.memref_slice %arg8[%multiple_of3A_59, %dma_start3A_62] : memref<10008x128xf32, #tpu.memory_space<vmem_shared>> -> memref<632x128xf32, #tpu.memory_space<vmem_shared>>
          tpu.enqueue_dma source(%dma_start3A_63 : memref<632x128xf32, #tpu.memory_space<vmem_shared>>) target(%dma_start3A_61 : memref<632x128xf32, #tpu.memory_space<hbm>>) target_semaphore(%run_scoped3A : memref<!tpu.dma_semaphore, #tpu.memory_space<semaphore_mem>>)
          %dma_wait3A_64 = arith.constant 0 : i32
          %dma_wait3A_65 = tpu.memref_slice %arg7[%multiple_of3A_59, %dma_wait3A_64] : memref<10000x128xf32, #tpu.memory_space<hbm>> -> memref<632x128xf32, #tpu.memory_space<hbm>>
          %dma_wait3A_66 = arith.constant 0 : i32
          %dma_wait3A_67 = tpu.memref_slice %arg8[%multiple_of3A_59, %dma_wait3A_66] : memref<10008x128xf32, #tpu.memory_space<vmem_shared>> -> memref<632x128xf32, #tpu.memory_space<vmem_shared>>
          tpu.wait_dma2 semaphore(%run_scoped3A : memref<!tpu.dma_semaphore, #tpu.memory_space<semaphore_mem>>) src(%dma_wait3A_67 : memref<632x128xf32, #tpu.memory_space<vmem_shared>>) dst(%dma_wait3A_65 : memref<632x128xf32, #tpu.memory_space<hbm>>)
          tpu.yield
        }) : () -> ()
      } else {
      }
      %eq3A_52 = arith.constant 15 : i32
      %eq3A_53 = arith.cmpi eq, %arg1, %eq3A_52 : i32
      %convert_element_type3A_54 = arith.extui %eq3A_53 : i1 to i32
      %cond3A_55 = arith.constant 0 : i32
      %cond3A_56 = arith.cmpi ne, %convert_element_type3A_54, %cond3A_55 : i32
      scf.if %cond3A_56 {
        "tpu.region"() ({
          %run_scoped3A = tpu.sem_alloc : memref<!tpu.dma_semaphore, #tpu.memory_space<semaphore_mem>>
          %dma_start3A_57 = arith.constant 9480 : i32
          %dma_start3A_58 = arith.constant 0 : i32
          %dma_start3A_59 = tpu.memref_slice %arg7[%dma_start3A_57, %dma_start3A_58] : memref<10000x128xf32, #tpu.memory_space<hbm>> -> memref<520x128xf32, #tpu.memory_space<hbm>>
          %dma_start3A_60 = arith.constant 9480 : i32
          %dma_start3A_61 = arith.constant 0 : i32
          %dma_start3A_62 = tpu.memref_slice %arg8[%dma_start3A_60, %dma_start3A_61] : memref<10008x128xf32, #tpu.memory_space<vmem_shared>> -> memref<520x128xf32, #tpu.memory_space<vmem_shared>>
          tpu.enqueue_dma source(%dma_start3A_62 : memref<520x128xf32, #tpu.memory_space<vmem_shared>>) target(%dma_start3A_59 : memref<520x128xf32, #tpu.memory_space<hbm>>) target_semaphore(%run_scoped3A : memref<!tpu.dma_semaphore, #tpu.memory_space<semaphore_mem>>)
          %dma_wait3A_63 = arith.constant 9480 : i32
          %dma_wait3A_64 = arith.constant 0 : i32
          %dma_wait3A_65 = tpu.memref_slice %arg7[%dma_wait3A_63, %dma_wait3A_64] : memref<10000x128xf32, #tpu.memory_space<hbm>> -> memref<520x128xf32, #tpu.memory_space<hbm>>
          %dma_wait3A_66 = arith.constant 9480 : i32
          %dma_wait3A_67 = arith.constant 0 : i32
          %dma_wait3A_68 = tpu.memref_slice %arg8[%dma_wait3A_66, %dma_wait3A_67] : memref<10008x128xf32, #tpu.memory_space<vmem_shared>> -> memref<520x128xf32, #tpu.memory_space<vmem_shared>>
          tpu.wait_dma2 semaphore(%run_scoped3A : memref<!tpu.dma_semaphore, #tpu.memory_space<semaphore_mem>>) src(%dma_wait3A_68 : memref<520x128xf32, #tpu.memory_space<vmem_shared>>) dst(%dma_wait3A_65 : memref<520x128xf32, #tpu.memory_space<hbm>>)
          tpu.yield
        }) : () -> ()
      } else {
      }
    } else {
    }
    return
  }
}

#map = affine_map<(d0, d1) -> (0)>
#map1 = affine_map<(d0, d1) -> (0, 0)>
module attributes {stable_mosaic.version = 14 : i64} {
  func.func @_deg_body(%arg0: i32, %arg1: i32, %arg2: memref<161792xi32, #tpu.memory_space<hbm>>, %arg3: memref<128x128xf32, #tpu.memory_space<hbm>>, %arg4: memref<10000x128xf32, #tpu.memory_space<hbm>>, %arg5: memref<10000x128xf32, #tpu.memory_space<hbm>>, %arg6: memref<10000x128xf32, #tpu.memory_space<hbm>>, %arg7: memref<10008x128xf32, #tpu.memory_space<vmem_shared>>, %arg8: memref<128xi32, #tpu.memory_space<vmem>>, %arg9: memref<128xi32, #tpu.memory_space<vmem>>, %arg10: memref<128xi32, #tpu.memory_space<vmem>>, %arg11: memref<128x128xf32, #tpu.memory_space<vmem>>, %arg12: memref<!tpu.dma_semaphore, #tpu.memory_space<semaphore_mem>>, %arg13: memref<!tpu.dma_semaphore, #tpu.memory_space<semaphore_mem>>, %arg14: memref<!tpu.dma_semaphore, #tpu.memory_space<semaphore_mem>>, %arg15: memref<!tpu.dma_semaphore, #tpu.memory_space<semaphore_mem>>, %arg16: memref<!tpu.dma_semaphore, #tpu.memory_space<semaphore_mem>>, %arg17: memref<!tpu.dma_semaphore, #tpu.memory_space<semaphore_mem>>) attributes {dimension_semantics = [#tpu.dimension_semantics<core_parallel>, #tpu.dimension_semantics<subcore_parallel>], iteration_bounds = array<i64: 2, 16>, scalar_prefetch = 0 : i64, scratch_operands = 11 : i64, tpu.core_type = #tpu.core_type<sc_vector_subcore>, window_params = [{transform_indices = #map}, {transform_indices = #map1}, {transform_indices = #map1}, {transform_indices = #map1}, {transform_indices = #map1}]} {
    %lt3A = arith.constant 15 : i32
    %lt3A_0 = arith.cmpi slt, %arg1, %lt3A : i32
    %convert_element_type3A = arith.extui %lt3A_0 : i1 to i32
    %cond3A = arith.constant 0 : i32
    %cond3A_1 = arith.cmpi ne, %convert_element_type3A, %cond3A : i32
    scf.if %cond3A_1 {
      %mul3A_36 = arith.constant 632 : i32
      %mul3A_37 = arith.muli %arg1, %mul3A_36 : i32
      %multiple_of3A_38 = tpu.assume_multiple %mul3A_37, 8 : i32
      "tpu.region"() ({
        %run_scoped3A = tpu.sem_alloc : memref<!tpu.dma_semaphore, #tpu.memory_space<semaphore_mem>>
        %dma_start3A_39 = arith.constant 0 : i32
        %dma_start3A_40 = tpu.memref_slice %arg7[%multiple_of3A_38, %dma_start3A_39] : memref<10008x128xf32, #tpu.memory_space<vmem_shared>> -> memref<632x128xf32, #tpu.memory_space<vmem_shared>>
        %dma_start3A_41 = arith.constant 0 : i32
        %dma_start3A_42 = tpu.memref_slice %arg4[%multiple_of3A_38, %dma_start3A_41] : memref<10000x128xf32, #tpu.memory_space<hbm>> -> memref<632x128xf32, #tpu.memory_space<hbm>>
        tpu.enqueue_dma source(%dma_start3A_42 : memref<632x128xf32, #tpu.memory_space<hbm>>) target(%dma_start3A_40 : memref<632x128xf32, #tpu.memory_space<vmem_shared>>) target_semaphore(%run_scoped3A : memref<!tpu.dma_semaphore, #tpu.memory_space<semaphore_mem>>)
        %dma_wait3A = arith.constant 0 : i32
        %dma_wait3A_43 = tpu.memref_slice %arg7[%multiple_of3A_38, %dma_wait3A] : memref<10008x128xf32, #tpu.memory_space<vmem_shared>> -> memref<632x128xf32, #tpu.memory_space<vmem_shared>>
        %dma_wait3A_44 = arith.constant 0 : i32
        %dma_wait3A_45 = tpu.memref_slice %arg4[%multiple_of3A_38, %dma_wait3A_44] : memref<10000x128xf32, #tpu.memory_space<hbm>> -> memref<632x128xf32, #tpu.memory_space<hbm>>
        tpu.wait_dma2 semaphore(%run_scoped3A : memref<!tpu.dma_semaphore, #tpu.memory_space<semaphore_mem>>) src(%dma_wait3A_45 : memref<632x128xf32, #tpu.memory_space<hbm>>) dst(%dma_wait3A_43 : memref<632x128xf32, #tpu.memory_space<vmem_shared>>)
        tpu.yield
      }) : () -> ()
    } else {
    }
    %eq3A = arith.constant 15 : i32
    %eq3A_2 = arith.cmpi eq, %arg1, %eq3A : i32
    %convert_element_type3A_3 = arith.extui %eq3A_2 : i1 to i32
    %cond3A_4 = arith.constant 0 : i32
    %cond3A_5 = arith.cmpi ne, %convert_element_type3A_3, %cond3A_4 : i32
    scf.if %cond3A_5 {
      "tpu.region"() ({
        %run_scoped3A = tpu.sem_alloc : memref<!tpu.dma_semaphore, #tpu.memory_space<semaphore_mem>>
        %dma_start3A_36 = arith.constant 9480 : i32
        %dma_start3A_37 = arith.constant 0 : i32
        %dma_start3A_38 = tpu.memref_slice %arg7[%dma_start3A_36, %dma_start3A_37] : memref<10008x128xf32, #tpu.memory_space<vmem_shared>> -> memref<520x128xf32, #tpu.memory_space<vmem_shared>>
        %dma_start3A_39 = arith.constant 9480 : i32
        %dma_start3A_40 = arith.constant 0 : i32
        %dma_start3A_41 = tpu.memref_slice %arg4[%dma_start3A_39, %dma_start3A_40] : memref<10000x128xf32, #tpu.memory_space<hbm>> -> memref<520x128xf32, #tpu.memory_space<hbm>>
        tpu.enqueue_dma source(%dma_start3A_41 : memref<520x128xf32, #tpu.memory_space<hbm>>) target(%dma_start3A_38 : memref<520x128xf32, #tpu.memory_space<vmem_shared>>) target_semaphore(%run_scoped3A : memref<!tpu.dma_semaphore, #tpu.memory_space<semaphore_mem>>)
        %dma_wait3A = arith.constant 9480 : i32
        %dma_wait3A_42 = arith.constant 0 : i32
        %dma_wait3A_43 = tpu.memref_slice %arg7[%dma_wait3A, %dma_wait3A_42] : memref<10008x128xf32, #tpu.memory_space<vmem_shared>> -> memref<520x128xf32, #tpu.memory_space<vmem_shared>>
        %dma_wait3A_44 = arith.constant 9480 : i32
        %dma_wait3A_45 = arith.constant 0 : i32
        %dma_wait3A_46 = tpu.memref_slice %arg4[%dma_wait3A_44, %dma_wait3A_45] : memref<10000x128xf32, #tpu.memory_space<hbm>> -> memref<520x128xf32, #tpu.memory_space<hbm>>
        tpu.wait_dma2 semaphore(%run_scoped3A : memref<!tpu.dma_semaphore, #tpu.memory_space<semaphore_mem>>) src(%dma_wait3A_46 : memref<520x128xf32, #tpu.memory_space<hbm>>) dst(%dma_wait3A_43 : memref<520x128xf32, #tpu.memory_space<vmem_shared>>)
        tpu.yield
      }) : () -> ()
    } else {
    }
    "tpu.region"() ({
      %run_scoped3A = tpu.sem_alloc : memref<!tpu.dma_semaphore, #tpu.memory_space<semaphore_mem>>
      tpu.enqueue_dma source(%arg3 : memref<128x128xf32, #tpu.memory_space<hbm>>) target(%arg11 : memref<128x128xf32, #tpu.memory_space<vmem>>) target_semaphore(%run_scoped3A : memref<!tpu.dma_semaphore, #tpu.memory_space<semaphore_mem>>)
      tpu.wait_dma2 semaphore(%run_scoped3A : memref<!tpu.dma_semaphore, #tpu.memory_space<semaphore_mem>>) src(%arg3 : memref<128x128xf32, #tpu.memory_space<hbm>>) dst(%arg11 : memref<128x128xf32, #tpu.memory_space<vmem>>)
      tpu.yield
    }) : () -> ()
    %barrier3A = arith.constant 0 : index
    tpu.barrier barrier_id(%barrier3A)
    %mul3A = arith.constant 16 : i32
    %mul3A_6 = arith.muli %arg0, %mul3A : i32
    %add3A = arith.addi %mul3A_6, %arg1 : i32
    %lt3A_7 = arith.constant 2 : i32
    %lt3A_8 = arith.cmpi slt, %add3A, %lt3A_7 : i32
    %jit3A = arith.constant 1 : i32
    %jit3A_9 = arith.constant 0 : i32
    %select_n3A = arith.select %lt3A_8, %jit3A, %jit3A_9 : i32
    %add3A_10 = arith.constant 39 : i32
    %add3A_11 = arith.addi %add3A_10, %select_n3A : i32
    %mul3A_12 = arith.constant 39 : i32
    %mul3A_13 = arith.muli %add3A, %mul3A_12 : i32
    %min3A = arith.constant 2 : i32
    %min3A_14 = arith.minsi %add3A, %min3A : i32
    %add3A_15 = arith.addi %mul3A_13, %min3A_14 : i32
    %add3A_16 = arith.constant 0 : i32
    %add3A_17 = arith.addi %add3A_15, %add3A_16 : i32
    %mul3A_18 = arith.constant 128 : i32
    %mul3A_19 = arith.muli %add3A_17, %mul3A_18 : i32
    %multiple_of3A = tpu.assume_multiple %mul3A_19, 128 : i32
    %dma_start3A = tpu.memref_slice %arg2[%multiple_of3A] : memref<161792xi32, #tpu.memory_space<hbm>> -> memref<128xi32, #tpu.memory_space<hbm>>
    %dma_start3A_20 = tpu.memref_slice %arg2[%multiple_of3A] : memref<161792xi32, #tpu.memory_space<hbm>> -> memref<128xi32, #tpu.memory_space<hbm>>
    tpu.enqueue_dma source(%dma_start3A_20 : memref<128xi32, #tpu.memory_space<hbm>>) target(%arg8 : memref<128xi32, #tpu.memory_space<vmem>>) target_semaphore(%arg12 : memref<!tpu.dma_semaphore, #tpu.memory_space<semaphore_mem>>)
    %scan3A = arith.constant 0 : i32
    %scan3A_21 = arith.constant 15 : i32
    %scan3A_22 = arith.addi %scan3A, %scan3A_21 : i32
    %scan3A_23 = arith.constant 1 : i32
    scf.for %scan3A_36 = %scan3A to %scan3A_22 step %scan3A_23  : i32 {
      %mul3A_37 = arith.constant 1 : i32
      %mul3A_38 = arith.muli %scan3A_36, %mul3A_37 : i32
      %add3A_39 = arith.constant 0 : i32
      %add3A_40 = arith.addi %add3A_39, %mul3A_38 : i32
      %mul3A_41 = arith.constant 3 : i32
      %mul3A_42 = arith.muli %add3A_40, %mul3A_41 : i32
      %add3A_43 = arith.constant 0 : i32
      %add3A_44 = arith.addi %mul3A_42, %add3A_43 : i32
      %ge3A = arith.constant 2 : i32
      %ge3A_45 = arith.cmpi sge, %add3A_44, %ge3A : i32
      %add3A_46 = arith.constant 2 : i32
      %add3A_47 = arith.addi %add3A_11, %add3A_46 : i32
      %lt3A_48 = arith.cmpi slt, %add3A_44, %add3A_47 : i32
      %and3A = arith.andi %ge3A_45, %lt3A_48 : i1
      %convert_element_type3A_49 = arith.extui %and3A : i1 to i32
      %cond3A_50 = arith.constant 0 : i32
      %cond3A_51 = arith.cmpi ne, %convert_element_type3A_49, %cond3A_50 : i32
      scf.if %cond3A_51 {
        %sub3A = arith.constant 2 : i32
        %sub3A_108 = arith.subi %add3A_44, %sub3A : i32
        %dma_wait3A = arith.constant 0 : i32
        %dma_wait3A_109 = arith.constant 0 : i32
        %dma_wait3A_110 = tpu.memref_slice %arg7[%dma_wait3A, %dma_wait3A_109] : memref<10008x128xf32, #tpu.memory_space<vmem_shared>> -> memref<10008x128xf32, #tpu.memory_space<vmem_shared>>
        tpu.wait_indirect_dma semaphore(%arg16 : memref<!tpu.dma_semaphore, #tpu.memory_space<semaphore_mem>>) src(%arg11 : memref<128x128xf32, #tpu.memory_space<vmem>>) dst(%dma_wait3A_110 : memref<10008x128xf32, #tpu.memory_space<vmem_shared>>)
      } else {
      }
      %add3A_52 = arith.constant 1 : i32
      %add3A_53 = arith.addi %add3A_44, %add3A_52 : i32
      %lt3A_54 = arith.cmpi slt, %add3A_53, %add3A_11 : i32
      %convert_element_type3A_55 = arith.extui %lt3A_54 : i1 to i32
      %cond3A_56 = arith.constant 0 : i32
      %cond3A_57 = arith.cmpi ne, %convert_element_type3A_55, %cond3A_56 : i32
      scf.if %cond3A_57 {
        %add3A_108 = arith.constant 1 : i32
        %add3A_109 = arith.addi %add3A_44, %add3A_108 : i32
        %add3A_110 = arith.addi %add3A_15, %add3A_109 : i32
        %mul3A_111 = arith.constant 128 : i32
        %mul3A_112 = arith.muli %add3A_110, %mul3A_111 : i32
        %multiple_of3A_113 = tpu.assume_multiple %mul3A_112, 128 : i32
        %dma_start3A_114 = tpu.memref_slice %arg2[%multiple_of3A_113] : memref<161792xi32, #tpu.memory_space<hbm>> -> memref<128xi32, #tpu.memory_space<hbm>>
        %dma_start3A_115 = tpu.memref_slice %arg2[%multiple_of3A_113] : memref<161792xi32, #tpu.memory_space<hbm>> -> memref<128xi32, #tpu.memory_space<hbm>>
        tpu.enqueue_dma source(%dma_start3A_115 : memref<128xi32, #tpu.memory_space<hbm>>) target(%arg9 : memref<128xi32, #tpu.memory_space<vmem>>) target_semaphore(%arg13 : memref<!tpu.dma_semaphore, #tpu.memory_space<semaphore_mem>>)
      } else {
      }
      %lt3A_58 = arith.cmpi slt, %add3A_44, %add3A_11 : i32
      %convert_element_type3A_59 = arith.extui %lt3A_58 : i1 to i32
      %cond3A_60 = arith.constant 0 : i32
      %cond3A_61 = arith.cmpi ne, %convert_element_type3A_59, %cond3A_60 : i32
      scf.if %cond3A_61 {
        %add3A_108 = arith.addi %add3A_15, %add3A_44 : i32
        %mul3A_109 = arith.constant 128 : i32
        %mul3A_110 = arith.muli %add3A_108, %mul3A_109 : i32
        %multiple_of3A_111 = tpu.assume_multiple %mul3A_110, 128 : i32
        %dma_wait3A = tpu.memref_slice %arg2[%multiple_of3A_111] : memref<161792xi32, #tpu.memory_space<hbm>> -> memref<128xi32, #tpu.memory_space<hbm>>
        %dma_wait3A_112 = tpu.memref_slice %arg2[%multiple_of3A_111] : memref<161792xi32, #tpu.memory_space<hbm>> -> memref<128xi32, #tpu.memory_space<hbm>>
        tpu.wait_dma2 semaphore(%arg12 : memref<!tpu.dma_semaphore, #tpu.memory_space<semaphore_mem>>) src(%dma_wait3A_112 : memref<128xi32, #tpu.memory_space<hbm>>) dst(%arg8 : memref<128xi32, #tpu.memory_space<vmem>>)
        %dma_start3A_113 = arith.constant 0 : i32
        %dma_start3A_114 = arith.constant 0 : i32
        %dma_start3A_115 = tpu.memref_slice %arg7[%dma_start3A_113, %dma_start3A_114] : memref<10008x128xf32, #tpu.memory_space<vmem_shared>> -> memref<10008x128xf32, #tpu.memory_space<vmem_shared>>
        tpu.enqueue_indirect_dma source(%arg11 : memref<128x128xf32, #tpu.memory_space<vmem>>) target(%dma_start3A_115 : memref<10008x128xf32, #tpu.memory_space<vmem_shared>>) offsets(%arg8 : memref<128xi32, #tpu.memory_space<vmem>>) semaphore(%arg15 : memref<!tpu.dma_semaphore, #tpu.memory_space<semaphore_mem>>) {add = true}
      } else {
      }
      %mul3A_62 = arith.constant 3 : i32
      %mul3A_63 = arith.muli %add3A_40, %mul3A_62 : i32
      %add3A_64 = arith.constant 1 : i32
      %add3A_65 = arith.addi %mul3A_63, %add3A_64 : i32
      %ge3A_66 = arith.constant 2 : i32
      %ge3A_67 = arith.cmpi sge, %add3A_65, %ge3A_66 : i32
      %add3A_68 = arith.constant 2 : i32
      %add3A_69 = arith.addi %add3A_11, %add3A_68 : i32
      %lt3A_70 = arith.cmpi slt, %add3A_65, %add3A_69 : i32
      %and3A_71 = arith.andi %ge3A_67, %lt3A_70 : i1
      %convert_element_type3A_72 = arith.extui %and3A_71 : i1 to i32
      %cond3A_73 = arith.constant 0 : i32
      %cond3A_74 = arith.cmpi ne, %convert_element_type3A_72, %cond3A_73 : i32
      scf.if %cond3A_74 {
        %sub3A = arith.constant 2 : i32
        %sub3A_108 = arith.subi %add3A_65, %sub3A : i32
        %dma_wait3A = arith.constant 0 : i32
        %dma_wait3A_109 = arith.constant 0 : i32
        %dma_wait3A_110 = tpu.memref_slice %arg7[%dma_wait3A, %dma_wait3A_109] : memref<10008x128xf32, #tpu.memory_space<vmem_shared>> -> memref<10008x128xf32, #tpu.memory_space<vmem_shared>>
        tpu.wait_indirect_dma semaphore(%arg17 : memref<!tpu.dma_semaphore, #tpu.memory_space<semaphore_mem>>) src(%arg11 : memref<128x128xf32, #tpu.memory_space<vmem>>) dst(%dma_wait3A_110 : memref<10008x128xf32, #tpu.memory_space<vmem_shared>>)
      } else {
      }
      %add3A_75 = arith.constant 1 : i32
      %add3A_76 = arith.addi %add3A_65, %add3A_75 : i32
      %lt3A_77 = arith.cmpi slt, %add3A_76, %add3A_11 : i32
      %convert_element_type3A_78 = arith.extui %lt3A_77 : i1 to i32
      %cond3A_79 = arith.constant 0 : i32
      %cond3A_80 = arith.cmpi ne, %convert_element_type3A_78, %cond3A_79 : i32
      scf.if %cond3A_80 {
        %add3A_108 = arith.constant 1 : i32
        %add3A_109 = arith.addi %add3A_65, %add3A_108 : i32
        %add3A_110 = arith.addi %add3A_15, %add3A_109 : i32
        %mul3A_111 = arith.constant 128 : i32
        %mul3A_112 = arith.muli %add3A_110, %mul3A_111 : i32
        %multiple_of3A_113 = tpu.assume_multiple %mul3A_112, 128 : i32
        %dma_start3A_114 = tpu.memref_slice %arg2[%multiple_of3A_113] : memref<161792xi32, #tpu.memory_space<hbm>> -> memref<128xi32, #tpu.memory_space<hbm>>
        %dma_start3A_115 = tpu.memref_slice %arg2[%multiple_of3A_113] : memref<161792xi32, #tpu.memory_space<hbm>> -> memref<128xi32, #tpu.memory_space<hbm>>
        tpu.enqueue_dma source(%dma_start3A_115 : memref<128xi32, #tpu.memory_space<hbm>>) target(%arg10 : memref<128xi32, #tpu.memory_space<vmem>>) target_semaphore(%arg14 : memref<!tpu.dma_semaphore, #tpu.memory_space<semaphore_mem>>)
      } else {
      }
      %lt3A_81 = arith.cmpi slt, %add3A_65, %add3A_11 : i32
      %convert_element_type3A_82 = arith.extui %lt3A_81 : i1 to i32
      %cond3A_83 = arith.constant 0 : i32
      %cond3A_84 = arith.cmpi ne, %convert_element_type3A_82, %cond3A_83 : i32
      scf.if %cond3A_84 {
        %add3A_108 = arith.addi %add3A_15, %add3A_65 : i32
        %mul3A_109 = arith.constant 128 : i32
        %mul3A_110 = arith.muli %add3A_108, %mul3A_109 : i32
        %multiple_of3A_111 = tpu.assume_multiple %mul3A_110, 128 : i32
        %dma_wait3A = tpu.memref_slice %arg2[%multiple_of3A_111] : memref<161792xi32, #tpu.memory_space<hbm>> -> memref<128xi32, #tpu.memory_space<hbm>>
        %dma_wait3A_112 = tpu.memref_slice %arg2[%multiple_of3A_111] : memref<161792xi32, #tpu.memory_space<hbm>> -> memref<128xi32, #tpu.memory_space<hbm>>
        tpu.wait_dma2 semaphore(%arg13 : memref<!tpu.dma_semaphore, #tpu.memory_space<semaphore_mem>>) src(%dma_wait3A_112 : memref<128xi32, #tpu.memory_space<hbm>>) dst(%arg9 : memref<128xi32, #tpu.memory_space<vmem>>)
        %dma_start3A_113 = arith.constant 0 : i32
        %dma_start3A_114 = arith.constant 0 : i32
        %dma_start3A_115 = tpu.memref_slice %arg7[%dma_start3A_113, %dma_start3A_114] : memref<10008x128xf32, #tpu.memory_space<vmem_shared>> -> memref<10008x128xf32, #tpu.memory_space<vmem_shared>>
        tpu.enqueue_indirect_dma source(%arg11 : memref<128x128xf32, #tpu.memory_space<vmem>>) target(%dma_start3A_115 : memref<10008x128xf32, #tpu.memory_space<vmem_shared>>) offsets(%arg9 : memref<128xi32, #tpu.memory_space<vmem>>) semaphore(%arg16 : memref<!tpu.dma_semaphore, #tpu.memory_space<semaphore_mem>>) {add = true}
      } else {
      }
      %mul3A_85 = arith.constant 3 : i32
      %mul3A_86 = arith.muli %add3A_40, %mul3A_85 : i32
      %add3A_87 = arith.constant 2 : i32
      %add3A_88 = arith.addi %mul3A_86, %add3A_87 : i32
      %ge3A_89 = arith.constant 2 : i32
      %ge3A_90 = arith.cmpi sge, %add3A_88, %ge3A_89 : i32
      %add3A_91 = arith.constant 2 : i32
      %add3A_92 = arith.addi %add3A_11, %add3A_91 : i32
      %lt3A_93 = arith.cmpi slt, %add3A_88, %add3A_92 : i32
      %and3A_94 = arith.andi %ge3A_90, %lt3A_93 : i1
      %convert_element_type3A_95 = arith.extui %and3A_94 : i1 to i32
      %cond3A_96 = arith.constant 0 : i32
      %cond3A_97 = arith.cmpi ne, %convert_element_type3A_95, %cond3A_96 : i32
      scf.if %cond3A_97 {
        %sub3A = arith.constant 2 : i32
        %sub3A_108 = arith.subi %add3A_88, %sub3A : i32
        %dma_wait3A = arith.constant 0 : i32
        %dma_wait3A_109 = arith.constant 0 : i32
        %dma_wait3A_110 = tpu.memref_slice %arg7[%dma_wait3A, %dma_wait3A_109] : memref<10008x128xf32, #tpu.memory_space<vmem_shared>> -> memref<10008x128xf32, #tpu.memory_space<vmem_shared>>
        tpu.wait_indirect_dma semaphore(%arg15 : memref<!tpu.dma_semaphore, #tpu.memory_space<semaphore_mem>>) src(%arg11 : memref<128x128xf32, #tpu.memory_space<vmem>>) dst(%dma_wait3A_110 : memref<10008x128xf32, #tpu.memory_space<vmem_shared>>)
      } else {
      }
      %add3A_98 = arith.constant 1 : i32
      %add3A_99 = arith.addi %add3A_88, %add3A_98 : i32
      %lt3A_100 = arith.cmpi slt, %add3A_99, %add3A_11 : i32
      %convert_element_type3A_101 = arith.extui %lt3A_100 : i1 to i32
      %cond3A_102 = arith.constant 0 : i32
      %cond3A_103 = arith.cmpi ne, %convert_element_type3A_101, %cond3A_102 : i32
      scf.if %cond3A_103 {
        %add3A_108 = arith.constant 1 : i32
        %add3A_109 = arith.addi %add3A_88, %add3A_108 : i32
        %add3A_110 = arith.addi %add3A_15, %add3A_109 : i32
        %mul3A_111 = arith.constant 128 : i32
        %mul3A_112 = arith.muli %add3A_110, %mul3A_111 : i32
        %multiple_of3A_113 = tpu.assume_multiple %mul3A_112, 128 : i32
        %dma_start3A_114 = tpu.memref_slice %arg2[%multiple_of3A_113] : memref<161792xi32, #tpu.memory_space<hbm>> -> memref<128xi32, #tpu.memory_space<hbm>>
        %dma_start3A_115 = tpu.memref_slice %arg2[%multiple_of3A_113] : memref<161792xi32, #tpu.memory_space<hbm>> -> memref<128xi32, #tpu.memory_space<hbm>>
        tpu.enqueue_dma source(%dma_start3A_115 : memref<128xi32, #tpu.memory_space<hbm>>) target(%arg8 : memref<128xi32, #tpu.memory_space<vmem>>) target_semaphore(%arg12 : memref<!tpu.dma_semaphore, #tpu.memory_space<semaphore_mem>>)
      } else {
      }
      %lt3A_104 = arith.cmpi slt, %add3A_88, %add3A_11 : i32
      %convert_element_type3A_105 = arith.extui %lt3A_104 : i1 to i32
      %cond3A_106 = arith.constant 0 : i32
      %cond3A_107 = arith.cmpi ne, %convert_element_type3A_105, %cond3A_106 : i32
      scf.if %cond3A_107 {
        %add3A_108 = arith.addi %add3A_15, %add3A_88 : i32
        %mul3A_109 = arith.constant 128 : i32
        %mul3A_110 = arith.muli %add3A_108, %mul3A_109 : i32
        %multiple_of3A_111 = tpu.assume_multiple %mul3A_110, 128 : i32
        %dma_wait3A = tpu.memref_slice %arg2[%multiple_of3A_111] : memref<161792xi32, #tpu.memory_space<hbm>> -> memref<128xi32, #tpu.memory_space<hbm>>
        %dma_wait3A_112 = tpu.memref_slice %arg2[%multiple_of3A_111] : memref<161792xi32, #tpu.memory_space<hbm>> -> memref<128xi32, #tpu.memory_space<hbm>>
        tpu.wait_dma2 semaphore(%arg14 : memref<!tpu.dma_semaphore, #tpu.memory_space<semaphore_mem>>) src(%dma_wait3A_112 : memref<128xi32, #tpu.memory_space<hbm>>) dst(%arg10 : memref<128xi32, #tpu.memory_space<vmem>>)
        %dma_start3A_113 = arith.constant 0 : i32
        %dma_start3A_114 = arith.constant 0 : i32
        %dma_start3A_115 = tpu.memref_slice %arg7[%dma_start3A_113, %dma_start3A_114] : memref<10008x128xf32, #tpu.memory_space<vmem_shared>> -> memref<10008x128xf32, #tpu.memory_space<vmem_shared>>
        tpu.enqueue_indirect_dma source(%arg11 : memref<128x128xf32, #tpu.memory_space<vmem>>) target(%dma_start3A_115 : memref<10008x128xf32, #tpu.memory_space<vmem_shared>>) offsets(%arg10 : memref<128xi32, #tpu.memory_space<vmem>>) semaphore(%arg17 : memref<!tpu.dma_semaphore, #tpu.memory_space<semaphore_mem>>) {add = true}
      } else {
      }
    }
    %scan3A_24 = arith.constant 15 : i32
    %barrier3A_25 = arith.constant 0 : index
    tpu.barrier barrier_id(%barrier3A_25)
    %eq3A_26 = arith.constant 0 : i32
    %eq3A_27 = arith.cmpi eq, %arg0, %eq3A_26 : i32
    %convert_element_type3A_28 = arith.extui %eq3A_27 : i1 to i32
    %cond3A_29 = arith.constant 0 : i32
    %cond3A_30 = arith.cmpi ne, %convert_element_type3A_28, %cond3A_29 : i32
    scf.if %cond3A_30 {
      %lt3A_36 = arith.constant 15 : i32
      %lt3A_37 = arith.cmpi slt, %arg1, %lt3A_36 : i32
      %convert_element_type3A_38 = arith.extui %lt3A_37 : i1 to i32
      %cond3A_39 = arith.constant 0 : i32
      %cond3A_40 = arith.cmpi ne, %convert_element_type3A_38, %cond3A_39 : i32
      scf.if %cond3A_40 {
        %mul3A_46 = arith.constant 632 : i32
        %mul3A_47 = arith.muli %arg1, %mul3A_46 : i32
        %multiple_of3A_48 = tpu.assume_multiple %mul3A_47, 8 : i32
        "tpu.region"() ({
          %run_scoped3A = tpu.sem_alloc : memref<!tpu.dma_semaphore, #tpu.memory_space<semaphore_mem>>
          %dma_start3A_49 = arith.constant 0 : i32
          %dma_start3A_50 = tpu.memref_slice %arg5[%multiple_of3A_48, %dma_start3A_49] : memref<10000x128xf32, #tpu.memory_space<hbm>> -> memref<632x128xf32, #tpu.memory_space<hbm>>
          %dma_start3A_51 = arith.constant 0 : i32
          %dma_start3A_52 = tpu.memref_slice %arg7[%multiple_of3A_48, %dma_start3A_51] : memref<10008x128xf32, #tpu.memory_space<vmem_shared>> -> memref<632x128xf32, #tpu.memory_space<vmem_shared>>
          tpu.enqueue_dma source(%dma_start3A_52 : memref<632x128xf32, #tpu.memory_space<vmem_shared>>) target(%dma_start3A_50 : memref<632x128xf32, #tpu.memory_space<hbm>>) target_semaphore(%run_scoped3A : memref<!tpu.dma_semaphore, #tpu.memory_space<semaphore_mem>>)
          %dma_wait3A = arith.constant 0 : i32
          %dma_wait3A_53 = tpu.memref_slice %arg5[%multiple_of3A_48, %dma_wait3A] : memref<10000x128xf32, #tpu.memory_space<hbm>> -> memref<632x128xf32, #tpu.memory_space<hbm>>
          %dma_wait3A_54 = arith.constant 0 : i32
          %dma_wait3A_55 = tpu.memref_slice %arg7[%multiple_of3A_48, %dma_wait3A_54] : memref<10008x128xf32, #tpu.memory_space<vmem_shared>> -> memref<632x128xf32, #tpu.memory_space<vmem_shared>>
          tpu.wait_dma2 semaphore(%run_scoped3A : memref<!tpu.dma_semaphore, #tpu.memory_space<semaphore_mem>>) src(%dma_wait3A_55 : memref<632x128xf32, #tpu.memory_space<vmem_shared>>) dst(%dma_wait3A_53 : memref<632x128xf32, #tpu.memory_space<hbm>>)
          tpu.yield
        }) : () -> ()
      } else {
      }
      %eq3A_41 = arith.constant 15 : i32
      %eq3A_42 = arith.cmpi eq, %arg1, %eq3A_41 : i32
      %convert_element_type3A_43 = arith.extui %eq3A_42 : i1 to i32
      %cond3A_44 = arith.constant 0 : i32
      %cond3A_45 = arith.cmpi ne, %convert_element_type3A_43, %cond3A_44 : i32
      scf.if %cond3A_45 {
        "tpu.region"() ({
          %run_scoped3A = tpu.sem_alloc : memref<!tpu.dma_semaphore, #tpu.memory_space<semaphore_mem>>
          %dma_start3A_46 = arith.constant 9480 : i32
          %dma_start3A_47 = arith.constant 0 : i32
          %dma_start3A_48 = tpu.memref_slice %arg5[%dma_start3A_46, %dma_start3A_47] : memref<10000x128xf32, #tpu.memory_space<hbm>> -> memref<520x128xf32, #tpu.memory_space<hbm>>
          %dma_start3A_49 = arith.constant 9480 : i32
          %dma_start3A_50 = arith.constant 0 : i32
          %dma_start3A_51 = tpu.memref_slice %arg7[%dma_start3A_49, %dma_start3A_50] : memref<10008x128xf32, #tpu.memory_space<vmem_shared>> -> memref<520x128xf32, #tpu.memory_space<vmem_shared>>
          tpu.enqueue_dma source(%dma_start3A_51 : memref<520x128xf32, #tpu.memory_space<vmem_shared>>) target(%dma_start3A_48 : memref<520x128xf32, #tpu.memory_space<hbm>>) target_semaphore(%run_scoped3A : memref<!tpu.dma_semaphore, #tpu.memory_space<semaphore_mem>>)
          %dma_wait3A = arith.constant 9480 : i32
          %dma_wait3A_52 = arith.constant 0 : i32
          %dma_wait3A_53 = tpu.memref_slice %arg5[%dma_wait3A, %dma_wait3A_52] : memref<10000x128xf32, #tpu.memory_space<hbm>> -> memref<520x128xf32, #tpu.memory_space<hbm>>
          %dma_wait3A_54 = arith.constant 9480 : i32
          %dma_wait3A_55 = arith.constant 0 : i32
          %dma_wait3A_56 = tpu.memref_slice %arg7[%dma_wait3A_54, %dma_wait3A_55] : memref<10008x128xf32, #tpu.memory_space<vmem_shared>> -> memref<520x128xf32, #tpu.memory_space<vmem_shared>>
          tpu.wait_dma2 semaphore(%run_scoped3A : memref<!tpu.dma_semaphore, #tpu.memory_space<semaphore_mem>>) src(%dma_wait3A_56 : memref<520x128xf32, #tpu.memory_space<vmem_shared>>) dst(%dma_wait3A_53 : memref<520x128xf32, #tpu.memory_space<hbm>>)
          tpu.yield
        }) : () -> ()
      } else {
      }
    } else {
    }
    %eq3A_31 = arith.constant 1 : i32
    %eq3A_32 = arith.cmpi eq, %arg0, %eq3A_31 : i32
    %convert_element_type3A_33 = arith.extui %eq3A_32 : i1 to i32
    %cond3A_34 = arith.constant 0 : i32
    %cond3A_35 = arith.cmpi ne, %convert_element_type3A_33, %cond3A_34 : i32
    scf.if %cond3A_35 {
      %lt3A_36 = arith.constant 15 : i32
      %lt3A_37 = arith.cmpi slt, %arg1, %lt3A_36 : i32
      %convert_element_type3A_38 = arith.extui %lt3A_37 : i1 to i32
      %cond3A_39 = arith.constant 0 : i32
      %cond3A_40 = arith.cmpi ne, %convert_element_type3A_38, %cond3A_39 : i32
      scf.if %cond3A_40 {
        %mul3A_46 = arith.constant 632 : i32
        %mul3A_47 = arith.muli %arg1, %mul3A_46 : i32
        %multiple_of3A_48 = tpu.assume_multiple %mul3A_47, 8 : i32
        "tpu.region"() ({
          %run_scoped3A = tpu.sem_alloc : memref<!tpu.dma_semaphore, #tpu.memory_space<semaphore_mem>>
          %dma_start3A_49 = arith.constant 0 : i32
          %dma_start3A_50 = tpu.memref_slice %arg6[%multiple_of3A_48, %dma_start3A_49] : memref<10000x128xf32, #tpu.memory_space<hbm>> -> memref<632x128xf32, #tpu.memory_space<hbm>>
          %dma_start3A_51 = arith.constant 0 : i32
          %dma_start3A_52 = tpu.memref_slice %arg7[%multiple_of3A_48, %dma_start3A_51] : memref<10008x128xf32, #tpu.memory_space<vmem_shared>> -> memref<632x128xf32, #tpu.memory_space<vmem_shared>>
          tpu.enqueue_dma source(%dma_start3A_52 : memref<632x128xf32, #tpu.memory_space<vmem_shared>>) target(%dma_start3A_50 : memref<632x128xf32, #tpu.memory_space<hbm>>) target_semaphore(%run_scoped3A : memref<!tpu.dma_semaphore, #tpu.memory_space<semaphore_mem>>)
          %dma_wait3A = arith.constant 0 : i32
          %dma_wait3A_53 = tpu.memref_slice %arg6[%multiple_of3A_48, %dma_wait3A] : memref<10000x128xf32, #tpu.memory_space<hbm>> -> memref<632x128xf32, #tpu.memory_space<hbm>>
          %dma_wait3A_54 = arith.constant 0 : i32
          %dma_wait3A_55 = tpu.memref_slice %arg7[%multiple_of3A_48, %dma_wait3A_54] : memref<10008x128xf32, #tpu.memory_space<vmem_shared>> -> memref<632x128xf32, #tpu.memory_space<vmem_shared>>
          tpu.wait_dma2 semaphore(%run_scoped3A : memref<!tpu.dma_semaphore, #tpu.memory_space<semaphore_mem>>) src(%dma_wait3A_55 : memref<632x128xf32, #tpu.memory_space<vmem_shared>>) dst(%dma_wait3A_53 : memref<632x128xf32, #tpu.memory_space<hbm>>)
          tpu.yield
        }) : () -> ()
      } else {
      }
      %eq3A_41 = arith.constant 15 : i32
      %eq3A_42 = arith.cmpi eq, %arg1, %eq3A_41 : i32
      %convert_element_type3A_43 = arith.extui %eq3A_42 : i1 to i32
      %cond3A_44 = arith.constant 0 : i32
      %cond3A_45 = arith.cmpi ne, %convert_element_type3A_43, %cond3A_44 : i32
      scf.if %cond3A_45 {
        "tpu.region"() ({
          %run_scoped3A = tpu.sem_alloc : memref<!tpu.dma_semaphore, #tpu.memory_space<semaphore_mem>>
          %dma_start3A_46 = arith.constant 9480 : i32
          %dma_start3A_47 = arith.constant 0 : i32
          %dma_start3A_48 = tpu.memref_slice %arg6[%dma_start3A_46, %dma_start3A_47] : memref<10000x128xf32, #tpu.memory_space<hbm>> -> memref<520x128xf32, #tpu.memory_space<hbm>>
          %dma_start3A_49 = arith.constant 9480 : i32
          %dma_start3A_50 = arith.constant 0 : i32
          %dma_start3A_51 = tpu.memref_slice %arg7[%dma_start3A_49, %dma_start3A_50] : memref<10008x128xf32, #tpu.memory_space<vmem_shared>> -> memref<520x128xf32, #tpu.memory_space<vmem_shared>>
          tpu.enqueue_dma source(%dma_start3A_51 : memref<520x128xf32, #tpu.memory_space<vmem_shared>>) target(%dma_start3A_48 : memref<520x128xf32, #tpu.memory_space<hbm>>) target_semaphore(%run_scoped3A : memref<!tpu.dma_semaphore, #tpu.memory_space<semaphore_mem>>)
          %dma_wait3A = arith.constant 9480 : i32
          %dma_wait3A_52 = arith.constant 0 : i32
          %dma_wait3A_53 = tpu.memref_slice %arg6[%dma_wait3A, %dma_wait3A_52] : memref<10000x128xf32, #tpu.memory_space<hbm>> -> memref<520x128xf32, #tpu.memory_space<hbm>>
          %dma_wait3A_54 = arith.constant 9480 : i32
          %dma_wait3A_55 = arith.constant 0 : i32
          %dma_wait3A_56 = tpu.memref_slice %arg7[%dma_wait3A_54, %dma_wait3A_55] : memref<10008x128xf32, #tpu.memory_space<vmem_shared>> -> memref<520x128xf32, #tpu.memory_space<vmem_shared>>
          tpu.wait_dma2 semaphore(%run_scoped3A : memref<!tpu.dma_semaphore, #tpu.memory_space<semaphore_mem>>) src(%dma_wait3A_56 : memref<520x128xf32, #tpu.memory_space<vmem_shared>>) dst(%dma_wait3A_53 : memref<520x128xf32, #tpu.memory_space<hbm>>)
          tpu.yield
        }) : () -> ()
      } else {
      }
    } else {
    }
    return
  }
}

#map = affine_map<(d0, d1) -> (0, 0)>
#map1 = affine_map<(d0, d1) -> (0)>
module attributes {stable_mosaic.version = 14 : i64} {
  func.func @_prop_body(%arg0: i32, %arg1: i32, %arg2: memref<10000x128xf32, #tpu.memory_space<hbm>>, %arg3: memref<10000x128xf32, #tpu.memory_space<hbm>>, %arg4: memref<161792xi32, #tpu.memory_space<hbm>>, %arg5: memref<161792xi32, #tpu.memory_space<hbm>>, %arg6: memref<10000x128xf32, #tpu.memory_space<hbm>>, %arg7: memref<10000x128xf32, #tpu.memory_space<hbm>>, %arg8: memref<10008x128xf32, #tpu.memory_space<vmem_shared>>, %arg9: memref<128x128xf32, #tpu.memory_space<vmem>>, %arg10: memref<128x128xf32, #tpu.memory_space<vmem>>, %arg11: memref<128x128xf32, #tpu.memory_space<vmem>>, %arg12: memref<128xi32, #tpu.memory_space<vmem>>, %arg13: memref<128xi32, #tpu.memory_space<vmem>>, %arg14: memref<128xi32, #tpu.memory_space<vmem>>, %arg15: memref<128xi32, #tpu.memory_space<vmem>>, %arg16: memref<128xi32, #tpu.memory_space<vmem>>, %arg17: memref<128xi32, #tpu.memory_space<vmem>>, %arg18: memref<!tpu.dma_semaphore, #tpu.memory_space<semaphore_mem>>, %arg19: memref<!tpu.dma_semaphore, #tpu.memory_space<semaphore_mem>>, %arg20: memref<!tpu.dma_semaphore, #tpu.memory_space<semaphore_mem>>, %arg21: memref<!tpu.dma_semaphore, #tpu.memory_space<semaphore_mem>>, %arg22: memref<!tpu.dma_semaphore, #tpu.memory_space<semaphore_mem>>, %arg23: memref<!tpu.dma_semaphore, #tpu.memory_space<semaphore_mem>>, %arg24: memref<!tpu.dma_semaphore, #tpu.memory_space<semaphore_mem>>, %arg25: memref<!tpu.dma_semaphore, #tpu.memory_space<semaphore_mem>>, %arg26: memref<!tpu.dma_semaphore, #tpu.memory_space<semaphore_mem>>, %arg27: memref<!tpu.dma_semaphore, #tpu.memory_space<semaphore_mem>>, %arg28: memref<!tpu.dma_semaphore, #tpu.memory_space<semaphore_mem>>, %arg29: memref<!tpu.dma_semaphore, #tpu.memory_space<semaphore_mem>>) attributes {dimension_semantics = [#tpu.dimension_semantics<core_parallel>, #tpu.dimension_semantics<subcore_parallel>], iteration_bounds = array<i64: 2, 16>, scalar_prefetch = 0 : i64, scratch_operands = 22 : i64, tpu.core_type = #tpu.core_type<sc_vector_subcore>, window_params = [{transform_indices = #map}, {transform_indices = #map}, {transform_indices = #map1}, {transform_indices = #map1}, {transform_indices = #map}, {transform_indices = #map}]} {
    %eq3A = arith.constant 0 : i32
    %eq3A_0 = arith.cmpi eq, %arg0, %eq3A : i32
    %convert_element_type3A = arith.extui %eq3A_0 : i1 to i32
    %cond3A = arith.constant 0 : i32
    %cond3A_1 = arith.cmpi ne, %convert_element_type3A, %cond3A : i32
    scf.if %cond3A_1 {
      %lt3A = arith.constant 15 : i32
      %lt3A_7 = arith.cmpi slt, %arg1, %lt3A : i32
      %convert_element_type3A_8 = arith.extui %lt3A_7 : i1 to i32
      %cond3A_9 = arith.constant 0 : i32
      %cond3A_10 = arith.cmpi ne, %convert_element_type3A_8, %cond3A_9 : i32
      scf.if %cond3A_10 {
        %mul3A_57 = arith.constant 632 : i32
        %mul3A_58 = arith.muli %arg1, %mul3A_57 : i32
        %multiple_of3A_59 = tpu.assume_multiple %mul3A_58, 8 : i32
        "tpu.region"() ({
          %run_scoped3A = tpu.sem_alloc : memref<!tpu.dma_semaphore, #tpu.memory_space<semaphore_mem>>
          %dma_start3A_60 = arith.constant 0 : i32
          %dma_start3A_61 = tpu.memref_slice %arg8[%multiple_of3A_59, %dma_start3A_60] : memref<10008x128xf32, #tpu.memory_space<vmem_shared>> -> memref<632x128xf32, #tpu.memory_space<vmem_shared>>
          %dma_start3A_62 = arith.constant 0 : i32
          %dma_start3A_63 = tpu.memref_slice %arg2[%multiple_of3A_59, %dma_start3A_62] : memref<10000x128xf32, #tpu.memory_space<hbm>> -> memref<632x128xf32, #tpu.memory_space<hbm>>
          tpu.enqueue_dma source(%dma_start3A_63 : memref<632x128xf32, #tpu.memory_space<hbm>>) target(%dma_start3A_61 : memref<632x128xf32, #tpu.memory_space<vmem_shared>>) target_semaphore(%run_scoped3A : memref<!tpu.dma_semaphore, #tpu.memory_space<semaphore_mem>>)
          %dma_wait3A_64 = arith.constant 0 : i32
          %dma_wait3A_65 = tpu.memref_slice %arg8[%multiple_of3A_59, %dma_wait3A_64] : memref<10008x128xf32, #tpu.memory_space<vmem_shared>> -> memref<632x128xf32, #tpu.memory_space<vmem_shared>>
          %dma_wait3A_66 = arith.constant 0 : i32
          %dma_wait3A_67 = tpu.memref_slice %arg2[%multiple_of3A_59, %dma_wait3A_66] : memref<10000x128xf32, #tpu.memory_space<hbm>> -> memref<632x128xf32, #tpu.memory_space<hbm>>
          tpu.wait_dma2 semaphore(%run_scoped3A : memref<!tpu.dma_semaphore, #tpu.memory_space<semaphore_mem>>) src(%dma_wait3A_67 : memref<632x128xf32, #tpu.memory_space<hbm>>) dst(%dma_wait3A_65 : memref<632x128xf32, #tpu.memory_space<vmem_shared>>)
          tpu.yield
        }) : () -> ()
      } else {
      }
      %eq3A_11 = arith.constant 15 : i32
      %eq3A_12 = arith.cmpi eq, %arg1, %eq3A_11 : i32
      %convert_element_type3A_13 = arith.extui %eq3A_12 : i1 to i32
      %cond3A_14 = arith.constant 0 : i32
      %cond3A_15 = arith.cmpi ne, %convert_element_type3A_13, %cond3A_14 : i32
      scf.if %cond3A_15 {
        "tpu.region"() ({
          %run_scoped3A = tpu.sem_alloc : memref<!tpu.dma_semaphore, #tpu.memory_space<semaphore_mem>>
          %dma_start3A_57 = arith.constant 9480 : i32
          %dma_start3A_58 = arith.constant 0 : i32
          %dma_start3A_59 = tpu.memref_slice %arg8[%dma_start3A_57, %dma_start3A_58] : memref<10008x128xf32, #tpu.memory_space<vmem_shared>> -> memref<520x128xf32, #tpu.memory_space<vmem_shared>>
          %dma_start3A_60 = arith.constant 9480 : i32
          %dma_start3A_61 = arith.constant 0 : i32
          %dma_start3A_62 = tpu.memref_slice %arg2[%dma_start3A_60, %dma_start3A_61] : memref<10000x128xf32, #tpu.memory_space<hbm>> -> memref<520x128xf32, #tpu.memory_space<hbm>>
          tpu.enqueue_dma source(%dma_start3A_62 : memref<520x128xf32, #tpu.memory_space<hbm>>) target(%dma_start3A_59 : memref<520x128xf32, #tpu.memory_space<vmem_shared>>) target_semaphore(%run_scoped3A : memref<!tpu.dma_semaphore, #tpu.memory_space<semaphore_mem>>)
          %dma_wait3A_63 = arith.constant 9480 : i32
          %dma_wait3A_64 = arith.constant 0 : i32
          %dma_wait3A_65 = tpu.memref_slice %arg8[%dma_wait3A_63, %dma_wait3A_64] : memref<10008x128xf32, #tpu.memory_space<vmem_shared>> -> memref<520x128xf32, #tpu.memory_space<vmem_shared>>
          %dma_wait3A_66 = arith.constant 9480 : i32
          %dma_wait3A_67 = arith.constant 0 : i32
          %dma_wait3A_68 = tpu.memref_slice %arg2[%dma_wait3A_66, %dma_wait3A_67] : memref<10000x128xf32, #tpu.memory_space<hbm>> -> memref<520x128xf32, #tpu.memory_space<hbm>>
          tpu.wait_dma2 semaphore(%run_scoped3A : memref<!tpu.dma_semaphore, #tpu.memory_space<semaphore_mem>>) src(%dma_wait3A_68 : memref<520x128xf32, #tpu.memory_space<hbm>>) dst(%dma_wait3A_65 : memref<520x128xf32, #tpu.memory_space<vmem_shared>>)
          tpu.yield
        }) : () -> ()
      } else {
      }
      %barrier3A = arith.constant 0 : index
      tpu.barrier barrier_id(%barrier3A)
      %mul3A = arith.constant 10112 : i32
      %mul3A_16 = arith.muli %arg1, %mul3A : i32
      %multiple_of3A = tpu.assume_multiple %mul3A_16, 128 : i32
      %add3A = arith.constant 0 : i32
      %add3A_17 = arith.addi %multiple_of3A, %add3A : i32
      %multiple_of3A_18 = tpu.assume_multiple %add3A_17, 128 : i32
      %dma_start3A = tpu.memref_slice %arg4[%multiple_of3A_18] : memref<161792xi32, #tpu.memory_space<hbm>> -> memref<128xi32, #tpu.memory_space<hbm>>
      %dma_start3A_19 = tpu.memref_slice %arg4[%multiple_of3A_18] : memref<161792xi32, #tpu.memory_space<hbm>> -> memref<128xi32, #tpu.memory_space<hbm>>
      tpu.enqueue_dma source(%dma_start3A_19 : memref<128xi32, #tpu.memory_space<hbm>>) target(%arg12 : memref<128xi32, #tpu.memory_space<vmem>>) target_semaphore(%arg24 : memref<!tpu.dma_semaphore, #tpu.memory_space<semaphore_mem>>)
      %add3A_20 = arith.constant 128 : i32
      %add3A_21 = arith.addi %multiple_of3A, %add3A_20 : i32
      %multiple_of3A_22 = tpu.assume_multiple %add3A_21, 128 : i32
      %dma_start3A_23 = tpu.memref_slice %arg4[%multiple_of3A_22] : memref<161792xi32, #tpu.memory_space<hbm>> -> memref<128xi32, #tpu.memory_space<hbm>>
      %dma_start3A_24 = tpu.memref_slice %arg4[%multiple_of3A_22] : memref<161792xi32, #tpu.memory_space<hbm>> -> memref<128xi32, #tpu.memory_space<hbm>>
      tpu.enqueue_dma source(%dma_start3A_24 : memref<128xi32, #tpu.memory_space<hbm>>) target(%arg13 : memref<128xi32, #tpu.memory_space<vmem>>) target_semaphore(%arg25 : memref<!tpu.dma_semaphore, #tpu.memory_space<semaphore_mem>>)
      %add3A_25 = arith.constant 256 : i32
      %add3A_26 = arith.addi %multiple_of3A, %add3A_25 : i32
      %multiple_of3A_27 = tpu.assume_multiple %add3A_26, 128 : i32
      %dma_start3A_28 = tpu.memref_slice %arg4[%multiple_of3A_27] : memref<161792xi32, #tpu.memory_space<hbm>> -> memref<128xi32, #tpu.memory_space<hbm>>
      %dma_start3A_29 = tpu.memref_slice %arg4[%multiple_of3A_27] : memref<161792xi32, #tpu.memory_space<hbm>> -> memref<128xi32, #tpu.memory_space<hbm>>
      tpu.enqueue_dma source(%dma_start3A_29 : memref<128xi32, #tpu.memory_space<hbm>>) target(%arg14 : memref<128xi32, #tpu.memory_space<vmem>>) target_semaphore(%arg26 : memref<!tpu.dma_semaphore, #tpu.memory_space<semaphore_mem>>)
      %add3A_30 = arith.constant 0 : i32
      %add3A_31 = arith.addi %multiple_of3A, %add3A_30 : i32
      %multiple_of3A_32 = tpu.assume_multiple %add3A_31, 128 : i32
      %dma_start3A_33 = tpu.memref_slice %arg5[%multiple_of3A_32] : memref<161792xi32, #tpu.memory_space<hbm>> -> memref<128xi32, #tpu.memory_space<hbm>>
      %dma_start3A_34 = tpu.memref_slice %arg5[%multiple_of3A_32] : memref<161792xi32, #tpu.memory_space<hbm>> -> memref<128xi32, #tpu.memory_space<hbm>>
      tpu.enqueue_dma source(%dma_start3A_34 : memref<128xi32, #tpu.memory_space<hbm>>) target(%arg15 : memref<128xi32, #tpu.memory_space<vmem>>) target_semaphore(%arg27 : memref<!tpu.dma_semaphore, #tpu.memory_space<semaphore_mem>>)
      %add3A_35 = arith.constant 0 : i32
      %add3A_36 = arith.addi %multiple_of3A, %add3A_35 : i32
      %multiple_of3A_37 = tpu.assume_multiple %add3A_36, 128 : i32
      %dma_wait3A = tpu.memref_slice %arg4[%multiple_of3A_37] : memref<161792xi32, #tpu.memory_space<hbm>> -> memref<128xi32, #tpu.memory_space<hbm>>
      %dma_wait3A_38 = tpu.memref_slice %arg4[%multiple_of3A_37] : memref<161792xi32, #tpu.memory_space<hbm>> -> memref<128xi32, #tpu.memory_space<hbm>>
      tpu.wait_dma2 semaphore(%arg24 : memref<!tpu.dma_semaphore, #tpu.memory_space<semaphore_mem>>) src(%dma_wait3A_38 : memref<128xi32, #tpu.memory_space<hbm>>) dst(%arg12 : memref<128xi32, #tpu.memory_space<vmem>>)
      %dma_start3A_39 = arith.constant 0 : i32
      %dma_start3A_40 = arith.constant 0 : i32
      %dma_start3A_41 = tpu.memref_slice %arg2[%dma_start3A_39, %dma_start3A_40] : memref<10000x128xf32, #tpu.memory_space<hbm>> -> memref<10000x128xf32, #tpu.memory_space<hbm>>
      tpu.enqueue_indirect_dma source(%dma_start3A_41 : memref<10000x128xf32, #tpu.memory_space<hbm>>) target(%arg9 : memref<128x128xf32, #tpu.memory_space<vmem>>) offsets(%arg12 : memref<128xi32, #tpu.memory_space<vmem>>) semaphore(%arg18 : memref<!tpu.dma_semaphore, #tpu.memory_space<semaphore_mem>>)
      %scan3A = arith.constant 0 : i32
      %scan3A_42 = arith.constant 28 : i32
      %scan3A_43 = arith.addi %scan3A, %scan3A_42 : i32
      %scan3A_44 = arith.constant 1 : i32
      scf.for %scan3A_57 = %scan3A to %scan3A_43 step %scan3A_44  : i32 {
        %mul3A_58 = arith.constant 1 : i32
        %mul3A_59 = arith.muli %scan3A_57, %mul3A_58 : i32
        %add3A_60 = arith.constant 0 : i32
        %add3A_61 = arith.addi %add3A_60, %mul3A_59 : i32
        %mul3A_62 = arith.constant 3 : i32
        %mul3A_63 = arith.muli %add3A_61, %mul3A_62 : i32
        %add3A_64 = arith.constant 0 : i32
        %add3A_65 = arith.addi %mul3A_63, %add3A_64 : i32
        %ge3A = arith.constant 2 : i32
        %ge3A_66 = arith.cmpi sge, %add3A_65, %ge3A : i32
        %lt3A_67 = arith.constant 81 : i32
        %lt3A_68 = arith.cmpi slt, %add3A_65, %lt3A_67 : i32
        %and3A = arith.andi %ge3A_66, %lt3A_68 : i1
        %convert_element_type3A_69 = arith.extui %and3A : i1 to i32
        %cond3A_70 = arith.constant 0 : i32
        %cond3A_71 = arith.cmpi ne, %convert_element_type3A_69, %cond3A_70 : i32
        scf.if %cond3A_71 {
          %sub3A = arith.constant 2 : i32
          %sub3A_132 = arith.subi %add3A_65, %sub3A : i32
          %dma_wait3A_133 = arith.constant 0 : i32
          %dma_wait3A_134 = arith.constant 0 : i32
          %dma_wait3A_135 = tpu.memref_slice %arg8[%dma_wait3A_133, %dma_wait3A_134] : memref<10008x128xf32, #tpu.memory_space<vmem_shared>> -> memref<10008x128xf32, #tpu.memory_space<vmem_shared>>
          tpu.wait_indirect_dma semaphore(%arg22 : memref<!tpu.dma_semaphore, #tpu.memory_space<semaphore_mem>>) src(%arg10 : memref<128x128xf32, #tpu.memory_space<vmem>>) dst(%dma_wait3A_135 : memref<10008x128xf32, #tpu.memory_space<vmem_shared>>)
        } else {
        }
        %add3A_72 = arith.constant 1 : i32
        %add3A_73 = arith.addi %add3A_65, %add3A_72 : i32
        %lt3A_74 = arith.constant 79 : i32
        %lt3A_75 = arith.cmpi slt, %add3A_73, %lt3A_74 : i32
        %convert_element_type3A_76 = arith.extui %lt3A_75 : i1 to i32
        %cond3A_77 = arith.constant 0 : i32
        %cond3A_78 = arith.cmpi ne, %convert_element_type3A_76, %cond3A_77 : i32
        scf.if %cond3A_78 {
          %add3A_132 = arith.constant 1 : i32
          %add3A_133 = arith.addi %add3A_65, %add3A_132 : i32
          %mul3A_134 = arith.constant 128 : i32
          %mul3A_135 = arith.muli %add3A_133, %mul3A_134 : i32
          %add3A_136 = arith.addi %multiple_of3A, %mul3A_135 : i32
          %multiple_of3A_137 = tpu.assume_multiple %add3A_136, 128 : i32
          %dma_start3A_138 = tpu.memref_slice %arg5[%multiple_of3A_137] : memref<161792xi32, #tpu.memory_space<hbm>> -> memref<128xi32, #tpu.memory_space<hbm>>
          %dma_start3A_139 = tpu.memref_slice %arg5[%multiple_of3A_137] : memref<161792xi32, #tpu.memory_space<hbm>> -> memref<128xi32, #tpu.memory_space<hbm>>
          tpu.enqueue_dma source(%dma_start3A_139 : memref<128xi32, #tpu.memory_space<hbm>>) target(%arg16 : memref<128xi32, #tpu.memory_space<vmem>>) target_semaphore(%arg28 : memref<!tpu.dma_semaphore, #tpu.memory_space<semaphore_mem>>)
          %add3A_140 = arith.constant 1 : i32
          %add3A_141 = arith.addi %add3A_65, %add3A_140 : i32
          %mul3A_142 = arith.constant 128 : i32
          %mul3A_143 = arith.muli %add3A_141, %mul3A_142 : i32
          %add3A_144 = arith.addi %multiple_of3A, %mul3A_143 : i32
          %multiple_of3A_145 = tpu.assume_multiple %add3A_144, 128 : i32
          %dma_wait3A_146 = tpu.memref_slice %arg4[%multiple_of3A_145] : memref<161792xi32, #tpu.memory_space<hbm>> -> memref<128xi32, #tpu.memory_space<hbm>>
          %dma_wait3A_147 = tpu.memref_slice %arg4[%multiple_of3A_145] : memref<161792xi32, #tpu.memory_space<hbm>> -> memref<128xi32, #tpu.memory_space<hbm>>
          tpu.wait_dma2 semaphore(%arg25 : memref<!tpu.dma_semaphore, #tpu.memory_space<semaphore_mem>>) src(%dma_wait3A_147 : memref<128xi32, #tpu.memory_space<hbm>>) dst(%arg13 : memref<128xi32, #tpu.memory_space<vmem>>)
          %add3A_148 = arith.constant 1 : i32
          %add3A_149 = arith.addi %add3A_65, %add3A_148 : i32
          %dma_start3A_150 = arith.constant 0 : i32
          %dma_start3A_151 = arith.constant 0 : i32
          %dma_start3A_152 = tpu.memref_slice %arg2[%dma_start3A_150, %dma_start3A_151] : memref<10000x128xf32, #tpu.memory_space<hbm>> -> memref<10000x128xf32, #tpu.memory_space<hbm>>
          tpu.enqueue_indirect_dma source(%dma_start3A_152 : memref<10000x128xf32, #tpu.memory_space<hbm>>) target(%arg10 : memref<128x128xf32, #tpu.memory_space<vmem>>) offsets(%arg13 : memref<128xi32, #tpu.memory_space<vmem>>) semaphore(%arg19 : memref<!tpu.dma_semaphore, #tpu.memory_space<semaphore_mem>>)
        } else {
        }
        %lt3A_79 = arith.constant 79 : i32
        %lt3A_80 = arith.cmpi slt, %add3A_65, %lt3A_79 : i32
        %convert_element_type3A_81 = arith.extui %lt3A_80 : i1 to i32
        %cond3A_82 = arith.constant 0 : i32
        %cond3A_83 = arith.cmpi ne, %convert_element_type3A_81, %cond3A_82 : i32
        scf.if %cond3A_83 {
          %dma_wait3A_132 = arith.constant 0 : i32
          %dma_wait3A_133 = arith.constant 0 : i32
          %dma_wait3A_134 = tpu.memref_slice %arg2[%dma_wait3A_132, %dma_wait3A_133] : memref<10000x128xf32, #tpu.memory_space<hbm>> -> memref<10000x128xf32, #tpu.memory_space<hbm>>
          tpu.wait_indirect_dma semaphore(%arg18 : memref<!tpu.dma_semaphore, #tpu.memory_space<semaphore_mem>>) src(%dma_wait3A_134 : memref<10000x128xf32, #tpu.memory_space<hbm>>) dst(%arg9 : memref<128x128xf32, #tpu.memory_space<vmem>>)
          %add3A_135 = arith.constant 3 : i32
          %add3A_136 = arith.addi %add3A_65, %add3A_135 : i32
          %lt3A_137 = arith.constant 79 : i32
          %lt3A_138 = arith.cmpi slt, %add3A_136, %lt3A_137 : i32
          %convert_element_type3A_139 = arith.extui %lt3A_138 : i1 to i32
          %cond3A_140 = arith.constant 0 : i32
          %cond3A_141 = arith.cmpi ne, %convert_element_type3A_139, %cond3A_140 : i32
          scf.if %cond3A_141 {
            %add3A_151 = arith.constant 3 : i32
            %add3A_152 = arith.addi %add3A_65, %add3A_151 : i32
            %mul3A_153 = arith.constant 128 : i32
            %mul3A_154 = arith.muli %add3A_152, %mul3A_153 : i32
            %add3A_155 = arith.addi %multiple_of3A, %mul3A_154 : i32
            %multiple_of3A_156 = tpu.assume_multiple %add3A_155, 128 : i32
            %dma_start3A_157 = tpu.memref_slice %arg4[%multiple_of3A_156] : memref<161792xi32, #tpu.memory_space<hbm>> -> memref<128xi32, #tpu.memory_space<hbm>>
            %dma_start3A_158 = tpu.memref_slice %arg4[%multiple_of3A_156] : memref<161792xi32, #tpu.memory_space<hbm>> -> memref<128xi32, #tpu.memory_space<hbm>>
            tpu.enqueue_dma source(%dma_start3A_158 : memref<128xi32, #tpu.memory_space<hbm>>) target(%arg12 : memref<128xi32, #tpu.memory_space<vmem>>) target_semaphore(%arg24 : memref<!tpu.dma_semaphore, #tpu.memory_space<semaphore_mem>>)
          } else {
          }
          %mul3A_142 = arith.constant 128 : i32
          %mul3A_143 = arith.muli %add3A_65, %mul3A_142 : i32
          %add3A_144 = arith.addi %multiple_of3A, %mul3A_143 : i32
          %multiple_of3A_145 = tpu.assume_multiple %add3A_144, 128 : i32
          %dma_wait3A_146 = tpu.memref_slice %arg5[%multiple_of3A_145] : memref<161792xi32, #tpu.memory_space<hbm>> -> memref<128xi32, #tpu.memory_space<hbm>>
          %dma_wait3A_147 = tpu.memref_slice %arg5[%multiple_of3A_145] : memref<161792xi32, #tpu.memory_space<hbm>> -> memref<128xi32, #tpu.memory_space<hbm>>
          tpu.wait_dma2 semaphore(%arg27 : memref<!tpu.dma_semaphore, #tpu.memory_space<semaphore_mem>>) src(%dma_wait3A_147 : memref<128xi32, #tpu.memory_space<hbm>>) dst(%arg15 : memref<128xi32, #tpu.memory_space<vmem>>)
          %dma_start3A_148 = arith.constant 0 : i32
          %dma_start3A_149 = arith.constant 0 : i32
          %dma_start3A_150 = tpu.memref_slice %arg8[%dma_start3A_148, %dma_start3A_149] : memref<10008x128xf32, #tpu.memory_space<vmem_shared>> -> memref<10008x128xf32, #tpu.memory_space<vmem_shared>>
          tpu.enqueue_indirect_dma source(%arg9 : memref<128x128xf32, #tpu.memory_space<vmem>>) target(%dma_start3A_150 : memref<10008x128xf32, #tpu.memory_space<vmem_shared>>) offsets(%arg15 : memref<128xi32, #tpu.memory_space<vmem>>) semaphore(%arg21 : memref<!tpu.dma_semaphore, #tpu.memory_space<semaphore_mem>>) {add = true}
        } else {
        }
        %mul3A_84 = arith.constant 3 : i32
        %mul3A_85 = arith.muli %add3A_61, %mul3A_84 : i32
        %add3A_86 = arith.constant 1 : i32
        %add3A_87 = arith.addi %mul3A_85, %add3A_86 : i32
        %ge3A_88 = arith.constant 2 : i32
        %ge3A_89 = arith.cmpi sge, %add3A_87, %ge3A_88 : i32
        %lt3A_90 = arith.constant 81 : i32
        %lt3A_91 = arith.cmpi slt, %add3A_87, %lt3A_90 : i32
        %and3A_92 = arith.andi %ge3A_89, %lt3A_91 : i1
        %convert_element_type3A_93 = arith.extui %and3A_92 : i1 to i32
        %cond3A_94 = arith.constant 0 : i32
        %cond3A_95 = arith.cmpi ne, %convert_element_type3A_93, %cond3A_94 : i32
        scf.if %cond3A_95 {
          %sub3A = arith.constant 2 : i32
          %sub3A_132 = arith.subi %add3A_87, %sub3A : i32
          %dma_wait3A_133 = arith.constant 0 : i32
          %dma_wait3A_134 = arith.constant 0 : i32
          %dma_wait3A_135 = tpu.memref_slice %arg8[%dma_wait3A_133, %dma_wait3A_134] : memref<10008x128xf32, #tpu.memory_space<vmem_shared>> -> memref<10008x128xf32, #tpu.memory_space<vmem_shared>>
          tpu.wait_indirect_dma semaphore(%arg23 : memref<!tpu.dma_semaphore, #tpu.memory_space<semaphore_mem>>) src(%arg11 : memref<128x128xf32, #tpu.memory_space<vmem>>) dst(%dma_wait3A_135 : memref<10008x128xf32, #tpu.memory_space<vmem_shared>>)
        } else {
        }
        %add3A_96 = arith.constant 1 : i32
        %add3A_97 = arith.addi %add3A_87, %add3A_96 : i32
        %lt3A_98 = arith.constant 79 : i32
        %lt3A_99 = arith.cmpi slt, %add3A_97, %lt3A_98 : i32
        %convert_element_type3A_100 = arith.extui %lt3A_99 : i1 to i32
        %cond3A_101 = arith.constant 0 : i32
        %cond3A_102 = arith.cmpi ne, %convert_element_type3A_100, %cond3A_101 : i32
        scf.if %cond3A_102 {
          %add3A_132 = arith.constant 1 : i32
          %add3A_133 = arith.addi %add3A_87, %add3A_132 : i32
          %mul3A_134 = arith.constant 128 : i32
          %mul3A_135 = arith.muli %add3A_133, %mul3A_134 : i32
          %add3A_136 = arith.addi %multiple_of3A, %mul3A_135 : i32
          %multiple_of3A_137 = tpu.assume_multiple %add3A_136, 128 : i32
          %dma_start3A_138 = tpu.memref_slice %arg5[%multiple_of3A_137] : memref<161792xi32, #tpu.memory_space<hbm>> -> memref<128xi32, #tpu.memory_space<hbm>>
          %dma_start3A_139 = tpu.memref_slice %arg5[%multiple_of3A_137] : memref<161792xi32, #tpu.memory_space<hbm>> -> memref<128xi32, #tpu.memory_space<hbm>>
          tpu.enqueue_dma source(%dma_start3A_139 : memref<128xi32, #tpu.memory_space<hbm>>) target(%arg17 : memref<128xi32, #tpu.memory_space<vmem>>) target_semaphore(%arg29 : memref<!tpu.dma_semaphore, #tpu.memory_space<semaphore_mem>>)
          %add3A_140 = arith.constant 1 : i32
          %add3A_141 = arith.addi %add3A_87, %add3A_140 : i32
          %mul3A_142 = arith.constant 128 : i32
          %mul3A_143 = arith.muli %add3A_141, %mul3A_142 : i32
          %add3A_144 = arith.addi %multiple_of3A, %mul3A_143 : i32
          %multiple_of3A_145 = tpu.assume_multiple %add3A_144, 128 : i32
          %dma_wait3A_146 = tpu.memref_slice %arg4[%multiple_of3A_145] : memref<161792xi32, #tpu.memory_space<hbm>> -> memref<128xi32, #tpu.memory_space<hbm>>
          %dma_wait3A_147 = tpu.memref_slice %arg4[%multiple_of3A_145] : memref<161792xi32, #tpu.memory_space<hbm>> -> memref<128xi32, #tpu.memory_space<hbm>>
          tpu.wait_dma2 semaphore(%arg26 : memref<!tpu.dma_semaphore, #tpu.memory_space<semaphore_mem>>) src(%dma_wait3A_147 : memref<128xi32, #tpu.memory_space<hbm>>) dst(%arg14 : memref<128xi32, #tpu.memory_space<vmem>>)
          %add3A_148 = arith.constant 1 : i32
          %add3A_149 = arith.addi %add3A_87, %add3A_148 : i32
          %dma_start3A_150 = arith.constant 0 : i32
          %dma_start3A_151 = arith.constant 0 : i32
          %dma_start3A_152 = tpu.memref_slice %arg2[%dma_start3A_150, %dma_start3A_151] : memref<10000x128xf32, #tpu.memory_space<hbm>> -> memref<10000x128xf32, #tpu.memory_space<hbm>>
          tpu.enqueue_indirect_dma source(%dma_start3A_152 : memref<10000x128xf32, #tpu.memory_space<hbm>>) target(%arg11 : memref<128x128xf32, #tpu.memory_space<vmem>>) offsets(%arg14 : memref<128xi32, #tpu.memory_space<vmem>>) semaphore(%arg20 : memref<!tpu.dma_semaphore, #tpu.memory_space<semaphore_mem>>)
        } else {
        }
        %lt3A_103 = arith.constant 79 : i32
        %lt3A_104 = arith.cmpi slt, %add3A_87, %lt3A_103 : i32
        %convert_element_type3A_105 = arith.extui %lt3A_104 : i1 to i32
        %cond3A_106 = arith.constant 0 : i32
        %cond3A_107 = arith.cmpi ne, %convert_element_type3A_105, %cond3A_106 : i32
        scf.if %cond3A_107 {
          %dma_wait3A_132 = arith.constant 0 : i32
          %dma_wait3A_133 = arith.constant 0 : i32
          %dma_wait3A_134 = tpu.memref_slice %arg2[%dma_wait3A_132, %dma_wait3A_133] : memref<10000x128xf32, #tpu.memory_space<hbm>> -> memref<10000x128xf32, #tpu.memory_space<hbm>>
          tpu.wait_indirect_dma semaphore(%arg19 : memref<!tpu.dma_semaphore, #tpu.memory_space<semaphore_mem>>) src(%dma_wait3A_134 : memref<10000x128xf32, #tpu.memory_space<hbm>>) dst(%arg10 : memref<128x128xf32, #tpu.memory_space<vmem>>)
          %add3A_135 = arith.constant 3 : i32
          %add3A_136 = arith.addi %add3A_87, %add3A_135 : i32
          %lt3A_137 = arith.constant 79 : i32
          %lt3A_138 = arith.cmpi slt, %add3A_136, %lt3A_137 : i32
          %convert_element_type3A_139 = arith.extui %lt3A_138 : i1 to i32
          %cond3A_140 = arith.constant 0 : i32
          %cond3A_141 = arith.cmpi ne, %convert_element_type3A_139, %cond3A_140 : i32
          scf.if %cond3A_141 {
            %add3A_151 = arith.constant 3 : i32
            %add3A_152 = arith.addi %add3A_87, %add3A_151 : i32
            %mul3A_153 = arith.constant 128 : i32
            %mul3A_154 = arith.muli %add3A_152, %mul3A_153 : i32
            %add3A_155 = arith.addi %multiple_of3A, %mul3A_154 : i32
            %multiple_of3A_156 = tpu.assume_multiple %add3A_155, 128 : i32
            %dma_start3A_157 = tpu.memref_slice %arg4[%multiple_of3A_156] : memref<161792xi32, #tpu.memory_space<hbm>> -> memref<128xi32, #tpu.memory_space<hbm>>
            %dma_start3A_158 = tpu.memref_slice %arg4[%multiple_of3A_156] : memref<161792xi32, #tpu.memory_space<hbm>> -> memref<128xi32, #tpu.memory_space<hbm>>
            tpu.enqueue_dma source(%dma_start3A_158 : memref<128xi32, #tpu.memory_space<hbm>>) target(%arg13 : memref<128xi32, #tpu.memory_space<vmem>>) target_semaphore(%arg25 : memref<!tpu.dma_semaphore, #tpu.memory_space<semaphore_mem>>)
          } else {
          }
          %mul3A_142 = arith.constant 128 : i32
          %mul3A_143 = arith.muli %add3A_87, %mul3A_142 : i32
          %add3A_144 = arith.addi %multiple_of3A, %mul3A_143 : i32
          %multiple_of3A_145 = tpu.assume_multiple %add3A_144, 128 : i32
          %dma_wait3A_146 = tpu.memref_slice %arg5[%multiple_of3A_145] : memref<161792xi32, #tpu.memory_space<hbm>> -> memref<128xi32, #tpu.memory_space<hbm>>
          %dma_wait3A_147 = tpu.memref_slice %arg5[%multiple_of3A_145] : memref<161792xi32, #tpu.memory_space<hbm>> -> memref<128xi32, #tpu.memory_space<hbm>>
          tpu.wait_dma2 semaphore(%arg28 : memref<!tpu.dma_semaphore, #tpu.memory_space<semaphore_mem>>) src(%dma_wait3A_147 : memref<128xi32, #tpu.memory_space<hbm>>) dst(%arg16 : memref<128xi32, #tpu.memory_space<vmem>>)
          %dma_start3A_148 = arith.constant 0 : i32
          %dma_start3A_149 = arith.constant 0 : i32
          %dma_start3A_150 = tpu.memref_slice %arg8[%dma_start3A_148, %dma_start3A_149] : memref<10008x128xf32, #tpu.memory_space<vmem_shared>> -> memref<10008x128xf32, #tpu.memory_space<vmem_shared>>
          tpu.enqueue_indirect_dma source(%arg10 : memref<128x128xf32, #tpu.memory_space<vmem>>) target(%dma_start3A_150 : memref<10008x128xf32, #tpu.memory_space<vmem_shared>>) offsets(%arg16 : memref<128xi32, #tpu.memory_space<vmem>>) semaphore(%arg22 : memref<!tpu.dma_semaphore, #tpu.memory_space<semaphore_mem>>) {add = true}
        } else {
        }
        %mul3A_108 = arith.constant 3 : i32
        %mul3A_109 = arith.muli %add3A_61, %mul3A_108 : i32
        %add3A_110 = arith.constant 2 : i32
        %add3A_111 = arith.addi %mul3A_109, %add3A_110 : i32
        %ge3A_112 = arith.constant 2 : i32
        %ge3A_113 = arith.cmpi sge, %add3A_111, %ge3A_112 : i32
        %lt3A_114 = arith.constant 81 : i32
        %lt3A_115 = arith.cmpi slt, %add3A_111, %lt3A_114 : i32
        %and3A_116 = arith.andi %ge3A_113, %lt3A_115 : i1
        %convert_element_type3A_117 = arith.extui %and3A_116 : i1 to i32
        %cond3A_118 = arith.constant 0 : i32
        %cond3A_119 = arith.cmpi ne, %convert_element_type3A_117, %cond3A_118 : i32
        scf.if %cond3A_119 {
          %sub3A = arith.constant 2 : i32
          %sub3A_132 = arith.subi %add3A_111, %sub3A : i32
          %dma_wait3A_133 = arith.constant 0 : i32
          %dma_wait3A_134 = arith.constant 0 : i32
          %dma_wait3A_135 = tpu.memref_slice %arg8[%dma_wait3A_133, %dma_wait3A_134] : memref<10008x128xf32, #tpu.memory_space<vmem_shared>> -> memref<10008x128xf32, #tpu.memory_space<vmem_shared>>
          tpu.wait_indirect_dma semaphore(%arg21 : memref<!tpu.dma_semaphore, #tpu.memory_space<semaphore_mem>>) src(%arg9 : memref<128x128xf32, #tpu.memory_space<vmem>>) dst(%dma_wait3A_135 : memref<10008x128xf32, #tpu.memory_space<vmem_shared>>)
        } else {
        }
        %add3A_120 = arith.constant 1 : i32
        %add3A_121 = arith.addi %add3A_111, %add3A_120 : i32
        %lt3A_122 = arith.constant 79 : i32
        %lt3A_123 = arith.cmpi slt, %add3A_121, %lt3A_122 : i32
        %convert_element_type3A_124 = arith.extui %lt3A_123 : i1 to i32
        %cond3A_125 = arith.constant 0 : i32
        %cond3A_126 = arith.cmpi ne, %convert_element_type3A_124, %cond3A_125 : i32
        scf.if %cond3A_126 {
          %add3A_132 = arith.constant 1 : i32
          %add3A_133 = arith.addi %add3A_111, %add3A_132 : i32
          %mul3A_134 = arith.constant 128 : i32
          %mul3A_135 = arith.muli %add3A_133, %mul3A_134 : i32
          %add3A_136 = arith.addi %multiple_of3A, %mul3A_135 : i32
          %multiple_of3A_137 = tpu.assume_multiple %add3A_136, 128 : i32
          %dma_start3A_138 = tpu.memref_slice %arg5[%multiple_of3A_137] : memref<161792xi32, #tpu.memory_space<hbm>> -> memref<128xi32, #tpu.memory_space<hbm>>
          %dma_start3A_139 = tpu.memref_slice %arg5[%multiple_of3A_137] : memref<161792xi32, #tpu.memory_space<hbm>> -> memref<128xi32, #tpu.memory_space<hbm>>
          tpu.enqueue_dma source(%dma_start3A_139 : memref<128xi32, #tpu.memory_space<hbm>>) target(%arg15 : memref<128xi32, #tpu.memory_space<vmem>>) target_semaphore(%arg27 : memref<!tpu.dma_semaphore, #tpu.memory_space<semaphore_mem>>)
          %add3A_140 = arith.constant 1 : i32
          %add3A_141 = arith.addi %add3A_111, %add3A_140 : i32
          %mul3A_142 = arith.constant 128 : i32
          %mul3A_143 = arith.muli %add3A_141, %mul3A_142 : i32
          %add3A_144 = arith.addi %multiple_of3A, %mul3A_143 : i32
          %multiple_of3A_145 = tpu.assume_multiple %add3A_144, 128 : i32
          %dma_wait3A_146 = tpu.memref_slice %arg4[%multiple_of3A_145] : memref<161792xi32, #tpu.memory_space<hbm>> -> memref<128xi32, #tpu.memory_space<hbm>>
          %dma_wait3A_147 = tpu.memref_slice %arg4[%multiple_of3A_145] : memref<161792xi32, #tpu.memory_space<hbm>> -> memref<128xi32, #tpu.memory_space<hbm>>
          tpu.wait_dma2 semaphore(%arg24 : memref<!tpu.dma_semaphore, #tpu.memory_space<semaphore_mem>>) src(%dma_wait3A_147 : memref<128xi32, #tpu.memory_space<hbm>>) dst(%arg12 : memref<128xi32, #tpu.memory_space<vmem>>)
          %add3A_148 = arith.constant 1 : i32
          %add3A_149 = arith.addi %add3A_111, %add3A_148 : i32
          %dma_start3A_150 = arith.constant 0 : i32
          %dma_start3A_151 = arith.constant 0 : i32
          %dma_start3A_152 = tpu.memref_slice %arg2[%dma_start3A_150, %dma_start3A_151] : memref<10000x128xf32, #tpu.memory_space<hbm>> -> memref<10000x128xf32, #tpu.memory_space<hbm>>
          tpu.enqueue_indirect_dma source(%dma_start3A_152 : memref<10000x128xf32, #tpu.memory_space<hbm>>) target(%arg9 : memref<128x128xf32, #tpu.memory_space<vmem>>) offsets(%arg12 : memref<128xi32, #tpu.memory_space<vmem>>) semaphore(%arg18 : memref<!tpu.dma_semaphore, #tpu.memory_space<semaphore_mem>>)
        } else {
        }
        %lt3A_127 = arith.constant 79 : i32
        %lt3A_128 = arith.cmpi slt, %add3A_111, %lt3A_127 : i32
        %convert_element_type3A_129 = arith.extui %lt3A_128 : i1 to i32
        %cond3A_130 = arith.constant 0 : i32
        %cond3A_131 = arith.cmpi ne, %convert_element_type3A_129, %cond3A_130 : i32
        scf.if %cond3A_131 {
          %dma_wait3A_132 = arith.constant 0 : i32
          %dma_wait3A_133 = arith.constant 0 : i32
          %dma_wait3A_134 = tpu.memref_slice %arg2[%dma_wait3A_132, %dma_wait3A_133] : memref<10000x128xf32, #tpu.memory_space<hbm>> -> memref<10000x128xf32, #tpu.memory_space<hbm>>
          tpu.wait_indirect_dma semaphore(%arg20 : memref<!tpu.dma_semaphore, #tpu.memory_space<semaphore_mem>>) src(%dma_wait3A_134 : memref<10000x128xf32, #tpu.memory_space<hbm>>) dst(%arg11 : memref<128x128xf32, #tpu.memory_space<vmem>>)
          %add3A_135 = arith.constant 3 : i32
          %add3A_136 = arith.addi %add3A_111, %add3A_135 : i32
          %lt3A_137 = arith.constant 79 : i32
          %lt3A_138 = arith.cmpi slt, %add3A_136, %lt3A_137 : i32
          %convert_element_type3A_139 = arith.extui %lt3A_138 : i1 to i32
          %cond3A_140 = arith.constant 0 : i32
          %cond3A_141 = arith.cmpi ne, %convert_element_type3A_139, %cond3A_140 : i32
          scf.if %cond3A_141 {
            %add3A_151 = arith.constant 3 : i32
            %add3A_152 = arith.addi %add3A_111, %add3A_151 : i32
            %mul3A_153 = arith.constant 128 : i32
            %mul3A_154 = arith.muli %add3A_152, %mul3A_153 : i32
            %add3A_155 = arith.addi %multiple_of3A, %mul3A_154 : i32
            %multiple_of3A_156 = tpu.assume_multiple %add3A_155, 128 : i32
            %dma_start3A_157 = tpu.memref_slice %arg4[%multiple_of3A_156] : memref<161792xi32, #tpu.memory_space<hbm>> -> memref<128xi32, #tpu.memory_space<hbm>>
            %dma_start3A_158 = tpu.memref_slice %arg4[%multiple_of3A_156] : memref<161792xi32, #tpu.memory_space<hbm>> -> memref<128xi32, #tpu.memory_space<hbm>>
            tpu.enqueue_dma source(%dma_start3A_158 : memref<128xi32, #tpu.memory_space<hbm>>) target(%arg14 : memref<128xi32, #tpu.memory_space<vmem>>) target_semaphore(%arg26 : memref<!tpu.dma_semaphore, #tpu.memory_space<semaphore_mem>>)
          } else {
          }
          %mul3A_142 = arith.constant 128 : i32
          %mul3A_143 = arith.muli %add3A_111, %mul3A_142 : i32
          %add3A_144 = arith.addi %multiple_of3A, %mul3A_143 : i32
          %multiple_of3A_145 = tpu.assume_multiple %add3A_144, 128 : i32
          %dma_wait3A_146 = tpu.memref_slice %arg5[%multiple_of3A_145] : memref<161792xi32, #tpu.memory_space<hbm>> -> memref<128xi32, #tpu.memory_space<hbm>>
          %dma_wait3A_147 = tpu.memref_slice %arg5[%multiple_of3A_145] : memref<161792xi32, #tpu.memory_space<hbm>> -> memref<128xi32, #tpu.memory_space<hbm>>
          tpu.wait_dma2 semaphore(%arg29 : memref<!tpu.dma_semaphore, #tpu.memory_space<semaphore_mem>>) src(%dma_wait3A_147 : memref<128xi32, #tpu.memory_space<hbm>>) dst(%arg17 : memref<128xi32, #tpu.memory_space<vmem>>)
          %dma_start3A_148 = arith.constant 0 : i32
          %dma_start3A_149 = arith.constant 0 : i32
          %dma_start3A_150 = tpu.memref_slice %arg8[%dma_start3A_148, %dma_start3A_149] : memref<10008x128xf32, #tpu.memory_space<vmem_shared>> -> memref<10008x128xf32, #tpu.memory_space<vmem_shared>>
          tpu.enqueue_indirect_dma source(%arg11 : memref<128x128xf32, #tpu.memory_space<vmem>>) target(%dma_start3A_150 : memref<10008x128xf32, #tpu.memory_space<vmem_shared>>) offsets(%arg17 : memref<128xi32, #tpu.memory_space<vmem>>) semaphore(%arg23 : memref<!tpu.dma_semaphore, #tpu.memory_space<semaphore_mem>>) {add = true}
        } else {
        }
      }
      %scan3A_45 = arith.constant 28 : i32
      %barrier3A_46 = arith.constant 0 : index
      tpu.barrier barrier_id(%barrier3A_46)
      %lt3A_47 = arith.constant 15 : i32
      %lt3A_48 = arith.cmpi slt, %arg1, %lt3A_47 : i32
      %convert_element_type3A_49 = arith.extui %lt3A_48 : i1 to i32
      %cond3A_50 = arith.constant 0 : i32
      %cond3A_51 = arith.cmpi ne, %convert_element_type3A_49, %cond3A_50 : i32
      scf.if %cond3A_51 {
        %mul3A_57 = arith.constant 632 : i32
        %mul3A_58 = arith.muli %arg1, %mul3A_57 : i32
        %multiple_of3A_59 = tpu.assume_multiple %mul3A_58, 8 : i32
        "tpu.region"() ({
          %run_scoped3A = tpu.sem_alloc : memref<!tpu.dma_semaphore, #tpu.memory_space<semaphore_mem>>
          %dma_start3A_60 = arith.constant 0 : i32
          %dma_start3A_61 = tpu.memref_slice %arg6[%multiple_of3A_59, %dma_start3A_60] : memref<10000x128xf32, #tpu.memory_space<hbm>> -> memref<632x128xf32, #tpu.memory_space<hbm>>
          %dma_start3A_62 = arith.constant 0 : i32
          %dma_start3A_63 = tpu.memref_slice %arg8[%multiple_of3A_59, %dma_start3A_62] : memref<10008x128xf32, #tpu.memory_space<vmem_shared>> -> memref<632x128xf32, #tpu.memory_space<vmem_shared>>
          tpu.enqueue_dma source(%dma_start3A_63 : memref<632x128xf32, #tpu.memory_space<vmem_shared>>) target(%dma_start3A_61 : memref<632x128xf32, #tpu.memory_space<hbm>>) target_semaphore(%run_scoped3A : memref<!tpu.dma_semaphore, #tpu.memory_space<semaphore_mem>>)
          %dma_wait3A_64 = arith.constant 0 : i32
          %dma_wait3A_65 = tpu.memref_slice %arg6[%multiple_of3A_59, %dma_wait3A_64] : memref<10000x128xf32, #tpu.memory_space<hbm>> -> memref<632x128xf32, #tpu.memory_space<hbm>>
          %dma_wait3A_66 = arith.constant 0 : i32
          %dma_wait3A_67 = tpu.memref_slice %arg8[%multiple_of3A_59, %dma_wait3A_66] : memref<10008x128xf32, #tpu.memory_space<vmem_shared>> -> memref<632x128xf32, #tpu.memory_space<vmem_shared>>
          tpu.wait_dma2 semaphore(%run_scoped3A : memref<!tpu.dma_semaphore, #tpu.memory_space<semaphore_mem>>) src(%dma_wait3A_67 : memref<632x128xf32, #tpu.memory_space<vmem_shared>>) dst(%dma_wait3A_65 : memref<632x128xf32, #tpu.memory_space<hbm>>)
          tpu.yield
        }) : () -> ()
      } else {
      }
      %eq3A_52 = arith.constant 15 : i32
      %eq3A_53 = arith.cmpi eq, %arg1, %eq3A_52 : i32
      %convert_element_type3A_54 = arith.extui %eq3A_53 : i1 to i32
      %cond3A_55 = arith.constant 0 : i32
      %cond3A_56 = arith.cmpi ne, %convert_element_type3A_54, %cond3A_55 : i32
      scf.if %cond3A_56 {
        "tpu.region"() ({
          %run_scoped3A = tpu.sem_alloc : memref<!tpu.dma_semaphore, #tpu.memory_space<semaphore_mem>>
          %dma_start3A_57 = arith.constant 9480 : i32
          %dma_start3A_58 = arith.constant 0 : i32
          %dma_start3A_59 = tpu.memref_slice %arg6[%dma_start3A_57, %dma_start3A_58] : memref<10000x128xf32, #tpu.memory_space<hbm>> -> memref<520x128xf32, #tpu.memory_space<hbm>>
          %dma_start3A_60 = arith.constant 9480 : i32
          %dma_start3A_61 = arith.constant 0 : i32
          %dma_start3A_62 = tpu.memref_slice %arg8[%dma_start3A_60, %dma_start3A_61] : memref<10008x128xf32, #tpu.memory_space<vmem_shared>> -> memref<520x128xf32, #tpu.memory_space<vmem_shared>>
          tpu.enqueue_dma source(%dma_start3A_62 : memref<520x128xf32, #tpu.memory_space<vmem_shared>>) target(%dma_start3A_59 : memref<520x128xf32, #tpu.memory_space<hbm>>) target_semaphore(%run_scoped3A : memref<!tpu.dma_semaphore, #tpu.memory_space<semaphore_mem>>)
          %dma_wait3A_63 = arith.constant 9480 : i32
          %dma_wait3A_64 = arith.constant 0 : i32
          %dma_wait3A_65 = tpu.memref_slice %arg6[%dma_wait3A_63, %dma_wait3A_64] : memref<10000x128xf32, #tpu.memory_space<hbm>> -> memref<520x128xf32, #tpu.memory_space<hbm>>
          %dma_wait3A_66 = arith.constant 9480 : i32
          %dma_wait3A_67 = arith.constant 0 : i32
          %dma_wait3A_68 = tpu.memref_slice %arg8[%dma_wait3A_66, %dma_wait3A_67] : memref<10008x128xf32, #tpu.memory_space<vmem_shared>> -> memref<520x128xf32, #tpu.memory_space<vmem_shared>>
          tpu.wait_dma2 semaphore(%run_scoped3A : memref<!tpu.dma_semaphore, #tpu.memory_space<semaphore_mem>>) src(%dma_wait3A_68 : memref<520x128xf32, #tpu.memory_space<vmem_shared>>) dst(%dma_wait3A_65 : memref<520x128xf32, #tpu.memory_space<hbm>>)
          tpu.yield
        }) : () -> ()
      } else {
      }
    } else {
    }
    %eq3A_2 = arith.constant 1 : i32
    %eq3A_3 = arith.cmpi eq, %arg0, %eq3A_2 : i32
    %convert_element_type3A_4 = arith.extui %eq3A_3 : i1 to i32
    %cond3A_5 = arith.constant 0 : i32
    %cond3A_6 = arith.cmpi ne, %convert_element_type3A_4, %cond3A_5 : i32
    scf.if %cond3A_6 {
      %lt3A = arith.constant 15 : i32
      %lt3A_7 = arith.cmpi slt, %arg1, %lt3A : i32
      %convert_element_type3A_8 = arith.extui %lt3A_7 : i1 to i32
      %cond3A_9 = arith.constant 0 : i32
      %cond3A_10 = arith.cmpi ne, %convert_element_type3A_8, %cond3A_9 : i32
      scf.if %cond3A_10 {
        %mul3A_57 = arith.constant 632 : i32
        %mul3A_58 = arith.muli %arg1, %mul3A_57 : i32
        %multiple_of3A_59 = tpu.assume_multiple %mul3A_58, 8 : i32
        "tpu.region"() ({
          %run_scoped3A = tpu.sem_alloc : memref<!tpu.dma_semaphore, #tpu.memory_space<semaphore_mem>>
          %dma_start3A_60 = arith.constant 0 : i32
          %dma_start3A_61 = tpu.memref_slice %arg8[%multiple_of3A_59, %dma_start3A_60] : memref<10008x128xf32, #tpu.memory_space<vmem_shared>> -> memref<632x128xf32, #tpu.memory_space<vmem_shared>>
          %dma_start3A_62 = arith.constant 0 : i32
          %dma_start3A_63 = tpu.memref_slice %arg3[%multiple_of3A_59, %dma_start3A_62] : memref<10000x128xf32, #tpu.memory_space<hbm>> -> memref<632x128xf32, #tpu.memory_space<hbm>>
          tpu.enqueue_dma source(%dma_start3A_63 : memref<632x128xf32, #tpu.memory_space<hbm>>) target(%dma_start3A_61 : memref<632x128xf32, #tpu.memory_space<vmem_shared>>) target_semaphore(%run_scoped3A : memref<!tpu.dma_semaphore, #tpu.memory_space<semaphore_mem>>)
          %dma_wait3A_64 = arith.constant 0 : i32
          %dma_wait3A_65 = tpu.memref_slice %arg8[%multiple_of3A_59, %dma_wait3A_64] : memref<10008x128xf32, #tpu.memory_space<vmem_shared>> -> memref<632x128xf32, #tpu.memory_space<vmem_shared>>
          %dma_wait3A_66 = arith.constant 0 : i32
          %dma_wait3A_67 = tpu.memref_slice %arg3[%multiple_of3A_59, %dma_wait3A_66] : memref<10000x128xf32, #tpu.memory_space<hbm>> -> memref<632x128xf32, #tpu.memory_space<hbm>>
          tpu.wait_dma2 semaphore(%run_scoped3A : memref<!tpu.dma_semaphore, #tpu.memory_space<semaphore_mem>>) src(%dma_wait3A_67 : memref<632x128xf32, #tpu.memory_space<hbm>>) dst(%dma_wait3A_65 : memref<632x128xf32, #tpu.memory_space<vmem_shared>>)
          tpu.yield
        }) : () -> ()
      } else {
      }
      %eq3A_11 = arith.constant 15 : i32
      %eq3A_12 = arith.cmpi eq, %arg1, %eq3A_11 : i32
      %convert_element_type3A_13 = arith.extui %eq3A_12 : i1 to i32
      %cond3A_14 = arith.constant 0 : i32
      %cond3A_15 = arith.cmpi ne, %convert_element_type3A_13, %cond3A_14 : i32
      scf.if %cond3A_15 {
        "tpu.region"() ({
          %run_scoped3A = tpu.sem_alloc : memref<!tpu.dma_semaphore, #tpu.memory_space<semaphore_mem>>
          %dma_start3A_57 = arith.constant 9480 : i32
          %dma_start3A_58 = arith.constant 0 : i32
          %dma_start3A_59 = tpu.memref_slice %arg8[%dma_start3A_57, %dma_start3A_58] : memref<10008x128xf32, #tpu.memory_space<vmem_shared>> -> memref<520x128xf32, #tpu.memory_space<vmem_shared>>
          %dma_start3A_60 = arith.constant 9480 : i32
          %dma_start3A_61 = arith.constant 0 : i32
          %dma_start3A_62 = tpu.memref_slice %arg3[%dma_start3A_60, %dma_start3A_61] : memref<10000x128xf32, #tpu.memory_space<hbm>> -> memref<520x128xf32, #tpu.memory_space<hbm>>
          tpu.enqueue_dma source(%dma_start3A_62 : memref<520x128xf32, #tpu.memory_space<hbm>>) target(%dma_start3A_59 : memref<520x128xf32, #tpu.memory_space<vmem_shared>>) target_semaphore(%run_scoped3A : memref<!tpu.dma_semaphore, #tpu.memory_space<semaphore_mem>>)
          %dma_wait3A_63 = arith.constant 9480 : i32
          %dma_wait3A_64 = arith.constant 0 : i32
          %dma_wait3A_65 = tpu.memref_slice %arg8[%dma_wait3A_63, %dma_wait3A_64] : memref<10008x128xf32, #tpu.memory_space<vmem_shared>> -> memref<520x128xf32, #tpu.memory_space<vmem_shared>>
          %dma_wait3A_66 = arith.constant 9480 : i32
          %dma_wait3A_67 = arith.constant 0 : i32
          %dma_wait3A_68 = tpu.memref_slice %arg3[%dma_wait3A_66, %dma_wait3A_67] : memref<10000x128xf32, #tpu.memory_space<hbm>> -> memref<520x128xf32, #tpu.memory_space<hbm>>
          tpu.wait_dma2 semaphore(%run_scoped3A : memref<!tpu.dma_semaphore, #tpu.memory_space<semaphore_mem>>) src(%dma_wait3A_68 : memref<520x128xf32, #tpu.memory_space<hbm>>) dst(%dma_wait3A_65 : memref<520x128xf32, #tpu.memory_space<vmem_shared>>)
          tpu.yield
        }) : () -> ()
      } else {
      }
      %barrier3A = arith.constant 0 : index
      tpu.barrier barrier_id(%barrier3A)
      %mul3A = arith.constant 10112 : i32
      %mul3A_16 = arith.muli %arg1, %mul3A : i32
      %multiple_of3A = tpu.assume_multiple %mul3A_16, 128 : i32
      %add3A = arith.constant 0 : i32
      %add3A_17 = arith.addi %multiple_of3A, %add3A : i32
      %multiple_of3A_18 = tpu.assume_multiple %add3A_17, 128 : i32
      %dma_start3A = tpu.memref_slice %arg4[%multiple_of3A_18] : memref<161792xi32, #tpu.memory_space<hbm>> -> memref<128xi32, #tpu.memory_space<hbm>>
      %dma_start3A_19 = tpu.memref_slice %arg4[%multiple_of3A_18] : memref<161792xi32, #tpu.memory_space<hbm>> -> memref<128xi32, #tpu.memory_space<hbm>>
      tpu.enqueue_dma source(%dma_start3A_19 : memref<128xi32, #tpu.memory_space<hbm>>) target(%arg12 : memref<128xi32, #tpu.memory_space<vmem>>) target_semaphore(%arg24 : memref<!tpu.dma_semaphore, #tpu.memory_space<semaphore_mem>>)
      %add3A_20 = arith.constant 128 : i32
      %add3A_21 = arith.addi %multiple_of3A, %add3A_20 : i32
      %multiple_of3A_22 = tpu.assume_multiple %add3A_21, 128 : i32
      %dma_start3A_23 = tpu.memref_slice %arg4[%multiple_of3A_22] : memref<161792xi32, #tpu.memory_space<hbm>> -> memref<128xi32, #tpu.memory_space<hbm>>
      %dma_start3A_24 = tpu.memref_slice %arg4[%multiple_of3A_22] : memref<161792xi32, #tpu.memory_space<hbm>> -> memref<128xi32, #tpu.memory_space<hbm>>
      tpu.enqueue_dma source(%dma_start3A_24 : memref<128xi32, #tpu.memory_space<hbm>>) target(%arg13 : memref<128xi32, #tpu.memory_space<vmem>>) target_semaphore(%arg25 : memref<!tpu.dma_semaphore, #tpu.memory_space<semaphore_mem>>)
      %add3A_25 = arith.constant 256 : i32
      %add3A_26 = arith.addi %multiple_of3A, %add3A_25 : i32
      %multiple_of3A_27 = tpu.assume_multiple %add3A_26, 128 : i32
      %dma_start3A_28 = tpu.memref_slice %arg4[%multiple_of3A_27] : memref<161792xi32, #tpu.memory_space<hbm>> -> memref<128xi32, #tpu.memory_space<hbm>>
      %dma_start3A_29 = tpu.memref_slice %arg4[%multiple_of3A_27] : memref<161792xi32, #tpu.memory_space<hbm>> -> memref<128xi32, #tpu.memory_space<hbm>>
      tpu.enqueue_dma source(%dma_start3A_29 : memref<128xi32, #tpu.memory_space<hbm>>) target(%arg14 : memref<128xi32, #tpu.memory_space<vmem>>) target_semaphore(%arg26 : memref<!tpu.dma_semaphore, #tpu.memory_space<semaphore_mem>>)
      %add3A_30 = arith.constant 0 : i32
      %add3A_31 = arith.addi %multiple_of3A, %add3A_30 : i32
      %multiple_of3A_32 = tpu.assume_multiple %add3A_31, 128 : i32
      %dma_start3A_33 = tpu.memref_slice %arg5[%multiple_of3A_32] : memref<161792xi32, #tpu.memory_space<hbm>> -> memref<128xi32, #tpu.memory_space<hbm>>
      %dma_start3A_34 = tpu.memref_slice %arg5[%multiple_of3A_32] : memref<161792xi32, #tpu.memory_space<hbm>> -> memref<128xi32, #tpu.memory_space<hbm>>
      tpu.enqueue_dma source(%dma_start3A_34 : memref<128xi32, #tpu.memory_space<hbm>>) target(%arg15 : memref<128xi32, #tpu.memory_space<vmem>>) target_semaphore(%arg27 : memref<!tpu.dma_semaphore, #tpu.memory_space<semaphore_mem>>)
      %add3A_35 = arith.constant 0 : i32
      %add3A_36 = arith.addi %multiple_of3A, %add3A_35 : i32
      %multiple_of3A_37 = tpu.assume_multiple %add3A_36, 128 : i32
      %dma_wait3A = tpu.memref_slice %arg4[%multiple_of3A_37] : memref<161792xi32, #tpu.memory_space<hbm>> -> memref<128xi32, #tpu.memory_space<hbm>>
      %dma_wait3A_38 = tpu.memref_slice %arg4[%multiple_of3A_37] : memref<161792xi32, #tpu.memory_space<hbm>> -> memref<128xi32, #tpu.memory_space<hbm>>
      tpu.wait_dma2 semaphore(%arg24 : memref<!tpu.dma_semaphore, #tpu.memory_space<semaphore_mem>>) src(%dma_wait3A_38 : memref<128xi32, #tpu.memory_space<hbm>>) dst(%arg12 : memref<128xi32, #tpu.memory_space<vmem>>)
      %dma_start3A_39 = arith.constant 0 : i32
      %dma_start3A_40 = arith.constant 0 : i32
      %dma_start3A_41 = tpu.memref_slice %arg3[%dma_start3A_39, %dma_start3A_40] : memref<10000x128xf32, #tpu.memory_space<hbm>> -> memref<10000x128xf32, #tpu.memory_space<hbm>>
      tpu.enqueue_indirect_dma source(%dma_start3A_41 : memref<10000x128xf32, #tpu.memory_space<hbm>>) target(%arg9 : memref<128x128xf32, #tpu.memory_space<vmem>>) offsets(%arg12 : memref<128xi32, #tpu.memory_space<vmem>>) semaphore(%arg18 : memref<!tpu.dma_semaphore, #tpu.memory_space<semaphore_mem>>)
      %scan3A = arith.constant 0 : i32
      %scan3A_42 = arith.constant 28 : i32
      %scan3A_43 = arith.addi %scan3A, %scan3A_42 : i32
      %scan3A_44 = arith.constant 1 : i32
      scf.for %scan3A_57 = %scan3A to %scan3A_43 step %scan3A_44  : i32 {
        %mul3A_58 = arith.constant 1 : i32
        %mul3A_59 = arith.muli %scan3A_57, %mul3A_58 : i32
        %add3A_60 = arith.constant 0 : i32
        %add3A_61 = arith.addi %add3A_60, %mul3A_59 : i32
        %mul3A_62 = arith.constant 3 : i32
        %mul3A_63 = arith.muli %add3A_61, %mul3A_62 : i32
        %add3A_64 = arith.constant 0 : i32
        %add3A_65 = arith.addi %mul3A_63, %add3A_64 : i32
        %ge3A = arith.constant 2 : i32
        %ge3A_66 = arith.cmpi sge, %add3A_65, %ge3A : i32
        %lt3A_67 = arith.constant 81 : i32
        %lt3A_68 = arith.cmpi slt, %add3A_65, %lt3A_67 : i32
        %and3A = arith.andi %ge3A_66, %lt3A_68 : i1
        %convert_element_type3A_69 = arith.extui %and3A : i1 to i32
        %cond3A_70 = arith.constant 0 : i32
        %cond3A_71 = arith.cmpi ne, %convert_element_type3A_69, %cond3A_70 : i32
        scf.if %cond3A_71 {
          %sub3A = arith.constant 2 : i32
          %sub3A_132 = arith.subi %add3A_65, %sub3A : i32
          %dma_wait3A_133 = arith.constant 0 : i32
          %dma_wait3A_134 = arith.constant 0 : i32
          %dma_wait3A_135 = tpu.memref_slice %arg8[%dma_wait3A_133, %dma_wait3A_134] : memref<10008x128xf32, #tpu.memory_space<vmem_shared>> -> memref<10008x128xf32, #tpu.memory_space<vmem_shared>>
          tpu.wait_indirect_dma semaphore(%arg22 : memref<!tpu.dma_semaphore, #tpu.memory_space<semaphore_mem>>) src(%arg10 : memref<128x128xf32, #tpu.memory_space<vmem>>) dst(%dma_wait3A_135 : memref<10008x128xf32, #tpu.memory_space<vmem_shared>>)
        } else {
        }
        %add3A_72 = arith.constant 1 : i32
        %add3A_73 = arith.addi %add3A_65, %add3A_72 : i32
        %lt3A_74 = arith.constant 79 : i32
        %lt3A_75 = arith.cmpi slt, %add3A_73, %lt3A_74 : i32
        %convert_element_type3A_76 = arith.extui %lt3A_75 : i1 to i32
        %cond3A_77 = arith.constant 0 : i32
        %cond3A_78 = arith.cmpi ne, %convert_element_type3A_76, %cond3A_77 : i32
        scf.if %cond3A_78 {
          %add3A_132 = arith.constant 1 : i32
          %add3A_133 = arith.addi %add3A_65, %add3A_132 : i32
          %mul3A_134 = arith.constant 128 : i32
          %mul3A_135 = arith.muli %add3A_133, %mul3A_134 : i32
          %add3A_136 = arith.addi %multiple_of3A, %mul3A_135 : i32
          %multiple_of3A_137 = tpu.assume_multiple %add3A_136, 128 : i32
          %dma_start3A_138 = tpu.memref_slice %arg5[%multiple_of3A_137] : memref<161792xi32, #tpu.memory_space<hbm>> -> memref<128xi32, #tpu.memory_space<hbm>>
          %dma_start3A_139 = tpu.memref_slice %arg5[%multiple_of3A_137] : memref<161792xi32, #tpu.memory_space<hbm>> -> memref<128xi32, #tpu.memory_space<hbm>>
          tpu.enqueue_dma source(%dma_start3A_139 : memref<128xi32, #tpu.memory_space<hbm>>) target(%arg16 : memref<128xi32, #tpu.memory_space<vmem>>) target_semaphore(%arg28 : memref<!tpu.dma_semaphore, #tpu.memory_space<semaphore_mem>>)
          %add3A_140 = arith.constant 1 : i32
          %add3A_141 = arith.addi %add3A_65, %add3A_140 : i32
          %mul3A_142 = arith.constant 128 : i32
          %mul3A_143 = arith.muli %add3A_141, %mul3A_142 : i32
          %add3A_144 = arith.addi %multiple_of3A, %mul3A_143 : i32
          %multiple_of3A_145 = tpu.assume_multiple %add3A_144, 128 : i32
          %dma_wait3A_146 = tpu.memref_slice %arg4[%multiple_of3A_145] : memref<161792xi32, #tpu.memory_space<hbm>> -> memref<128xi32, #tpu.memory_space<hbm>>
          %dma_wait3A_147 = tpu.memref_slice %arg4[%multiple_of3A_145] : memref<161792xi32, #tpu.memory_space<hbm>> -> memref<128xi32, #tpu.memory_space<hbm>>
          tpu.wait_dma2 semaphore(%arg25 : memref<!tpu.dma_semaphore, #tpu.memory_space<semaphore_mem>>) src(%dma_wait3A_147 : memref<128xi32, #tpu.memory_space<hbm>>) dst(%arg13 : memref<128xi32, #tpu.memory_space<vmem>>)
          %add3A_148 = arith.constant 1 : i32
          %add3A_149 = arith.addi %add3A_65, %add3A_148 : i32
          %dma_start3A_150 = arith.constant 0 : i32
          %dma_start3A_151 = arith.constant 0 : i32
          %dma_start3A_152 = tpu.memref_slice %arg3[%dma_start3A_150, %dma_start3A_151] : memref<10000x128xf32, #tpu.memory_space<hbm>> -> memref<10000x128xf32, #tpu.memory_space<hbm>>
          tpu.enqueue_indirect_dma source(%dma_start3A_152 : memref<10000x128xf32, #tpu.memory_space<hbm>>) target(%arg10 : memref<128x128xf32, #tpu.memory_space<vmem>>) offsets(%arg13 : memref<128xi32, #tpu.memory_space<vmem>>) semaphore(%arg19 : memref<!tpu.dma_semaphore, #tpu.memory_space<semaphore_mem>>)
        } else {
        }
        %lt3A_79 = arith.constant 79 : i32
        %lt3A_80 = arith.cmpi slt, %add3A_65, %lt3A_79 : i32
        %convert_element_type3A_81 = arith.extui %lt3A_80 : i1 to i32
        %cond3A_82 = arith.constant 0 : i32
        %cond3A_83 = arith.cmpi ne, %convert_element_type3A_81, %cond3A_82 : i32
        scf.if %cond3A_83 {
          %dma_wait3A_132 = arith.constant 0 : i32
          %dma_wait3A_133 = arith.constant 0 : i32
          %dma_wait3A_134 = tpu.memref_slice %arg3[%dma_wait3A_132, %dma_wait3A_133] : memref<10000x128xf32, #tpu.memory_space<hbm>> -> memref<10000x128xf32, #tpu.memory_space<hbm>>
          tpu.wait_indirect_dma semaphore(%arg18 : memref<!tpu.dma_semaphore, #tpu.memory_space<semaphore_mem>>) src(%dma_wait3A_134 : memref<10000x128xf32, #tpu.memory_space<hbm>>) dst(%arg9 : memref<128x128xf32, #tpu.memory_space<vmem>>)
          %add3A_135 = arith.constant 3 : i32
          %add3A_136 = arith.addi %add3A_65, %add3A_135 : i32
          %lt3A_137 = arith.constant 79 : i32
          %lt3A_138 = arith.cmpi slt, %add3A_136, %lt3A_137 : i32
          %convert_element_type3A_139 = arith.extui %lt3A_138 : i1 to i32
          %cond3A_140 = arith.constant 0 : i32
          %cond3A_141 = arith.cmpi ne, %convert_element_type3A_139, %cond3A_140 : i32
          scf.if %cond3A_141 {
            %add3A_151 = arith.constant 3 : i32
            %add3A_152 = arith.addi %add3A_65, %add3A_151 : i32
            %mul3A_153 = arith.constant 128 : i32
            %mul3A_154 = arith.muli %add3A_152, %mul3A_153 : i32
            %add3A_155 = arith.addi %multiple_of3A, %mul3A_154 : i32
            %multiple_of3A_156 = tpu.assume_multiple %add3A_155, 128 : i32
            %dma_start3A_157 = tpu.memref_slice %arg4[%multiple_of3A_156] : memref<161792xi32, #tpu.memory_space<hbm>> -> memref<128xi32, #tpu.memory_space<hbm>>
            %dma_start3A_158 = tpu.memref_slice %arg4[%multiple_of3A_156] : memref<161792xi32, #tpu.memory_space<hbm>> -> memref<128xi32, #tpu.memory_space<hbm>>
            tpu.enqueue_dma source(%dma_start3A_158 : memref<128xi32, #tpu.memory_space<hbm>>) target(%arg12 : memref<128xi32, #tpu.memory_space<vmem>>) target_semaphore(%arg24 : memref<!tpu.dma_semaphore, #tpu.memory_space<semaphore_mem>>)
          } else {
          }
          %mul3A_142 = arith.constant 128 : i32
          %mul3A_143 = arith.muli %add3A_65, %mul3A_142 : i32
          %add3A_144 = arith.addi %multiple_of3A, %mul3A_143 : i32
          %multiple_of3A_145 = tpu.assume_multiple %add3A_144, 128 : i32
          %dma_wait3A_146 = tpu.memref_slice %arg5[%multiple_of3A_145] : memref<161792xi32, #tpu.memory_space<hbm>> -> memref<128xi32, #tpu.memory_space<hbm>>
          %dma_wait3A_147 = tpu.memref_slice %arg5[%multiple_of3A_145] : memref<161792xi32, #tpu.memory_space<hbm>> -> memref<128xi32, #tpu.memory_space<hbm>>
          tpu.wait_dma2 semaphore(%arg27 : memref<!tpu.dma_semaphore, #tpu.memory_space<semaphore_mem>>) src(%dma_wait3A_147 : memref<128xi32, #tpu.memory_space<hbm>>) dst(%arg15 : memref<128xi32, #tpu.memory_space<vmem>>)
          %dma_start3A_148 = arith.constant 0 : i32
          %dma_start3A_149 = arith.constant 0 : i32
          %dma_start3A_150 = tpu.memref_slice %arg8[%dma_start3A_148, %dma_start3A_149] : memref<10008x128xf32, #tpu.memory_space<vmem_shared>> -> memref<10008x128xf32, #tpu.memory_space<vmem_shared>>
          tpu.enqueue_indirect_dma source(%arg9 : memref<128x128xf32, #tpu.memory_space<vmem>>) target(%dma_start3A_150 : memref<10008x128xf32, #tpu.memory_space<vmem_shared>>) offsets(%arg15 : memref<128xi32, #tpu.memory_space<vmem>>) semaphore(%arg21 : memref<!tpu.dma_semaphore, #tpu.memory_space<semaphore_mem>>) {add = true}
        } else {
        }
        %mul3A_84 = arith.constant 3 : i32
        %mul3A_85 = arith.muli %add3A_61, %mul3A_84 : i32
        %add3A_86 = arith.constant 1 : i32
        %add3A_87 = arith.addi %mul3A_85, %add3A_86 : i32
        %ge3A_88 = arith.constant 2 : i32
        %ge3A_89 = arith.cmpi sge, %add3A_87, %ge3A_88 : i32
        %lt3A_90 = arith.constant 81 : i32
        %lt3A_91 = arith.cmpi slt, %add3A_87, %lt3A_90 : i32
        %and3A_92 = arith.andi %ge3A_89, %lt3A_91 : i1
        %convert_element_type3A_93 = arith.extui %and3A_92 : i1 to i32
        %cond3A_94 = arith.constant 0 : i32
        %cond3A_95 = arith.cmpi ne, %convert_element_type3A_93, %cond3A_94 : i32
        scf.if %cond3A_95 {
          %sub3A = arith.constant 2 : i32
          %sub3A_132 = arith.subi %add3A_87, %sub3A : i32
          %dma_wait3A_133 = arith.constant 0 : i32
          %dma_wait3A_134 = arith.constant 0 : i32
          %dma_wait3A_135 = tpu.memref_slice %arg8[%dma_wait3A_133, %dma_wait3A_134] : memref<10008x128xf32, #tpu.memory_space<vmem_shared>> -> memref<10008x128xf32, #tpu.memory_space<vmem_shared>>
          tpu.wait_indirect_dma semaphore(%arg23 : memref<!tpu.dma_semaphore, #tpu.memory_space<semaphore_mem>>) src(%arg11 : memref<128x128xf32, #tpu.memory_space<vmem>>) dst(%dma_wait3A_135 : memref<10008x128xf32, #tpu.memory_space<vmem_shared>>)
        } else {
        }
        %add3A_96 = arith.constant 1 : i32
        %add3A_97 = arith.addi %add3A_87, %add3A_96 : i32
        %lt3A_98 = arith.constant 79 : i32
        %lt3A_99 = arith.cmpi slt, %add3A_97, %lt3A_98 : i32
        %convert_element_type3A_100 = arith.extui %lt3A_99 : i1 to i32
        %cond3A_101 = arith.constant 0 : i32
        %cond3A_102 = arith.cmpi ne, %convert_element_type3A_100, %cond3A_101 : i32
        scf.if %cond3A_102 {
          %add3A_132 = arith.constant 1 : i32
          %add3A_133 = arith.addi %add3A_87, %add3A_132 : i32
          %mul3A_134 = arith.constant 128 : i32
          %mul3A_135 = arith.muli %add3A_133, %mul3A_134 : i32
          %add3A_136 = arith.addi %multiple_of3A, %mul3A_135 : i32
          %multiple_of3A_137 = tpu.assume_multiple %add3A_136, 128 : i32
          %dma_start3A_138 = tpu.memref_slice %arg5[%multiple_of3A_137] : memref<161792xi32, #tpu.memory_space<hbm>> -> memref<128xi32, #tpu.memory_space<hbm>>
          %dma_start3A_139 = tpu.memref_slice %arg5[%multiple_of3A_137] : memref<161792xi32, #tpu.memory_space<hbm>> -> memref<128xi32, #tpu.memory_space<hbm>>
          tpu.enqueue_dma source(%dma_start3A_139 : memref<128xi32, #tpu.memory_space<hbm>>) target(%arg17 : memref<128xi32, #tpu.memory_space<vmem>>) target_semaphore(%arg29 : memref<!tpu.dma_semaphore, #tpu.memory_space<semaphore_mem>>)
          %add3A_140 = arith.constant 1 : i32
          %add3A_141 = arith.addi %add3A_87, %add3A_140 : i32
          %mul3A_142 = arith.constant 128 : i32
          %mul3A_143 = arith.muli %add3A_141, %mul3A_142 : i32
          %add3A_144 = arith.addi %multiple_of3A, %mul3A_143 : i32
          %multiple_of3A_145 = tpu.assume_multiple %add3A_144, 128 : i32
          %dma_wait3A_146 = tpu.memref_slice %arg4[%multiple_of3A_145] : memref<161792xi32, #tpu.memory_space<hbm>> -> memref<128xi32, #tpu.memory_space<hbm>>
          %dma_wait3A_147 = tpu.memref_slice %arg4[%multiple_of3A_145] : memref<161792xi32, #tpu.memory_space<hbm>> -> memref<128xi32, #tpu.memory_space<hbm>>
          tpu.wait_dma2 semaphore(%arg26 : memref<!tpu.dma_semaphore, #tpu.memory_space<semaphore_mem>>) src(%dma_wait3A_147 : memref<128xi32, #tpu.memory_space<hbm>>) dst(%arg14 : memref<128xi32, #tpu.memory_space<vmem>>)
          %add3A_148 = arith.constant 1 : i32
          %add3A_149 = arith.addi %add3A_87, %add3A_148 : i32
          %dma_start3A_150 = arith.constant 0 : i32
          %dma_start3A_151 = arith.constant 0 : i32
          %dma_start3A_152 = tpu.memref_slice %arg3[%dma_start3A_150, %dma_start3A_151] : memref<10000x128xf32, #tpu.memory_space<hbm>> -> memref<10000x128xf32, #tpu.memory_space<hbm>>
          tpu.enqueue_indirect_dma source(%dma_start3A_152 : memref<10000x128xf32, #tpu.memory_space<hbm>>) target(%arg11 : memref<128x128xf32, #tpu.memory_space<vmem>>) offsets(%arg14 : memref<128xi32, #tpu.memory_space<vmem>>) semaphore(%arg20 : memref<!tpu.dma_semaphore, #tpu.memory_space<semaphore_mem>>)
        } else {
        }
        %lt3A_103 = arith.constant 79 : i32
        %lt3A_104 = arith.cmpi slt, %add3A_87, %lt3A_103 : i32
        %convert_element_type3A_105 = arith.extui %lt3A_104 : i1 to i32
        %cond3A_106 = arith.constant 0 : i32
        %cond3A_107 = arith.cmpi ne, %convert_element_type3A_105, %cond3A_106 : i32
        scf.if %cond3A_107 {
          %dma_wait3A_132 = arith.constant 0 : i32
          %dma_wait3A_133 = arith.constant 0 : i32
          %dma_wait3A_134 = tpu.memref_slice %arg3[%dma_wait3A_132, %dma_wait3A_133] : memref<10000x128xf32, #tpu.memory_space<hbm>> -> memref<10000x128xf32, #tpu.memory_space<hbm>>
          tpu.wait_indirect_dma semaphore(%arg19 : memref<!tpu.dma_semaphore, #tpu.memory_space<semaphore_mem>>) src(%dma_wait3A_134 : memref<10000x128xf32, #tpu.memory_space<hbm>>) dst(%arg10 : memref<128x128xf32, #tpu.memory_space<vmem>>)
          %add3A_135 = arith.constant 3 : i32
          %add3A_136 = arith.addi %add3A_87, %add3A_135 : i32
          %lt3A_137 = arith.constant 79 : i32
          %lt3A_138 = arith.cmpi slt, %add3A_136, %lt3A_137 : i32
          %convert_element_type3A_139 = arith.extui %lt3A_138 : i1 to i32
          %cond3A_140 = arith.constant 0 : i32
          %cond3A_141 = arith.cmpi ne, %convert_element_type3A_139, %cond3A_140 : i32
          scf.if %cond3A_141 {
            %add3A_151 = arith.constant 3 : i32
            %add3A_152 = arith.addi %add3A_87, %add3A_151 : i32
            %mul3A_153 = arith.constant 128 : i32
            %mul3A_154 = arith.muli %add3A_152, %mul3A_153 : i32
            %add3A_155 = arith.addi %multiple_of3A, %mul3A_154 : i32
            %multiple_of3A_156 = tpu.assume_multiple %add3A_155, 128 : i32
            %dma_start3A_157 = tpu.memref_slice %arg4[%multiple_of3A_156] : memref<161792xi32, #tpu.memory_space<hbm>> -> memref<128xi32, #tpu.memory_space<hbm>>
            %dma_start3A_158 = tpu.memref_slice %arg4[%multiple_of3A_156] : memref<161792xi32, #tpu.memory_space<hbm>> -> memref<128xi32, #tpu.memory_space<hbm>>
            tpu.enqueue_dma source(%dma_start3A_158 : memref<128xi32, #tpu.memory_space<hbm>>) target(%arg13 : memref<128xi32, #tpu.memory_space<vmem>>) target_semaphore(%arg25 : memref<!tpu.dma_semaphore, #tpu.memory_space<semaphore_mem>>)
          } else {
          }
          %mul3A_142 = arith.constant 128 : i32
          %mul3A_143 = arith.muli %add3A_87, %mul3A_142 : i32
          %add3A_144 = arith.addi %multiple_of3A, %mul3A_143 : i32
          %multiple_of3A_145 = tpu.assume_multiple %add3A_144, 128 : i32
          %dma_wait3A_146 = tpu.memref_slice %arg5[%multiple_of3A_145] : memref<161792xi32, #tpu.memory_space<hbm>> -> memref<128xi32, #tpu.memory_space<hbm>>
          %dma_wait3A_147 = tpu.memref_slice %arg5[%multiple_of3A_145] : memref<161792xi32, #tpu.memory_space<hbm>> -> memref<128xi32, #tpu.memory_space<hbm>>
          tpu.wait_dma2 semaphore(%arg28 : memref<!tpu.dma_semaphore, #tpu.memory_space<semaphore_mem>>) src(%dma_wait3A_147 : memref<128xi32, #tpu.memory_space<hbm>>) dst(%arg16 : memref<128xi32, #tpu.memory_space<vmem>>)
          %dma_start3A_148 = arith.constant 0 : i32
          %dma_start3A_149 = arith.constant 0 : i32
          %dma_start3A_150 = tpu.memref_slice %arg8[%dma_start3A_148, %dma_start3A_149] : memref<10008x128xf32, #tpu.memory_space<vmem_shared>> -> memref<10008x128xf32, #tpu.memory_space<vmem_shared>>
          tpu.enqueue_indirect_dma source(%arg10 : memref<128x128xf32, #tpu.memory_space<vmem>>) target(%dma_start3A_150 : memref<10008x128xf32, #tpu.memory_space<vmem_shared>>) offsets(%arg16 : memref<128xi32, #tpu.memory_space<vmem>>) semaphore(%arg22 : memref<!tpu.dma_semaphore, #tpu.memory_space<semaphore_mem>>) {add = true}
        } else {
        }
        %mul3A_108 = arith.constant 3 : i32
        %mul3A_109 = arith.muli %add3A_61, %mul3A_108 : i32
        %add3A_110 = arith.constant 2 : i32
        %add3A_111 = arith.addi %mul3A_109, %add3A_110 : i32
        %ge3A_112 = arith.constant 2 : i32
        %ge3A_113 = arith.cmpi sge, %add3A_111, %ge3A_112 : i32
        %lt3A_114 = arith.constant 81 : i32
        %lt3A_115 = arith.cmpi slt, %add3A_111, %lt3A_114 : i32
        %and3A_116 = arith.andi %ge3A_113, %lt3A_115 : i1
        %convert_element_type3A_117 = arith.extui %and3A_116 : i1 to i32
        %cond3A_118 = arith.constant 0 : i32
        %cond3A_119 = arith.cmpi ne, %convert_element_type3A_117, %cond3A_118 : i32
        scf.if %cond3A_119 {
          %sub3A = arith.constant 2 : i32
          %sub3A_132 = arith.subi %add3A_111, %sub3A : i32
          %dma_wait3A_133 = arith.constant 0 : i32
          %dma_wait3A_134 = arith.constant 0 : i32
          %dma_wait3A_135 = tpu.memref_slice %arg8[%dma_wait3A_133, %dma_wait3A_134] : memref<10008x128xf32, #tpu.memory_space<vmem_shared>> -> memref<10008x128xf32, #tpu.memory_space<vmem_shared>>
          tpu.wait_indirect_dma semaphore(%arg21 : memref<!tpu.dma_semaphore, #tpu.memory_space<semaphore_mem>>) src(%arg9 : memref<128x128xf32, #tpu.memory_space<vmem>>) dst(%dma_wait3A_135 : memref<10008x128xf32, #tpu.memory_space<vmem_shared>>)
        } else {
        }
        %add3A_120 = arith.constant 1 : i32
        %add3A_121 = arith.addi %add3A_111, %add3A_120 : i32
        %lt3A_122 = arith.constant 79 : i32
        %lt3A_123 = arith.cmpi slt, %add3A_121, %lt3A_122 : i32
        %convert_element_type3A_124 = arith.extui %lt3A_123 : i1 to i32
        %cond3A_125 = arith.constant 0 : i32
        %cond3A_126 = arith.cmpi ne, %convert_element_type3A_124, %cond3A_125 : i32
        scf.if %cond3A_126 {
          %add3A_132 = arith.constant 1 : i32
          %add3A_133 = arith.addi %add3A_111, %add3A_132 : i32
          %mul3A_134 = arith.constant 128 : i32
          %mul3A_135 = arith.muli %add3A_133, %mul3A_134 : i32
          %add3A_136 = arith.addi %multiple_of3A, %mul3A_135 : i32
          %multiple_of3A_137 = tpu.assume_multiple %add3A_136, 128 : i32
          %dma_start3A_138 = tpu.memref_slice %arg5[%multiple_of3A_137] : memref<161792xi32, #tpu.memory_space<hbm>> -> memref<128xi32, #tpu.memory_space<hbm>>
          %dma_start3A_139 = tpu.memref_slice %arg5[%multiple_of3A_137] : memref<161792xi32, #tpu.memory_space<hbm>> -> memref<128xi32, #tpu.memory_space<hbm>>
          tpu.enqueue_dma source(%dma_start3A_139 : memref<128xi32, #tpu.memory_space<hbm>>) target(%arg15 : memref<128xi32, #tpu.memory_space<vmem>>) target_semaphore(%arg27 : memref<!tpu.dma_semaphore, #tpu.memory_space<semaphore_mem>>)
          %add3A_140 = arith.constant 1 : i32
          %add3A_141 = arith.addi %add3A_111, %add3A_140 : i32
          %mul3A_142 = arith.constant 128 : i32
          %mul3A_143 = arith.muli %add3A_141, %mul3A_142 : i32
          %add3A_144 = arith.addi %multiple_of3A, %mul3A_143 : i32
          %multiple_of3A_145 = tpu.assume_multiple %add3A_144, 128 : i32
          %dma_wait3A_146 = tpu.memref_slice %arg4[%multiple_of3A_145] : memref<161792xi32, #tpu.memory_space<hbm>> -> memref<128xi32, #tpu.memory_space<hbm>>
          %dma_wait3A_147 = tpu.memref_slice %arg4[%multiple_of3A_145] : memref<161792xi32, #tpu.memory_space<hbm>> -> memref<128xi32, #tpu.memory_space<hbm>>
          tpu.wait_dma2 semaphore(%arg24 : memref<!tpu.dma_semaphore, #tpu.memory_space<semaphore_mem>>) src(%dma_wait3A_147 : memref<128xi32, #tpu.memory_space<hbm>>) dst(%arg12 : memref<128xi32, #tpu.memory_space<vmem>>)
          %add3A_148 = arith.constant 1 : i32
          %add3A_149 = arith.addi %add3A_111, %add3A_148 : i32
          %dma_start3A_150 = arith.constant 0 : i32
          %dma_start3A_151 = arith.constant 0 : i32
          %dma_start3A_152 = tpu.memref_slice %arg3[%dma_start3A_150, %dma_start3A_151] : memref<10000x128xf32, #tpu.memory_space<hbm>> -> memref<10000x128xf32, #tpu.memory_space<hbm>>
          tpu.enqueue_indirect_dma source(%dma_start3A_152 : memref<10000x128xf32, #tpu.memory_space<hbm>>) target(%arg9 : memref<128x128xf32, #tpu.memory_space<vmem>>) offsets(%arg12 : memref<128xi32, #tpu.memory_space<vmem>>) semaphore(%arg18 : memref<!tpu.dma_semaphore, #tpu.memory_space<semaphore_mem>>)
        } else {
        }
        %lt3A_127 = arith.constant 79 : i32
        %lt3A_128 = arith.cmpi slt, %add3A_111, %lt3A_127 : i32
        %convert_element_type3A_129 = arith.extui %lt3A_128 : i1 to i32
        %cond3A_130 = arith.constant 0 : i32
        %cond3A_131 = arith.cmpi ne, %convert_element_type3A_129, %cond3A_130 : i32
        scf.if %cond3A_131 {
          %dma_wait3A_132 = arith.constant 0 : i32
          %dma_wait3A_133 = arith.constant 0 : i32
          %dma_wait3A_134 = tpu.memref_slice %arg3[%dma_wait3A_132, %dma_wait3A_133] : memref<10000x128xf32, #tpu.memory_space<hbm>> -> memref<10000x128xf32, #tpu.memory_space<hbm>>
          tpu.wait_indirect_dma semaphore(%arg20 : memref<!tpu.dma_semaphore, #tpu.memory_space<semaphore_mem>>) src(%dma_wait3A_134 : memref<10000x128xf32, #tpu.memory_space<hbm>>) dst(%arg11 : memref<128x128xf32, #tpu.memory_space<vmem>>)
          %add3A_135 = arith.constant 3 : i32
          %add3A_136 = arith.addi %add3A_111, %add3A_135 : i32
          %lt3A_137 = arith.constant 79 : i32
          %lt3A_138 = arith.cmpi slt, %add3A_136, %lt3A_137 : i32
          %convert_element_type3A_139 = arith.extui %lt3A_138 : i1 to i32
          %cond3A_140 = arith.constant 0 : i32
          %cond3A_141 = arith.cmpi ne, %convert_element_type3A_139, %cond3A_140 : i32
          scf.if %cond3A_141 {
            %add3A_151 = arith.constant 3 : i32
            %add3A_152 = arith.addi %add3A_111, %add3A_151 : i32
            %mul3A_153 = arith.constant 128 : i32
            %mul3A_154 = arith.muli %add3A_152, %mul3A_153 : i32
            %add3A_155 = arith.addi %multiple_of3A, %mul3A_154 : i32
            %multiple_of3A_156 = tpu.assume_multiple %add3A_155, 128 : i32
            %dma_start3A_157 = tpu.memref_slice %arg4[%multiple_of3A_156] : memref<161792xi32, #tpu.memory_space<hbm>> -> memref<128xi32, #tpu.memory_space<hbm>>
            %dma_start3A_158 = tpu.memref_slice %arg4[%multiple_of3A_156] : memref<161792xi32, #tpu.memory_space<hbm>> -> memref<128xi32, #tpu.memory_space<hbm>>
            tpu.enqueue_dma source(%dma_start3A_158 : memref<128xi32, #tpu.memory_space<hbm>>) target(%arg14 : memref<128xi32, #tpu.memory_space<vmem>>) target_semaphore(%arg26 : memref<!tpu.dma_semaphore, #tpu.memory_space<semaphore_mem>>)
          } else {
          }
          %mul3A_142 = arith.constant 128 : i32
          %mul3A_143 = arith.muli %add3A_111, %mul3A_142 : i32
          %add3A_144 = arith.addi %multiple_of3A, %mul3A_143 : i32
          %multiple_of3A_145 = tpu.assume_multiple %add3A_144, 128 : i32
          %dma_wait3A_146 = tpu.memref_slice %arg5[%multiple_of3A_145] : memref<161792xi32, #tpu.memory_space<hbm>> -> memref<128xi32, #tpu.memory_space<hbm>>
          %dma_wait3A_147 = tpu.memref_slice %arg5[%multiple_of3A_145] : memref<161792xi32, #tpu.memory_space<hbm>> -> memref<128xi32, #tpu.memory_space<hbm>>
          tpu.wait_dma2 semaphore(%arg29 : memref<!tpu.dma_semaphore, #tpu.memory_space<semaphore_mem>>) src(%dma_wait3A_147 : memref<128xi32, #tpu.memory_space<hbm>>) dst(%arg17 : memref<128xi32, #tpu.memory_space<vmem>>)
          %dma_start3A_148 = arith.constant 0 : i32
          %dma_start3A_149 = arith.constant 0 : i32
          %dma_start3A_150 = tpu.memref_slice %arg8[%dma_start3A_148, %dma_start3A_149] : memref<10008x128xf32, #tpu.memory_space<vmem_shared>> -> memref<10008x128xf32, #tpu.memory_space<vmem_shared>>
          tpu.enqueue_indirect_dma source(%arg11 : memref<128x128xf32, #tpu.memory_space<vmem>>) target(%dma_start3A_150 : memref<10008x128xf32, #tpu.memory_space<vmem_shared>>) offsets(%arg17 : memref<128xi32, #tpu.memory_space<vmem>>) semaphore(%arg23 : memref<!tpu.dma_semaphore, #tpu.memory_space<semaphore_mem>>) {add = true}
        } else {
        }
      }
      %scan3A_45 = arith.constant 28 : i32
      %barrier3A_46 = arith.constant 0 : index
      tpu.barrier barrier_id(%barrier3A_46)
      %lt3A_47 = arith.constant 15 : i32
      %lt3A_48 = arith.cmpi slt, %arg1, %lt3A_47 : i32
      %convert_element_type3A_49 = arith.extui %lt3A_48 : i1 to i32
      %cond3A_50 = arith.constant 0 : i32
      %cond3A_51 = arith.cmpi ne, %convert_element_type3A_49, %cond3A_50 : i32
      scf.if %cond3A_51 {
        %mul3A_57 = arith.constant 632 : i32
        %mul3A_58 = arith.muli %arg1, %mul3A_57 : i32
        %multiple_of3A_59 = tpu.assume_multiple %mul3A_58, 8 : i32
        "tpu.region"() ({
          %run_scoped3A = tpu.sem_alloc : memref<!tpu.dma_semaphore, #tpu.memory_space<semaphore_mem>>
          %dma_start3A_60 = arith.constant 0 : i32
          %dma_start3A_61 = tpu.memref_slice %arg7[%multiple_of3A_59, %dma_start3A_60] : memref<10000x128xf32, #tpu.memory_space<hbm>> -> memref<632x128xf32, #tpu.memory_space<hbm>>
          %dma_start3A_62 = arith.constant 0 : i32
          %dma_start3A_63 = tpu.memref_slice %arg8[%multiple_of3A_59, %dma_start3A_62] : memref<10008x128xf32, #tpu.memory_space<vmem_shared>> -> memref<632x128xf32, #tpu.memory_space<vmem_shared>>
          tpu.enqueue_dma source(%dma_start3A_63 : memref<632x128xf32, #tpu.memory_space<vmem_shared>>) target(%dma_start3A_61 : memref<632x128xf32, #tpu.memory_space<hbm>>) target_semaphore(%run_scoped3A : memref<!tpu.dma_semaphore, #tpu.memory_space<semaphore_mem>>)
          %dma_wait3A_64 = arith.constant 0 : i32
          %dma_wait3A_65 = tpu.memref_slice %arg7[%multiple_of3A_59, %dma_wait3A_64] : memref<10000x128xf32, #tpu.memory_space<hbm>> -> memref<632x128xf32, #tpu.memory_space<hbm>>
          %dma_wait3A_66 = arith.constant 0 : i32
          %dma_wait3A_67 = tpu.memref_slice %arg8[%multiple_of3A_59, %dma_wait3A_66] : memref<10008x128xf32, #tpu.memory_space<vmem_shared>> -> memref<632x128xf32, #tpu.memory_space<vmem_shared>>
          tpu.wait_dma2 semaphore(%run_scoped3A : memref<!tpu.dma_semaphore, #tpu.memory_space<semaphore_mem>>) src(%dma_wait3A_67 : memref<632x128xf32, #tpu.memory_space<vmem_shared>>) dst(%dma_wait3A_65 : memref<632x128xf32, #tpu.memory_space<hbm>>)
          tpu.yield
        }) : () -> ()
      } else {
      }
      %eq3A_52 = arith.constant 15 : i32
      %eq3A_53 = arith.cmpi eq, %arg1, %eq3A_52 : i32
      %convert_element_type3A_54 = arith.extui %eq3A_53 : i1 to i32
      %cond3A_55 = arith.constant 0 : i32
      %cond3A_56 = arith.cmpi ne, %convert_element_type3A_54, %cond3A_55 : i32
      scf.if %cond3A_56 {
        "tpu.region"() ({
          %run_scoped3A = tpu.sem_alloc : memref<!tpu.dma_semaphore, #tpu.memory_space<semaphore_mem>>
          %dma_start3A_57 = arith.constant 9480 : i32
          %dma_start3A_58 = arith.constant 0 : i32
          %dma_start3A_59 = tpu.memref_slice %arg7[%dma_start3A_57, %dma_start3A_58] : memref<10000x128xf32, #tpu.memory_space<hbm>> -> memref<520x128xf32, #tpu.memory_space<hbm>>
          %dma_start3A_60 = arith.constant 9480 : i32
          %dma_start3A_61 = arith.constant 0 : i32
          %dma_start3A_62 = tpu.memref_slice %arg8[%dma_start3A_60, %dma_start3A_61] : memref<10008x128xf32, #tpu.memory_space<vmem_shared>> -> memref<520x128xf32, #tpu.memory_space<vmem_shared>>
          tpu.enqueue_dma source(%dma_start3A_62 : memref<520x128xf32, #tpu.memory_space<vmem_shared>>) target(%dma_start3A_59 : memref<520x128xf32, #tpu.memory_space<hbm>>) target_semaphore(%run_scoped3A : memref<!tpu.dma_semaphore, #tpu.memory_space<semaphore_mem>>)
          %dma_wait3A_63 = arith.constant 9480 : i32
          %dma_wait3A_64 = arith.constant 0 : i32
          %dma_wait3A_65 = tpu.memref_slice %arg7[%dma_wait3A_63, %dma_wait3A_64] : memref<10000x128xf32, #tpu.memory_space<hbm>> -> memref<520x128xf32, #tpu.memory_space<hbm>>
          %dma_wait3A_66 = arith.constant 9480 : i32
          %dma_wait3A_67 = arith.constant 0 : i32
          %dma_wait3A_68 = tpu.memref_slice %arg8[%dma_wait3A_66, %dma_wait3A_67] : memref<10008x128xf32, #tpu.memory_space<vmem_shared>> -> memref<520x128xf32, #tpu.memory_space<vmem_shared>>
          tpu.wait_dma2 semaphore(%run_scoped3A : memref<!tpu.dma_semaphore, #tpu.memory_space<semaphore_mem>>) src(%dma_wait3A_68 : memref<520x128xf32, #tpu.memory_space<vmem_shared>>) dst(%dma_wait3A_65 : memref<520x128xf32, #tpu.memory_space<hbm>>)
          tpu.yield
        }) : () -> ()
      } else {
      }
    } else {
    }
    return
  }
}

module attributes {stable_mosaic.version = 14 : i64} {
  func.func @_mm1_body(%arg0: i32, %arg1: memref<1000x1xf32, #tpu.memory_space<vmem>>, %arg2: memref<1000x1xf32, #tpu.memory_space<vmem>>, %arg3: memref<1000x256xf32, #tpu.memory_space<vmem>>, %arg4: memref<256x256xf32, #tpu.memory_space<vmem>>, %arg5: memref<1000x128xf32, #tpu.memory_space<vmem>>, %arg6: memref<1000x128xf32, #tpu.memory_space<vmem>>) attributes {dimension_semantics = [#tpu.dimension_semantics<arbitrary>], iteration_bounds = array<i64: 10>, scalar_prefetch = 0 : i64, scratch_operands = 0 : i64, tpu.core_type = #tpu.core_type<tc>, window_params = [{transform_indices = @transform_0, window_bounds = array<i64: 1000, 1>}, {transform_indices = @transform_1, window_bounds = array<i64: 1000, 1>}, {transform_indices = @transform_2, window_bounds = array<i64: 1000, 256>}, {pipeline_mode = #tpu.pipeline_mode<synchronous>, transform_indices = @transform_3, window_bounds = array<i64: 256, 256>}, {transform_indices = @transform_4, window_bounds = array<i64: 1000, 128>}, {transform_indices = @transform_5, window_bounds = array<i64: 1000, 128>}]} {
    %get3A = arith.constant 0 : index
    %get3A_0 = arith.constant 0 : index
    %get3A_1 = vector.load %arg1[%get3A, %get3A_0] : memref<1000x1xf32, #tpu.memory_space<vmem>>, vector<1000x1xf32>
    %get3A_2 = arith.constant 0 : index
    %get3A_3 = arith.constant 0 : index
    %get3A_4 = vector.load %arg2[%get3A_2, %get3A_3] : memref<1000x1xf32, #tpu.memory_space<vmem>>, vector<1000x1xf32>
    %add3A = arith.addf %get3A_1, %get3A_4 : vector<1000x1xf32>
    %add3A_5 = arith.constant 1.000000e+00 : f32
    %add3A_6 = vector.broadcast %add3A_5 : f32 to vector<1000x1xf32>
    %add3A_7 = arith.addf %add3A, %add3A_6 : vector<1000x1xf32>
    %rsqrt3A = math.rsqrt %add3A_7 : vector<1000x1xf32>
    %get3A_8 = arith.constant 0 : index
    %get3A_9 = arith.constant 0 : index
    %get3A_10 = vector.load %arg3[%get3A_8, %get3A_9] : memref<1000x256xf32, #tpu.memory_space<vmem>>, vector<1000x256xf32>
    %get3A_11 = arith.constant 0 : index
    %get3A_12 = arith.constant 0 : index
    %get3A_13 = vector.load %arg4[%get3A_11, %get3A_12] : memref<256x256xf32, #tpu.memory_space<vmem>>, vector<256x256xf32>
    %dot_general3A = arith.constant dense<0.000000e+00> : vector<1000x256xf32>
    %dot_general3A_14 = tpu.matmul %get3A_10, %get3A_13, %dot_general3A {dimension_numbers = #tpu.dot_dimension_numbers<[1], [0], [0], [1], [0, 0, 1, 1], [], []>, transpose_lhs_hint = false} : vector<1000x256xf32>, vector<256x256xf32>, vector<1000x256xf32> -> vector<1000x256xf32>
    %mul3A = vector.broadcast %rsqrt3A : vector<1000x1xf32> to vector<1000x256xf32>
    %mul3A_15 = arith.mulf %dot_general3A_14, %mul3A : vector<1000x256xf32>
    %slice3A = vector.extract_strided_slice %mul3A_15 {offsets = [0, 0], sizes = [1000, 128], strides = [1, 1]} : vector<1000x256xf32> to vector<1000x128xf32>
    %swap3A = arith.constant 0 : index
    %swap3A_16 = arith.constant 0 : index
    %swap3A_17 = vector.load %arg5[%swap3A, %swap3A_16] : memref<1000x128xf32, #tpu.memory_space<vmem>>, vector<1000x128xf32>
    tpu.vector_store %arg5[%swap3A, %swap3A_16], %slice3A {strides = array<i32>} : memref<1000x128xf32, #tpu.memory_space<vmem>>, vector<1000x128xf32>,
    %slice3A_18 = vector.extract_strided_slice %mul3A_15 {offsets = [0, 128], sizes = [1000, 128], strides = [1, 1]} : vector<1000x256xf32> to vector<1000x128xf32>
    %swap3A_19 = arith.constant 0 : index
    %swap3A_20 = arith.constant 0 : index
    %swap3A_21 = vector.load %arg6[%swap3A_19, %swap3A_20] : memref<1000x128xf32, #tpu.memory_space<vmem>>, vector<1000x128xf32>
    tpu.vector_store %arg6[%swap3A_19, %swap3A_20], %slice3A_18 {strides = array<i32>} : memref<1000x128xf32, #tpu.memory_space<vmem>>, vector<1000x128xf32>,
    return
  }
  func.func @transform_0(%arg0: i32) -> (i32, i32) {
    %c0_i32 = arith.constant 0 : i32
    %c0_i32_0 = arith.constant 0 : i32
    return %arg0, %c0_i32 : i32, i32
  }
  func.func @transform_1(%arg0: i32) -> (i32, i32) {
    %c0_i32 = arith.constant 0 : i32
    %c0_i32_0 = arith.constant 0 : i32
    return %arg0, %c0_i32 : i32, i32
  }
  func.func @transform_2(%arg0: i32) -> (i32, i32) {
    %c0_i32 = arith.constant 0 : i32
    %c0_i32_0 = arith.constant 0 : i32
    return %arg0, %c0_i32 : i32, i32
  }
  func.func @transform_3(%arg0: i32) -> (i32, i32) {
    %c0_i32 = arith.constant 0 : i32
    %c0_i32_0 = arith.constant 0 : i32
    %c0_i32_1 = arith.constant 0 : i32
    return %c0_i32, %c0_i32_0 : i32, i32
  }
  func.func @transform_4(%arg0: i32) -> (i32, i32) {
    %c0_i32 = arith.constant 0 : i32
    %c0_i32_0 = arith.constant 0 : i32
    return %arg0, %c0_i32 : i32, i32
  }
  func.func @transform_5(%arg0: i32) -> (i32, i32) {
    %c0_i32 = arith.constant 0 : i32
    %c0_i32_0 = arith.constant 0 : i32
    return %arg0, %c0_i32 : i32, i32
  }
}

module attributes {stable_mosaic.version = 14 : i64} {
  func.func @_mm2_body(%arg0: i32, %arg1: memref<1000x1xf32, #tpu.memory_space<vmem>>, %arg2: memref<1000x1xf32, #tpu.memory_space<vmem>>, %arg3: memref<1000x128xf32, #tpu.memory_space<vmem>>, %arg4: memref<1000x128xf32, #tpu.memory_space<vmem>>, %arg5: memref<1x256xf32, #tpu.memory_space<vmem>>, %arg6: memref<256x256xf32, #tpu.memory_space<vmem>>, %arg7: memref<1000x128xf32, #tpu.memory_space<vmem>>, %arg8: memref<1000x128xf32, #tpu.memory_space<vmem>>) attributes {dimension_semantics = [#tpu.dimension_semantics<arbitrary>], iteration_bounds = array<i64: 10>, scalar_prefetch = 0 : i64, scratch_operands = 0 : i64, tpu.core_type = #tpu.core_type<tc>, window_params = [{transform_indices = @transform_0, window_bounds = array<i64: 1000, 1>}, {transform_indices = @transform_1, window_bounds = array<i64: 1000, 1>}, {transform_indices = @transform_2, window_bounds = array<i64: 1000, 128>}, {transform_indices = @transform_3, window_bounds = array<i64: 1000, 128>}, {pipeline_mode = #tpu.pipeline_mode<synchronous>, transform_indices = @transform_4, window_bounds = array<i64: 1, 256>}, {pipeline_mode = #tpu.pipeline_mode<synchronous>, transform_indices = @transform_5, window_bounds = array<i64: 256, 256>}, {transform_indices = @transform_6, window_bounds = array<i64: 1000, 128>}, {transform_indices = @transform_7, window_bounds = array<i64: 1000, 128>}]} {
    %get3A = arith.constant 0 : index
    %get3A_0 = arith.constant 0 : index
    %get3A_1 = vector.load %arg1[%get3A, %get3A_0] : memref<1000x1xf32, #tpu.memory_space<vmem>>, vector<1000x1xf32>
    %get3A_2 = arith.constant 0 : index
    %get3A_3 = arith.constant 0 : index
    %get3A_4 = vector.load %arg2[%get3A_2, %get3A_3] : memref<1000x1xf32, #tpu.memory_space<vmem>>, vector<1000x1xf32>
    %add3A = arith.addf %get3A_1, %get3A_4 : vector<1000x1xf32>
    %add3A_5 = arith.constant 1.000000e+00 : f32
    %add3A_6 = vector.broadcast %add3A_5 : f32 to vector<1000x1xf32>
    %add3A_7 = arith.addf %add3A, %add3A_6 : vector<1000x1xf32>
    %rsqrt3A = math.rsqrt %add3A_7 : vector<1000x1xf32>
    %get3A_8 = arith.constant 0 : index
    %get3A_9 = arith.constant 0 : index
    %get3A_10 = vector.load %arg3[%get3A_8, %get3A_9] : memref<1000x128xf32, #tpu.memory_space<vmem>>, vector<1000x128xf32>
    %get3A_11 = arith.constant 0 : index
    %get3A_12 = arith.constant 0 : index
    %get3A_13 = vector.load %arg4[%get3A_11, %get3A_12] : memref<1000x128xf32, #tpu.memory_space<vmem>>, vector<1000x128xf32>
    %concatenate3A = tpu.concatenate %get3A_10, %get3A_13 in 1 : vector<1000x128xf32>, vector<1000x128xf32> -> vector<1000x256xf32>
    %mul3A = vector.broadcast %rsqrt3A : vector<1000x1xf32> to vector<1000x256xf32>
    %mul3A_14 = arith.mulf %concatenate3A, %mul3A : vector<1000x256xf32>
    %get3A_15 = arith.constant 0 : index
    %get3A_16 = arith.constant 0 : index
    %get3A_17 = vector.load %arg5[%get3A_15, %get3A_16] : memref<1x256xf32, #tpu.memory_space<vmem>>, vector<1x256xf32>
    %add3A_18 = vector.broadcast %get3A_17 : vector<1x256xf32> to vector<1000x256xf32>
    %add3A_19 = arith.addf %mul3A_14, %add3A_18 : vector<1000x256xf32>
    %max3A = arith.constant 0.000000e+00 : f32
    %max3A_20 = vector.broadcast %max3A : f32 to vector<1000x256xf32>
    %max3A_21 = arith.maximumf %add3A_19, %max3A_20 : vector<1000x256xf32>
    %get3A_22 = arith.constant 0 : index
    %get3A_23 = arith.constant 0 : index
    %get3A_24 = vector.load %arg6[%get3A_22, %get3A_23] : memref<256x256xf32, #tpu.memory_space<vmem>>, vector<256x256xf32>
    %dot_general3A = arith.constant dense<0.000000e+00> : vector<1000x256xf32>
    %dot_general3A_25 = tpu.matmul %max3A_21, %get3A_24, %dot_general3A {dimension_numbers = #tpu.dot_dimension_numbers<[1], [0], [0], [1], [0, 0, 1, 1], [], []>, transpose_lhs_hint = false} : vector<1000x256xf32>, vector<256x256xf32>, vector<1000x256xf32> -> vector<1000x256xf32>
    %mul3A_26 = vector.broadcast %rsqrt3A : vector<1000x1xf32> to vector<1000x256xf32>
    %mul3A_27 = arith.mulf %dot_general3A_25, %mul3A_26 : vector<1000x256xf32>
    %slice3A = vector.extract_strided_slice %mul3A_27 {offsets = [0, 0], sizes = [1000, 128], strides = [1, 1]} : vector<1000x256xf32> to vector<1000x128xf32>
    %swap3A = arith.constant 0 : index
    %swap3A_28 = arith.constant 0 : index
    %swap3A_29 = vector.load %arg7[%swap3A, %swap3A_28] : memref<1000x128xf32, #tpu.memory_space<vmem>>, vector<1000x128xf32>
    tpu.vector_store %arg7[%swap3A, %swap3A_28], %slice3A {strides = array<i32>} : memref<1000x128xf32, #tpu.memory_space<vmem>>, vector<1000x128xf32>,
    %slice3A_30 = vector.extract_strided_slice %mul3A_27 {offsets = [0, 128], sizes = [1000, 128], strides = [1, 1]} : vector<1000x256xf32> to vector<1000x128xf32>
    %swap3A_31 = arith.constant 0 : index
    %swap3A_32 = arith.constant 0 : index
    %swap3A_33 = vector.load %arg8[%swap3A_31, %swap3A_32] : memref<1000x128xf32, #tpu.memory_space<vmem>>, vector<1000x128xf32>
    tpu.vector_store %arg8[%swap3A_31, %swap3A_32], %slice3A_30 {strides = array<i32>} : memref<1000x128xf32, #tpu.memory_space<vmem>>, vector<1000x128xf32>,
    return
  }
  func.func @transform_0(%arg0: i32) -> (i32, i32) {
    %c0_i32 = arith.constant 0 : i32
    %c0_i32_0 = arith.constant 0 : i32
    return %arg0, %c0_i32 : i32, i32
  }
  func.func @transform_1(%arg0: i32) -> (i32, i32) {
    %c0_i32 = arith.constant 0 : i32
    %c0_i32_0 = arith.constant 0 : i32
    return %arg0, %c0_i32 : i32, i32
  }
  func.func @transform_2(%arg0: i32) -> (i32, i32) {
    %c0_i32 = arith.constant 0 : i32
    %c0_i32_0 = arith.constant 0 : i32
    return %arg0, %c0_i32 : i32, i32
  }
  func.func @transform_3(%arg0: i32) -> (i32, i32) {
    %c0_i32 = arith.constant 0 : i32
    %c0_i32_0 = arith.constant 0 : i32
    return %arg0, %c0_i32 : i32, i32
  }
  func.func @transform_4(%arg0: i32) -> (i32, i32) {
    %c0_i32 = arith.constant 0 : i32
    %c0_i32_0 = arith.constant 0 : i32
    %c0_i32_1 = arith.constant 0 : i32
    return %c0_i32, %c0_i32_0 : i32, i32
  }
  func.func @transform_5(%arg0: i32) -> (i32, i32) {
    %c0_i32 = arith.constant 0 : i32
    %c0_i32_0 = arith.constant 0 : i32
    %c0_i32_1 = arith.constant 0 : i32
    return %c0_i32, %c0_i32_0 : i32, i32
  }
  func.func @transform_6(%arg0: i32) -> (i32, i32) {
    %c0_i32 = arith.constant 0 : i32
    %c0_i32_0 = arith.constant 0 : i32
    return %arg0, %c0_i32 : i32, i32
  }
  func.func @transform_7(%arg0: i32) -> (i32, i32) {
    %c0_i32 = arith.constant 0 : i32
    %c0_i32_0 = arith.constant 0 : i32
    return %arg0, %c0_i32 : i32, i32
  }
}

module attributes {stable_mosaic.version = 14 : i64} {
  func.func @_final_body(%arg0: i32, %arg1: memref<1000x1xf32, #tpu.memory_space<vmem>>, %arg2: memref<1000x1xf32, #tpu.memory_space<vmem>>, %arg3: memref<1000x128xf32, #tpu.memory_space<vmem>>, %arg4: memref<1000x128xf32, #tpu.memory_space<vmem>>, %arg5: memref<1x256xf32, #tpu.memory_space<vmem>>, %arg6: memref<1000x256xf32, #tpu.memory_space<vmem>>) attributes {dimension_semantics = [#tpu.dimension_semantics<arbitrary>], iteration_bounds = array<i64: 10>, scalar_prefetch = 0 : i64, scratch_operands = 0 : i64, tpu.core_type = #tpu.core_type<tc>, window_params = [{transform_indices = @transform_0, window_bounds = array<i64: 1000, 1>}, {transform_indices = @transform_1, window_bounds = array<i64: 1000, 1>}, {transform_indices = @transform_2, window_bounds = array<i64: 1000, 128>}, {transform_indices = @transform_3, window_bounds = array<i64: 1000, 128>}, {pipeline_mode = #tpu.pipeline_mode<synchronous>, transform_indices = @transform_4, window_bounds = array<i64: 1, 256>}, {transform_indices = @transform_5, window_bounds = array<i64: 1000, 256>}]} {
    %get3A = arith.constant 0 : index
    %get3A_0 = arith.constant 0 : index
    %get3A_1 = vector.load %arg1[%get3A, %get3A_0] : memref<1000x1xf32, #tpu.memory_space<vmem>>, vector<1000x1xf32>
    %get3A_2 = arith.constant 0 : index
    %get3A_3 = arith.constant 0 : index
    %get3A_4 = vector.load %arg2[%get3A_2, %get3A_3] : memref<1000x1xf32, #tpu.memory_space<vmem>>, vector<1000x1xf32>
    %add3A = arith.addf %get3A_1, %get3A_4 : vector<1000x1xf32>
    %add3A_5 = arith.constant 1.000000e+00 : f32
    %add3A_6 = vector.broadcast %add3A_5 : f32 to vector<1000x1xf32>
    %add3A_7 = arith.addf %add3A, %add3A_6 : vector<1000x1xf32>
    %rsqrt3A = math.rsqrt %add3A_7 : vector<1000x1xf32>
    %get3A_8 = arith.constant 0 : index
    %get3A_9 = arith.constant 0 : index
    %get3A_10 = vector.load %arg3[%get3A_8, %get3A_9] : memref<1000x128xf32, #tpu.memory_space<vmem>>, vector<1000x128xf32>
    %get3A_11 = arith.constant 0 : index
    %get3A_12 = arith.constant 0 : index
    %get3A_13 = vector.load %arg4[%get3A_11, %get3A_12] : memref<1000x128xf32, #tpu.memory_space<vmem>>, vector<1000x128xf32>
    %concatenate3A = tpu.concatenate %get3A_10, %get3A_13 in 1 : vector<1000x128xf32>, vector<1000x128xf32> -> vector<1000x256xf32>
    %mul3A = vector.broadcast %rsqrt3A : vector<1000x1xf32> to vector<1000x256xf32>
    %mul3A_14 = arith.mulf %concatenate3A, %mul3A : vector<1000x256xf32>
    %get3A_15 = arith.constant 0 : index
    %get3A_16 = arith.constant 0 : index
    %get3A_17 = vector.load %arg5[%get3A_15, %get3A_16] : memref<1x256xf32, #tpu.memory_space<vmem>>, vector<1x256xf32>
    %add3A_18 = vector.broadcast %get3A_17 : vector<1x256xf32> to vector<1000x256xf32>
    %add3A_19 = arith.addf %mul3A_14, %add3A_18 : vector<1000x256xf32>
    %swap3A = arith.constant 0 : index
    %swap3A_20 = arith.constant 0 : index
    %swap3A_21 = vector.load %arg6[%swap3A, %swap3A_20] : memref<1000x256xf32, #tpu.memory_space<vmem>>, vector<1000x256xf32>
    tpu.vector_store %arg6[%swap3A, %swap3A_20], %add3A_19 {strides = array<i32>} : memref<1000x256xf32, #tpu.memory_space<vmem>>, vector<1000x256xf32>,
    return
  }
  func.func @transform_0(%arg0: i32) -> (i32, i32) {
    %c0_i32 = arith.constant 0 : i32
    %c0_i32_0 = arith.constant 0 : i32
    return %arg0, %c0_i32 : i32, i32
  }
  func.func @transform_1(%arg0: i32) -> (i32, i32) {
    %c0_i32 = arith.constant 0 : i32
    %c0_i32_0 = arith.constant 0 : i32
    return %arg0, %c0_i32 : i32, i32
  }
  func.func @transform_2(%arg0: i32) -> (i32, i32) {
    %c0_i32 = arith.constant 0 : i32
    %c0_i32_0 = arith.constant 0 : i32
    return %arg0, %c0_i32 : i32, i32
  }
  func.func @transform_3(%arg0: i32) -> (i32, i32) {
    %c0_i32 = arith.constant 0 : i32
    %c0_i32_0 = arith.constant 0 : i32
    return %arg0, %c0_i32 : i32, i32
  }
  func.func @transform_4(%arg0: i32) -> (i32, i32) {
    %c0_i32 = arith.constant 0 : i32
    %c0_i32_0 = arith.constant 0 : i32
    %c0_i32_1 = arith.constant 0 : i32
    return %c0_i32, %c0_i32_0 : i32, i32
  }
  func.func @transform_5(%arg0: i32) -> (i32, i32) {
    %c0_i32 = arith.constant 0 : i32
    %c0_i32_0 = arith.constant 0 : i32
    return %arg0, %c0_i32 : i32, i32
  }
}

</mosaic_0001>

<sc_bundles>
// kernel: kernel.11.cloned.1.call-start
scs
__scs_entry_jumppad:
0x0: {  	(pc) =	sbr.rel $0x88, $3  }
0x1: {  	(tag) =	ssettag $0x0;
	lr =	simm.s32 $0x1  }
0x2: {  	[smem:$0x3F9B] =	sst lr;
	_ =	strace $0xD0000000  }
0x3: {  	_ = 	snop  }
0x4: {  	_ = 	snop  }
0x5: {  	_ = 	snop  }
0x6: {  	_ = 	snop  }
0x7: {  	_ = 	snop  }
__scs_overlays_trampoline_lowered:
0x8: {  	[smem:$0x3FAA] =	sst s0  }
0x9: {  	[smem:$0x3FAB] =	sst s1  }
0xa: {  	[smem:$0x3FAC] =	sst s2  }
0xb: {  	[smem:$0x3FAD] =	sst s3  }
0xc: {  	[smem:$0x3FAE] =	sst s4  }
0xd: {  	[smem:$0x3FAF] =	sst s5  }
0xe: {  	[smem:$0x3FB0] =	sst s6  }
0xf: {  	[smem:$0x3FB1] =	sst s7  }
0x10: {  	[smem:$0x3FB2] =	sst s8  }
0x11: {  	[smem:$0x3FB3] =	sst s9;
	s0 =	simm.s32 @!p0 $0x0  }
0x12: {  	s1 =	sld [smem:$0x3F99];
	s0 =	simm.s32 @p0 $0x1  }
0x13: {  	[smem:$0x3FB4] =	sst s0;
	s0 =	simm.s32 @!p1 $0x0  }
0x14: {  	s2 =	sld [smem:$0x3F98];
	s0 =	simm.s32 @p1 $0x1  }
0x15: {  	[smem:$0x3FB5] =	sst s0;
	s0 =	simm.s32 @!p2 $0x0  }
0x16: {  	s3 =	sld [smem:$0x3FDB];
	s0 =	simm.s32 @p2 $0x1  }
0x17: {  	s4 =	simm.s32 $0x1BF5;
	[smem:$0x3FB7] =	sst s0  }
0x18: {  	s0 =	sld [smem:$0x3F9A];
	_ =	swait.ge [sflag:s4], $0x0  }
0x19: {  	s7 =	sld [smem:$0x3F9B]  }
0x1a: {  	s8 =	sadd.s32 $0xFFFFE003, lr  }
0x1b: {  	s9 =	sadd.s32 $0xFFFFFEF7, lr;
	s5 =	simm.s32 $0xFFFFFFFF;
	p2 =	slt.u32 s8, $0xFFFFF086  }
0x1c: {  	p1 =	slt.u32 s9, $0xF7A;
	s5 =	simm.s32 @!p2 $0x0  }
0x1d: {  	s5 =	simm.s32 @p1 $0x1;
	p0 =	seq.s32 s7, s2  }
0x1e: {  	s7 =	smul.u32 @!p0 $0xF7A, s2;
	p2 =	seq.s32 @!p0 s5, $0x0  }
0x1f: {  	s9 =	smul.u32 $0xF7A, s1;
	s8 =	simm.s32 @!p0 $0x1BF5;
	p2 =	por !p2, p0  }
0x20: {  	[sflag:s8] =	ssyncset.s32 @!p0 $0xFFFFF086;
	s6 =	sadd.s32 @!p0 s3, s7;
	s7 =	simm.s32 @!p0 $0x108  }
0x21: {  	s3 =	sadd.s32 s3, s9;
	s6 =	sadd.s32 @!p0 $0x88, s6;
	s7 =	simm.s32 @p2 $0x1082  }
0x22: {  	[simem:s7], [sflag:s8] =	dma.local @!p0 [hbm:s6], $0xF7A  }
0x23: {  	s9 =	sor.u32 $0xD0000000, s2;
	s6 =	simm.s32 $0x108;
	_ =	swait.ge @!p0 [sflag:s8], $0x0  }
0x24: {  	s3 =	sadd.s32 $0x88, s3;
	s6 =	simm.s32 @!p1 $0x1082;
	[sflag:s4] =	ssyncset.s32 $0xFFFFF086  }
0x25: {  	[simem:s6], [sflag:s4] =	dma.local [hbm:s3], $0xF7A  }
0x26: {  	[smem:$0x3F9B] =	sst s1;
	(tag) =	ssettag s2;
	_ =	strace s9  }
0x27: {  	s1 =	sld [smem:$0x3FAB]  }
0x28: {  	s2 =	sld [smem:$0x3FAC]  }
0x29: {  	s4 =	sld [smem:$0x3FAE]  }
0x2a: {  	p0 =	seq.s32 s5, $0x0;
	s5 =	sld [smem:$0x3FAF]  }
0x2b: {  	s6 =	sld [smem:$0x3FB0]  }
0x2c: {  	s7 =	sld [smem:$0x3FB1]  }
0x2d: {  	s3 =	simm.s32 $0x108;
	s8 =	sld [smem:$0x3FB2]  }
0x2e: {  	s3 =	simm.s32 @!p0 $0x1082;
	s9 =	sld [smem:$0x3FB3]  }
0x2f: {  	lr =	sadd.s32 s0, s3;
	s0 =	sld [smem:$0x3FAA]  }
0x30: {  	s3 =	sld [smem:$0x3FAD]  }
0x31: {  	[smem:$0x3FB6] =	sst s10  }
0x32: {  	s10 =	sld [smem:$0x3FB4];
	_ =	sdelay $0x3  }
0x33: {  	p0 =	seq.s32 s10, $0x1;
	s10 =	sld [smem:$0x3FB6];
	_ =	sdelay $0x3  }
0x34: {  	[smem:$0x3FB6] =	sst s10  }
0x35: {  	s10 =	sld [smem:$0x3FB5];
	_ =	sdelay $0x3  }
0x36: {  	p1 =	seq.s32 s10, $0x1;
	s10 =	sld [smem:$0x3FB6];
	_ =	sdelay $0x3  }
0x37: {  	[smem:$0x3FB6] =	sst s10  }
0x38: {  	s10 =	sld [smem:$0x3FB7]  }
0x39: {  	_ = 	snop;
	(pc) =	sbr.ind lr, $3  }
0x3a: {  	_ = 	snop  }
0x3b: {  	_ = 	snop  }
0x3c: {  	p2 =	seq.s32 s10, $0x1;
	s10 =	sld [smem:$0x3FB6]  }
0x3d: {  	_ =	shalt  }
0x3e: {  	_ =	shalt  }
0x3f: {  	_ =	shalt  }
0x40: {  	_ =	shalt  }
0x41: {  	_ =	shalt  }
0x42: {  	_ =	shalt  }
0x43: {  	_ =	shalt  }
0x44: {  	_ =	shalt  }
0x45: {  	_ =	shalt  }
0x46: {  	_ =	shalt  }
0x47: {  	_ =	shalt  }
0x48: {  	_ =	shalt  }
0x49: {  	_ =	shalt  }
0x4a: {  	_ =	shalt  }
0x4b: {  	_ =	shalt  }
0x4c: {  	_ =	shalt  }
0x4d: {  	_ =	shalt  }
0x4e: {  	_ =	shalt  }
0x4f: {  	_ =	shalt  }
0x50: {  	_ =	shalt  }
0x51: {  	_ =	shalt  }
0x52: {  	_ =	shalt  }
0x53: {  	_ =	shalt  }
0x54: {  	_ =	shalt  }
0x55: {  	_ =	shalt  }
0x56: {  	_ =	shalt  }
0x57: {  	_ =	shalt  }
0x58: {  	_ =	shalt  }
0x59: {  	_ =	shalt  }
0x5a: {  	_ =	shalt  }
0x5b: {  	_ =	shalt  }
0x5c: {  	_ =	shalt  }
0x5d: {  	_ =	shalt  }
0x5e: {  	_ =	shalt  }
0x5f: {  	_ =	shalt  }
0x60: {  	_ =	shalt  }
0x61: {  	_ =	shalt  }
0x62: {  	_ =	shalt  }
0x63: {  	_ =	shalt  }
0x64: {  	_ =	shalt  }
0x65: {  	_ =	shalt  }
0x66: {  	_ =	shalt  }
0x67: {  	_ =	shalt  }
0x68: {  	_ =	shalt  }
0x69: {  	_ =	shalt  }
0x6a: {  	_ =	shalt  }
0x6b: {  	_ =	shalt  }
0x6c: {  	_ =	shalt  }
0x6d: {  	_ =	shalt  }
0x6e: {  	_ =	shalt  }
0x6f: {  	_ =	shalt  }
0x70: {  	_ =	shalt  }
0x71: {  	_ =	shalt  }
0x72: {  	_ =	shalt  }
0x73: {  	_ =	shalt  }
0x74: {  	_ =	shalt  }
0x75: {  	_ =	shalt  }
0x76: {  	_ =	shalt  }
0x77: {  	_ =	shalt  }
0x78: {  	_ =	shalt  }
0x79: {  	_ =	shalt  }
0x7a: {  	_ =	shalt  }
0x7b: {  	_ =	shalt  }
0x7c: {  	_ =	shalt  }
0x7d: {  	_ =	shalt  }
0x7e: {  	_ =	shalt  }
0x7f: {  	_ =	shalt  }
0x80: {  	_ =	shalt  }
0x81: {  	_ =	shalt  }
0x82: {  	_ =	shalt  }
0x83: {  	_ =	shalt  }
0x84: {  	_ =	shalt  }
0x85: {  	_ =	shalt  }
0x86: {  	_ =	shalt  }
0x87: {  	_ =	shalt  }
.Lfunc_end0:
.L_simem_size_0:
called_computation.1_lowered:
.L_overlay_start_0:
0x88: {  	s2 =	sld [smem:$0x3FD9]  }
0x89: {  	s3 =	sld [smem:$0x3FFE];
	_ =	sdelay $0x1  }
0x8a: {  	s1 =	srdreg.scid  }
0x8b: {  	s0 =	sand.u32 $0x1, s1  }
0x8c: {  	s17 =	sshll.u32 s0, $0xA;
	s2 =	sadd.s32 s3, s2  }
0x8d: {  	s2 =	sadd.s32 s2, s17  }
0x8e: {  	[smem:$0x3FC2] =	sst s2  }
0x8f: {  	_ = 	snop  }
0x90: {  	s2 =	sld [smem:$0x3FD0];
	(tm) =	ssettm $0x1  }
0x91: {  	s18 =	sld [smem:$0x3FFB];
	_ =	sdelay $0x3  }
0x92: {  	_ =	strace s18  }
0x93: {  	s3 =	sld [smem:$0x3FFC];
	_ =	sdelay $0x3  }
0x94: {  	_ =	strace s3  }
0x95: {  	s3 =	sld [smem:$0x3FFD];
	_ =	sdelay $0x3  }
0x96: {  	_ =	strace s3  }
0x97: {  	_ =	strace $0x8FFFFFFF  }
0x98: {  	s19 =	sld [smem:$0x3FDB];
	_ =	sdelay $0x1  }
0x99: {  	s4 =	simm.s32 $_scs_section_size  }
0x9a: {  	s5 =	simm.s32 $_size__tile_overlayer_lowered;
	s6 =	simm.s32 $_tile_overlayer_lowered  }
0x9b: {  	s22 =	simm.s32 $0x1BFF;
	s21 =	sshll.u32 s6, $0x1;
	s3 =	sadd.s32 s4, s19  }
0x9c: {  	s7 =	simm.s32 $0x0;
	s20 =	sshll.u32 s5, $0x1;
	s5 =	sadd.s32 s21, s3  }
0x9d: {  	[timem:s7], [sflag:s22] =	dma.local [hbm:s5], s20  }
0x9e: {  	_ =	swait.ge [sflag:s22], s20  }
0x9f: {  	s4 =	ssub.s32 $0x0, s20;
	[sflag:s22] =	ssyncset.done $0x0  }
0xa0: {  	[sflag:s22] =	ssyncadd.s32 s4;
	_ =	sdelay $0x1  }
0xa1: {  	s23 =	simm.s32 $0x1B8B  }
0xa2: {  	_ =	swait.ge [sflag:s23], $0x1  }
0xa3: {  	[sflag:s23] =	ssyncset.done $0x0  }
0xa4: {  	s25 =	simm.s32 $0x1B8E;
	s24 =	sld [smem:$0x3FFE];
	[sflag:s23] =	ssyncadd.s32 $0xFFFFFFFF  }
0xa5: {  	s26 =	simm.s32 $execute0_lowered;
	[smem:$0x3FD2] =	sst s25  }
0xa6: {  	s5 =	sshll.u32 s26, $0x1;
	_ =	strace $0x80000049;
	[dreg:$0x1] =	wrdreg $0xFFFFFFFF  }
0xa7: {  	s28 =	simm.s32 $_size_execute0_lowered;
	s3 =	sadd.s32 s3, s5;
	[dreg:$0x0] =	wrdreg $0x0  }
0xa8: {  	s5 =	sshll.u32 s28, $0x1;
	[dreg:$0x2] =	wrdreg s3  }
0xa9: {  	[dreg:$0x3] =	wrdreg s5  }
0xaa: {  	[dreg:$0x4] =	wrdreg $0xC0  }
0xab: {  	_ =	task [dreg:s7], $0x5FFFF  }
0xac: {  	[dreg:$0x1] =	wrdreg $0xFFFFFFFF  }
0xad: {  	[dreg:$0x0] =	wrdreg $0x60  }
0xae: {  	[dreg:$0x2] =	wrdreg s2  }
0xaf: {  	[dreg:$0x3] =	wrdreg s24  }
0xb0: {  	[dreg:$0x4] =	wrdreg $0x0  }
0xb1: {  	[dreg:$0x5] =	wrdreg $0x9  }
0xb2: {  	_ =	task.clear_ibuf [dreg:s7], $0x6FFFF;
	_ =	strace $0x90000049  }
0xb3: {  	s29 =	simm.s32 $0x9;
	_ =	strace $0x8000004B  }
0xb4: {  	_ =	swait.ge [sflag:s29], $0x1  }
0xb5: {  	[sflag:s29] =	ssyncadd.s32 $0xFFFFFFFF  }
0xb6: {  	_ =	strace $0x9000004B  }
0xb7: {  	_ =	sfence  }
0xb8: {  	s30 =	sld [smem:$0x0];
	_ =	sdelay $0x2  }
0xb9: {  	s31 =	sshll.u32 s1, $0xD;
	s1 =	sshrl.u32 s1, $0x2  }
0xba: {  	s3 =	sand.u32 $0x4000, s31;
	s1 =	sadd.s32 s1, s30  }
0xbb: {  	s0 =	sor.u32 s3, s0;
	s1 =	sshll.u32 s1, $0x11  }
0xbc: {  	s0 =	sor.u32 s1, s0  }
0xbd: {  	s0 =	sadd.s32 $0x8F2B, s0  }
0xbe: {  	[sflag:s0] =	ssyncadd.remote.s32 $0x1  }
0xbf: {  	_ =	sfence.sel $0xFFFF  }
0xc0: {  	[dreg:$0x0] =	wrdreg $0xFFFFFFFF;
	(pc) =	sbr.abs _section_cstart, $3  }
0xc1: {  	[dreg:$0x1] =	wrdreg $0xFFFFFFFF  }
0xc2: {  	_ =	task.clear_ibuf [dreg:s7], $0x2FFFF;
	_ =	strace $0x9FFFFFFF  }
0xc3: {  	(tm) =	ssettm $0x7FFFFFFF  }
tec
execute0_lowered:
.L_overlay_start_1:
0x0: {  	(tag) =	ssettag $0x1  }
0x1: {  	s1 =	rddreg [dreg:$0x0]  }
0x2: {  	s0 =	rddreg [dreg:$0x1]  }
0x3: {  	s3 =	rddreg [dreg:$0x2]  }
0x4: {  	s4 =	simm.s32 $0x0;
	s13 =	stileid.u32;
	s2 =	srdreg.scid  }
0x5: {  	s31 =	simm.s32 $0x1F940;
	s28 =	simm.s32 $0x7;
	s29 =	simm.s32 $0x80  }
0x6: {  	s30 =	simm.s32 $0x138C0;
	[smem:$0x7FF] =	sst s4;
	s6 =	smul.u32 $0x2780, s13  }
0x7: {  	s2 =	sand.u32 $0x1, s2;
	s5 =	sadd.s32 $0x7C00, s0;
	s8 =	smul.u32 $0x4F000, s13  }
0x8: {  	s9 =	sadd.s32 $0x56800, s0;
	s10 =	sadd.s32 $0x2C00, s0;
	s15 =	sadd.s32 $0x128400, s3  }
0x9: {  	s21 =	sadd.s32 $0x53E80, s0;
	s23 =	sadd.s32 $0x2CC80, s0;
	s24 =	smul.u32 $0x4F0, s13  }
0xa: {  	p1 =	seq.s32 s13, $0xF;
	_ =	strace $0x8000004A;
	[dreg:$0x6] =	wrdreg s15  }
0xb: {  	s7 =	ssub.s32 $0x2, s2;
	p0 =	seq.s32 s2, $0x1;
	[dreg:$0xd] =	wrdreg s21  }
0xc: {  	[dreg:$0xf] =	wrdreg s23;
	s23 =	simm.s32 $0x1F8C0;
	s15 =	simm.s32 $0x1FB40  }
0xd: {  	s2 =	simm.s32 $0x4;
	s11 =	sshrl.u32 s7, $0x1;
	s12 =	sadd.s32 s6, s0  }
0xe: {  	s8 =	sshrl.u32 s8, $0x2;
	s14 =	sadd.s32 s1, s6;
	s1 =	sadd.s32 $0x25080, s1  }
0xf: {  	s22 =	sadd.s32 s5, s6;
	s0 =	sadd.s32 $0x80880, s0;
	[dreg:$0x5] =	wrdreg s14  }
0x10: {  	s21 =	sadd.s32 s24, s9;
	s7 =	ssub.s32 s7, s11;
	[dreg:$0x8] =	wrdreg s1  }
0x11: {  	s8 =	sadd.s32 s8, s3;
	s11 =	sshrl.u32 s6, $0x3;
	[dreg:$0xe] =	wrdreg s22  }
0x12: {  	s20 =	sadd.s32 $0x2EE00, s12;
	s25 =	sadd.s32 $0x5B800, s12;
	[dreg:$0x11] =	wrdreg s0  }
0x13: {  	s22 =	sadd.s32 s24, s10;
	s0 =	simm.s32 $0x8;
	[dreg:$0x4] =	wrdreg s8  }
0x14: {  	s14 =	simm.s32 $0xA;
	s6 =	simm.s32 $0x3;
	[dreg:$0xc] =	wrdreg s20  }
0x15: {  	s16 =	sadd.s32 s9, s11;
	s19 =	sadd.s32 s10, s11;
	[dreg:$0x10] =	wrdreg s25  }
0x16: {  	s26 =	smax.u32 s7, $0x1;
	s7 =	simm.s32 $0x178C0;
	s10 =	simm.s32 $0x1  }
.Ltmp0:
0x17: {  	s8 =	simm.s32 $0xC;
	[dreg:$0x7] =	wrdreg s16;
	(pc) =	sbr.rel .LBB2_1-.Ltmp0, $4  }
0x18: {  	s9 =	simm.s32 $0x0;
	s17 =	sadd.s32 $0x10, s16;
	[dreg:$0xb] =	wrdreg s19  }
0x19: {  	s18 =	sadd.s32 $0x20, s16;
	[dreg:$0x12] =	wrdreg s26;
	s26 =	simm.s32 $0x1FA40  }
0x1a: {  	s16 =	simm.s32 $0x9;
	s19 =	simm.s32 $0xB;
	[dreg:$0x9] =	wrdreg s17  }
0x1b: {  	[dreg:$0xa] =	wrdreg s18;
	s17 =	simm.s32 $0x1B8C0;
	s18 =	simm.s32 $0x2  }
.LBB2_19:
0x1c: {  	[bflag:$0x0] =	sbarrier.arrive $0xFFFF  }
0x1d: {  	s9 =	rddreg [dreg:$0x11]  }
0x1e: {  	s1 =	simm.s32 @p1 $0x1FCD;
	s11 =	rddreg [dreg:$0x16]  }
0x1f: {  	[hbm:s9], [sflag:s1] =	dma.local @p1 [spmem:s11], $0x2080  }
0x20: {  	s1 =	simm.s32 @p1 $0xD  }
0x21: {  	_ =	swait.ge @p1 [sflag:s1], $0x2080  }
0x22: {  	s9 =	rddreg [dreg:$0x14]  }
0x23: {  	[sflag:s1] =	ssyncset.done @p1 $0x0;
	s11 =	rddreg [dreg:$0x15]  }
0x24: {  	[sflag:s1] =	ssyncadd.s32 @p1 $0xFFFFDF80;
	s1 =	rddreg [dreg:$0x10]  }
0x25: {  	[hbm:s1], [sflag:s11] =	dma.local @!p1 [spmem:s9], $0x2780  }
0x26: {  	s1 =	simm.s32 @!p1 $0xD  }
0x27: {  	_ =	swait.ge @!p1 [sflag:s1], $0x2780  }
0x28: {  	[sflag:s1] =	ssyncset.done @!p1 $0x0  }
0x29: {  	s9 =	rddreg [dreg:$0x13];
	[sflag:s1] =	ssyncadd.s32 @!p1 $0xFFFFD880  }
.LBB2_20:
0x2a: {  	s9 =	sadd.s32 $0x1, s9;
	s1 =	rddreg [dreg:$0x12]  }
0x2b: {  	p2 =	sne.s32 s9, s1  }
.Ltmp1:
0x2c: {  	_ = 	snop;
	(pc) =	sbr.rel @!p2 .LBB2_21-.Ltmp1, $1  }
0x2d: {  	_ =	sdelay $0x3  }
.LBB2_1:
0x2e: {  	[dreg:$0x13] =	wrdreg s9;
	s1 =	stileid.u32  }
.Ltmp2:
0x2f: {  	s9 =	sshll.u32 @!p1 s1, $0x6;
	s1 =	rddreg [dreg:$0x6];
	(pc) =	sbr.rel @!p0 .LBB2_2-.Ltmp2, $4  }
0x30: {  	s13 =	sshrl.u32 @p1 s1, $0x3;
	s1 =	rddreg [dreg:$0x4];
	s12 =	sor.u32 @!p1 $0x1C0D, s9  }
0x31: {  	[dreg:$0x15] =	wrdreg s12  }
0x32: {  	s11 =	sshrl.u32 @!p1 s1, $0x3;
	[dreg:$0x16] =	wrdreg s13  }
0x33: {  	[dreg:$0x14] =	wrdreg s11  }
0x34: {  	s1 =	simm.s32 @p1 $0x1FCD;
	s9 =	rddreg [dreg:$0xf]  }
0x35: {  	[spmem:s13], [sflag:s1] =	dma.local @p1 [hbm:s9], $0x2080  }
0x36: {  	s1 =	simm.s32 @p1 $0xD  }
0x37: {  	_ =	swait.ge @p1 [sflag:s1], $0x2080  }
0x38: {  	[sflag:s1] =	ssyncset.done @p1 $0x0  }
0x39: {  	[sflag:s1] =	ssyncadd.s32 @p1 $0xFFFFDF80;
	s1 =	rddreg [dreg:$0xe]  }
0x3a: {  	[spmem:s11], [sflag:s12] =	dma.local @!p1 [hbm:s1], $0x2780  }
0x3b: {  	s1 =	simm.s32 @!p1 $0xD  }
0x3c: {  	_ =	swait.ge @!p1 [sflag:s1], $0x2780  }
0x3d: {  	[sflag:s1] =	ssyncset.done @!p1 $0x0  }
0x3e: {  	[sflag:s1] =	ssyncadd.s32 @!p1 $0xFFFFD880  }
0x3f: {  	[bflag:$0x0] =	sbarrier.arrive $0xFFFF  }
0x40: {  	s9 =	simm.s32 $0x0;
	s12 =	rddreg [dreg:$0x7]  }
0x41: {  	[tilespmem:s23], [sflag:$0x7] =	stream.linear.gather [hbm4b:s12+s9], $0x80, $0x38;
	[tilespmem:$0x1FBC0] =	vst v63  }
0x42: {  	s13 =	rddreg [dreg:$0x9]  }
0x43: {  	[tilespmem:s31], [sflag:$0x8] =	stream.linear.gather [hbm4b:s13+s9], $0x80, $0x38;
	[tilespmem:$0x1FBC0] =	vst v63  }
0x44: {  	s24 =	simm.s32 $0x1F9C0;
	s20 =	rddreg [dreg:$0xa]  }
0x45: {  	[tilespmem:s24], [sflag:$0x9] =	stream.linear.gather [hbm4b:s20+s9], $0x80, $0x38;
	[tilespmem:$0x1FBC0] =	vst v63  }
0x46: {  	s25 =	rddreg [dreg:$0xb]  }
0x47: {  	[tilespmem:s26], [sflag:$0xA] =	stream.linear.gather [hbm4b:s25+s9], $0x80, $0x38;
	[tilespmem:$0x1FBC0] =	vst v63  }
.Ltmp3:
0x48: {  	_ = 	snop;
	(pc) =	sbr.rel .LBB2_12-.Ltmp3, $4  }
0x49: {  	_ =	swait.ge [sflag:s28], $0x80  }
0x4a: {  	[sflag:s28] =	ssyncset.done $0x0  }
0x4b: {  	s12 =	simm.s32 $0xFFFFFFFE;
	s13 =	simm.s32 $0x0;
	[sflag:s28] =	ssyncadd.s32 $0xFFFFFF80  }
0x4c: {  	[tilespmem:s30], [sflag:$0x1] =	stream.indirect.gather [hbm4b:s5+s29], $0x80, s23, s29, $0xb8;
	[tilespmem:$0x1FBC0] =	vst v63  }
.LBB2_17:
0x4d: {  	s1 =	sadd.s32 s9, s22  }
0x4e: {  	s11 =	sadd.s32 $0x20, s1  }
0x4f: {  	[tilespmem:s15], [sflag:$0xC] =	stream.linear.gather [hbm4b:s11+s4], $0x80, $0x38;
	[tilespmem:$0x1FBC0] =	vst v63  }
0x50: {  	_ =	swait.ge [sflag:s16], $0x80  }
0x51: {  	[sflag:s16] =	ssyncset.done $0x0  }
0x52: {  	s24 =	simm.s32 $0x1F9C0;
	[sflag:s16] =	ssyncadd.s32 $0xFFFFFF80  }
0x53: {  	[tilespmem:s17], [sflag:$0x3] =	stream.indirect.gather [hbm4b:s5+s29], $0x80, s24, s29, $0xb8;
	[tilespmem:$0x1FBC0] =	vst v63  }
0x54: {  	p2 =	seq.s32 s9, $0x4B0;
	_ =	swait.ge [sflag:s18], $0x4000  }
0x55: {  	s25 =	simm.s32 @!p2 $0x1F940;
	s11 =	sadd.s32 @!p2 s9, s21;
	[sflag:s18] =	ssyncset.done $0x0  }
0x56: {  	s20 =	sadd.s32 @!p2 $0x40, s11;
	s24 =	simm.s32 @!p2 $0x0;
	[sflag:s18] =	ssyncadd.s32 $0xFFFFC000  }
0x57: {  	[tilespmem:s25], [sflag:$0x8] =	stream.linear.gather @!p2 [hbm4b:s20+s24], $0x80, $0x38;
	[tilespmem:$0x1FBC0] =	vst v63  }
0x58: {  	_ =	swait.ge [sflag:s19], $0x80  }
0x59: {  	[sflag:s19] =	ssyncset.done $0x0  }
0x5a: {  	s25 =	simm.s32 $0x1FAC0;
	[sflag:s19] =	ssyncadd.s32 $0xFFFFFF80  }
0x5b: {  	[spmem:s3] =	stream.indirect.scatter.add.f32 [tilespmem:s7], [sflag:$0x5], $0x80, s25, s29, $0xb8;
	[tilespmem:$0x1FBC0] =	vst v63  }
0x5c: {  	_ =	swait.ge [sflag:s2], $0x4000  }
0x5d: {  	[sflag:s2] =	ssyncset.done $0x0  }
0x5e: {  	s1 =	sadd.s32 $0x30, s1;
	[sflag:s2] =	ssyncadd.s32 $0xFFFFC000  }
0x5f: {  	[tilespmem:s26], [sflag:$0xA] =	stream.linear.gather [hbm4b:s1+s4], $0x80, $0x38;
	[tilespmem:$0x1FBC0] =	vst v63  }
0x60: {  	_ =	swait.ge [sflag:s28], $0x80  }
0x61: {  	[sflag:s28] =	ssyncset.done $0x0  }
0x62: {  	[sflag:s28] =	ssyncadd.s32 $0xFFFFFF80  }
0x63: {  	[tilespmem:s30], [sflag:$0x1] =	stream.indirect.gather [hbm4b:s5+s29], $0x80, s23, s29, $0xb8;
	[tilespmem:$0x1FBC0] =	vst v63  }
0x64: {  	_ =	swait.ge [sflag:s6], $0x4000  }
0x65: {  	[sflag:s6] =	ssyncset.done $0x0  }
0x66: {  	s1 =	sadd.s32 @!p2 $0x50, s11;
	s11 =	simm.s32 @!p2 $0x1F9C0;
	[sflag:s6] =	ssyncadd.s32 $0xFFFFC000  }
0x67: {  	[tilespmem:s11], [sflag:$0x9] =	stream.linear.gather @!p2 [hbm4b:s1+s24], $0x80, $0x38;
	[tilespmem:$0x1FBC0] =	vst v63  }
0x68: {  	_ =	swait.ge [sflag:s8], $0x80  }
0x69: {  	[sflag:s8] =	ssyncset.done $0x0  }
0x6a: {  	[sflag:s8] =	ssyncadd.s32 $0xFFFFFF80  }
0x6b: {  	[spmem:s3] =	stream.indirect.scatter.add.f32 [tilespmem:s17], [sflag:$0x6], $0x80, s15, s29, $0xb8;
	[tilespmem:$0x1FBC0] =	vst v63  }
.LBB2_18:
0x6c: {  	s9 =	sadd.s32 $0x30, s9  }
0x6d: {  	p2 =	sne.s32 s9, $0x540  }
.Ltmp4:
0x6e: {  	_ = 	snop;
	(pc) =	sbr.rel @!p2 .LBB2_19-.Ltmp4, $2  }
0x6f: {  	_ =	sdelay $0x2  }
0x70: {  	s13 =	sadd.s32 $0x1, s13;
	s12 =	sadd.s32 $0x3, s12  }
.LBB2_12:
0x71: {  	p3 =	slt.u32 s13, $0x1A  }
.Ltmp5:
0x72: {  	p2 =	sgt.u32 s12, $0x4E;
	(pc) =	sbr.rel @!p3 .LBB2_13-.Ltmp5, $4  }
0x73: {  	s1 =	simm.s32 @!p2 $0x5  }
0x74: {  	_ =	swait.ge @!p2 [sflag:s1], $0x4000  }
0x75: {  	[sflag:s1] =	ssyncset.done @!p2 $0x0  }
0x76: {  	[sflag:s1] =	ssyncadd.s32 @!p2 $0xFFFFC000  }
0x77: {  	s1 =	sadd.s32 s9, s22  }
0x78: {  	s11 =	simm.s32 $0x1FAC0;
	s1 =	sadd.s32 $0x10, s1  }
0x79: {  	[tilespmem:s11], [sflag:$0xB] =	stream.linear.gather [hbm4b:s1+s4], $0x80, $0x38;
	[tilespmem:$0x1FBC0] =	vst v63  }
0x7a: {  	_ =	swait.ge [sflag:s0], $0x80  }
0x7b: {  	[sflag:s0] =	ssyncset.done $0x0  }
0x7c: {  	[sflag:s0] =	ssyncadd.s32 $0xFFFFFF80  }
0x7d: {  	[tilespmem:s7], [sflag:$0x2] =	stream.indirect.gather [hbm4b:s5+s29], $0x80, s31, s29, $0xb8;
	[tilespmem:$0x1FBC0] =	vst v63  }
.Ltmp6:
0x7e: {  	_ = 	snop;
	(pc) =	sbr.rel .LBB2_16-.Ltmp6, $4  }
0x7f: {  	_ =	swait.ge [sflag:s10], $0x4000  }
0x80: {  	s25 =	sadd.s32 s9, s21;
	[sflag:s10] =	ssyncset.done $0x0  }
0x81: {  	s1 =	sadd.s32 $0x30, s25;
	[sflag:s10] =	ssyncadd.s32 $0xFFFFC000  }
0x82: {  	[tilespmem:s23], [sflag:$0x7] =	stream.linear.gather [hbm4b:s1+s4], $0x80, $0x38;
	[tilespmem:$0x1FBC0] =	vst v63  }
.LBB2_13:
0x83: {  	p2 =	seq.s32 s9, $0x510  }
.Ltmp7:
0x84: {  	_ = 	snop;
	(pc) =	sbr.rel @p2 .LBB2_19-.Ltmp7, $1  }
0x85: {  	_ =	sdelay $0x3  }
0x86: {  	_ =	swait.ge [sflag:s10], $0x4000  }
0x87: {  	[sflag:s10] =	ssyncset.done $0x0  }
0x88: {  	[sflag:s10] =	ssyncadd.s32 $0xFFFFC000  }
.LBB2_16:
0x89: {  	_ =	swait.ge [sflag:s14], $0x80;
	s1 =	sadd.s32 $0x1, s12  }
0x8a: {  	p3 =	sgt.u32 s13, $0x19;
	[sflag:s14] =	ssyncset.done $0x0;
	p2 =	sgt.u32 s1, $0x4E  }
.Ltmp8:
0x8b: {  	[sflag:s14] =	ssyncadd.s32 $0xFFFFFF80;
	s1 =	simm.s32 @!p2 $0x6;
	(pc) =	sbr.rel @!p3 .LBB2_17-.Ltmp8, $4  }
0x8c: {  	[spmem:s3] =	stream.indirect.scatter.add.f32 [tilespmem:s30], [sflag:$0x4], $0x80, s26, s29, $0xb8;
	[tilespmem:$0x1FBC0] =	vst v63  }
0x8d: {  	_ =	swait.ge @!p2 [sflag:s1], $0x4000  }
0x8e: {  	[sflag:s1] =	ssyncset.done @!p2 $0x0  }
0x8f: {  	[sflag:s1] =	ssyncadd.s32 @!p2 $0xFFFFC000  }
.Ltmp9:
0x90: {  	(pc) =	sbr.rel .LBB2_18-.Ltmp9, $4  }
0x91: {  	_ = 	snop  }
0x92: {  	_ =	swait.ge [sflag:s2], $0x4000  }
0x93: {  	[sflag:s2] =	ssyncset.done $0x0  }
0x94: {  	[sflag:s2] =	ssyncadd.s32 $0xFFFFC000  }
.LBB2_2:
0x95: {  	s9 =	simm.s32 @p1 $0x1FCD;
	s1 =	rddreg [dreg:$0x8]  }
0x96: {  	[spmem:s13], [sflag:s9] =	dma.local @p1 [hbm:s1], $0x2080  }
0x97: {  	s9 =	simm.s32 @p1 $0xD  }
0x98: {  	_ =	swait.ge @p1 [sflag:s9], $0x2080  }
0x99: {  	[sflag:s9] =	ssyncset.done @p1 $0x0  }
0x9a: {  	s1 =	rddreg [dreg:$0x5];
	[sflag:s9] =	ssyncadd.s32 @p1 $0xFFFFDF80;
	s9 =	simm.s32 @!p1 $0xD  }
0x9b: {  	[spmem:s11], [sflag:s12] =	dma.local @!p1 [hbm:s1], $0x2780  }
0x9c: {  	_ =	swait.ge @!p1 [sflag:s9], $0x2780  }
0x9d: {  	[sflag:s9] =	ssyncset.done @!p1 $0x0  }
0x9e: {  	[sflag:s9] =	ssyncadd.s32 @!p1 $0xFFFFD880  }
0x9f: {  	[bflag:$0x0] =	sbarrier.arrive $0xFFFF  }
0xa0: {  	s9 =	simm.s32 $0x0;
	s11 =	rddreg [dreg:$0x7]  }
0xa1: {  	[tilespmem:s23], [sflag:$0x7] =	stream.linear.gather [hbm4b:s11+s9], $0x80, $0x38;
	[tilespmem:$0x1FBC0] =	vst v63  }
0xa2: {  	s12 =	rddreg [dreg:$0x9]  }
0xa3: {  	[tilespmem:s31], [sflag:$0x8] =	stream.linear.gather [hbm4b:s12+s9], $0x80, $0x38;
	[tilespmem:$0x1FBC0] =	vst v63  }
0xa4: {  	s20 =	simm.s32 $0x1F9C0;
	s13 =	rddreg [dreg:$0xa]  }
0xa5: {  	[tilespmem:s20], [sflag:$0x9] =	stream.linear.gather [hbm4b:s13+s9], $0x80, $0x38;
	[tilespmem:$0x1FBC0] =	vst v63  }
0xa6: {  	s24 =	rddreg [dreg:$0xb]  }
0xa7: {  	[tilespmem:s26], [sflag:$0xA] =	stream.linear.gather [hbm4b:s24+s9], $0x80, $0x38;
	[tilespmem:$0x1FBC0] =	vst v63  }
.Ltmp10:
0xa8: {  	_ =	swait.ge [sflag:s28], $0x80;
	(pc) =	sbr.rel .LBB2_3-.Ltmp10, $4  }
0xa9: {  	[sflag:s28] =	ssyncset.done $0x0  }
0xaa: {  	[sflag:s28] =	ssyncadd.s32 $0xFFFFFF80  }
0xab: {  	s12 =	simm.s32 $0xFFFFFFFE;
	s13 =	simm.s32 $0x0;
	s25 =	rddreg [dreg:$0x0]  }
0xac: {  	[tilespmem:s30], [sflag:$0x1] =	stream.indirect.gather [hbm4b:s25+s29], $0x80, s23, s29, $0xb8;
	[tilespmem:$0x1FBC0] =	vst v63  }
.LBB2_8:
0xad: {  	s20 =	sadd.s32 s9, s22  }
0xae: {  	s25 =	sadd.s32 $0x20, s20  }
0xaf: {  	[tilespmem:s15], [sflag:$0xC] =	stream.linear.gather [hbm4b:s25+s4], $0x80, $0x38;
	[tilespmem:$0x1FBC0] =	vst v63  }
0xb0: {  	_ =	swait.ge [sflag:s16], $0x80  }
0xb1: {  	[sflag:s16] =	ssyncset.done $0x0  }
0xb2: {  	[sflag:s16] =	ssyncadd.s32 $0xFFFFFF80  }
0xb3: {  	s1 =	simm.s32 $0x1F9C0;
	s31 =	rddreg [dreg:$0x0]  }
0xb4: {  	[tilespmem:s17], [sflag:$0x3] =	stream.indirect.gather [hbm4b:s31+s29], $0x80, s1, s29, $0xb8;
	[tilespmem:$0x1FBC0] =	vst v63  }
0xb5: {  	p2 =	seq.s32 s9, $0x4B0;
	_ =	swait.ge [sflag:s18], $0x4000  }
0xb6: {  	s11 =	simm.s32 @!p2 $0x1F940;
	s25 =	sadd.s32 @!p2 s9, s21;
	[sflag:s18] =	ssyncset.done $0x0  }
0xb7: {  	s24 =	sadd.s32 @!p2 $0x40, s25;
	s1 =	simm.s32 @!p2 $0x0;
	[sflag:s18] =	ssyncadd.s32 $0xFFFFC000  }
0xb8: {  	[tilespmem:s11], [sflag:$0x8] =	stream.linear.gather @!p2 [hbm4b:s24+s1], $0x80, $0x38;
	[tilespmem:$0x1FBC0] =	vst v63  }
0xb9: {  	_ =	swait.ge [sflag:s19], $0x80  }
0xba: {  	[sflag:s19] =	ssyncset.done $0x0  }
0xbb: {  	s24 =	simm.s32 $0x1FAC0;
	[sflag:s19] =	ssyncadd.s32 $0xFFFFFF80  }
0xbc: {  	[spmem:s3] =	stream.indirect.scatter.add.f32 [tilespmem:s7], [sflag:$0x5], $0x80, s24, s29, $0xb8;
	[tilespmem:$0x1FBC0] =	vst v63  }
0xbd: {  	_ =	swait.ge [sflag:s2], $0x4000  }
0xbe: {  	[sflag:s2] =	ssyncset.done $0x0  }
0xbf: {  	s24 =	sadd.s32 $0x30, s20;
	[sflag:s2] =	ssyncadd.s32 $0xFFFFC000  }
0xc0: {  	[tilespmem:s26], [sflag:$0xA] =	stream.linear.gather [hbm4b:s24+s4], $0x80, $0x38;
	[tilespmem:$0x1FBC0] =	vst v63  }
0xc1: {  	_ =	swait.ge [sflag:s28], $0x80  }
0xc2: {  	[sflag:s28] =	ssyncset.done $0x0  }
0xc3: {  	[sflag:s28] =	ssyncadd.s32 $0xFFFFFF80  }
0xc4: {  	[tilespmem:s30], [sflag:$0x1] =	stream.indirect.gather [hbm4b:s31+s29], $0x80, s23, s29, $0xb8;
	[tilespmem:$0x1FBC0] =	vst v63  }
0xc5: {  	_ =	swait.ge [sflag:s6], $0x4000  }
0xc6: {  	[sflag:s6] =	ssyncset.done $0x0  }
0xc7: {  	s11 =	sadd.s32 @!p2 $0x50, s25;
	s20 =	simm.s32 @!p2 $0x1F9C0;
	[sflag:s6] =	ssyncadd.s32 $0xFFFFC000  }
0xc8: {  	[tilespmem:s20], [sflag:$0x9] =	stream.linear.gather @!p2 [hbm4b:s11+s1], $0x80, $0x38;
	[tilespmem:$0x1FBC0] =	vst v63  }
0xc9: {  	_ =	swait.ge [sflag:s8], $0x80  }
0xca: {  	[sflag:s8] =	ssyncset.done $0x0  }
0xcb: {  	s31 =	simm.s32 $0x1F940;
	[sflag:s8] =	ssyncadd.s32 $0xFFFFFF80  }
0xcc: {  	[spmem:s3] =	stream.indirect.scatter.add.f32 [tilespmem:s17], [sflag:$0x6], $0x80, s15, s29, $0xb8;
	[tilespmem:$0x1FBC0] =	vst v63  }
.LBB2_9:
0xcd: {  	s9 =	sadd.s32 $0x30, s9  }
0xce: {  	p2 =	sne.s32 s9, $0x540  }
.Ltmp11:
0xcf: {  	_ = 	snop;
	(pc) =	sbr.rel @!p2 .LBB2_10-.Ltmp11, $2  }
0xd0: {  	_ =	sdelay $0x2  }
0xd1: {  	s13 =	sadd.s32 $0x1, s13;
	s12 =	sadd.s32 $0x3, s12  }
.LBB2_3:
0xd2: {  	p3 =	slt.u32 s13, $0x1A  }
.Ltmp12:
0xd3: {  	p2 =	sgt.u32 s12, $0x4E;
	(pc) =	sbr.rel @!p3 .LBB2_4-.Ltmp12, $4  }
0xd4: {  	s20 =	simm.s32 @!p2 $0x5  }
0xd5: {  	_ =	swait.ge @!p2 [sflag:s20], $0x4000  }
0xd6: {  	[sflag:s20] =	ssyncset.done @!p2 $0x0  }
0xd7: {  	[sflag:s20] =	ssyncadd.s32 @!p2 $0xFFFFC000  }
0xd8: {  	s20 =	sadd.s32 s9, s22  }
0xd9: {  	s1 =	simm.s32 $0x1FAC0;
	s20 =	sadd.s32 $0x10, s20  }
0xda: {  	[tilespmem:s1], [sflag:$0xB] =	stream.linear.gather [hbm4b:s20+s4], $0x80, $0x38;
	[tilespmem:$0x1FBC0] =	vst v63  }
0xdb: {  	_ =	swait.ge [sflag:s0], $0x80  }
0xdc: {  	[sflag:s0] =	ssyncset.done $0x0  }
0xdd: {  	[sflag:s0] =	ssyncadd.s32 $0xFFFFFF80  }
0xde: {  	s24 =	rddreg [dreg:$0x0]  }
0xdf: {  	[tilespmem:s7], [sflag:$0x2] =	stream.indirect.gather [hbm4b:s24+s29], $0x80, s31, s29, $0xb8;
	[tilespmem:$0x1FBC0] =	vst v63  }
.Ltmp13:
0xe0: {  	_ = 	snop;
	(pc) =	sbr.rel .LBB2_7-.Ltmp13, $4  }
0xe1: {  	_ =	swait.ge [sflag:s10], $0x4000  }
0xe2: {  	s25 =	sadd.s32 s9, s21;
	[sflag:s10] =	ssyncset.done $0x0  }
0xe3: {  	s20 =	sadd.s32 $0x30, s25;
	[sflag:s10] =	ssyncadd.s32 $0xFFFFC000  }
0xe4: {  	[tilespmem:s23], [sflag:$0x7] =	stream.linear.gather [hbm4b:s20+s4], $0x80, $0x38;
	[tilespmem:$0x1FBC0] =	vst v63  }
.LBB2_4:
0xe5: {  	p2 =	seq.s32 s9, $0x510  }
.Ltmp14:
0xe6: {  	_ = 	snop;
	(pc) =	sbr.rel @p2 .LBB2_10-.Ltmp14, $1  }
0xe7: {  	_ =	sdelay $0x3  }
0xe8: {  	_ =	swait.ge [sflag:s10], $0x4000  }
0xe9: {  	[sflag:s10] =	ssyncset.done $0x0  }
0xea: {  	[sflag:s10] =	ssyncadd.s32 $0xFFFFC000  }
.LBB2_7:
0xeb: {  	_ =	swait.ge [sflag:s14], $0x80;
	s20 =	sadd.s32 $0x1, s12  }
0xec: {  	p3 =	sgt.u32 s13, $0x19;
	[sflag:s14] =	ssyncset.done $0x0;
	p2 =	sgt.u32 s20, $0x4E  }
.Ltmp15:
0xed: {  	[sflag:s14] =	ssyncadd.s32 $0xFFFFFF80;
	s20 =	simm.s32 @!p2 $0x6;
	(pc) =	sbr.rel @!p3 .LBB2_8-.Ltmp15, $4  }
0xee: {  	[spmem:s3] =	stream.indirect.scatter.add.f32 [tilespmem:s30], [sflag:$0x4], $0x80, s26, s29, $0xb8;
	[tilespmem:$0x1FBC0] =	vst v63  }
0xef: {  	_ =	swait.ge @!p2 [sflag:s20], $0x4000  }
0xf0: {  	[sflag:s20] =	ssyncset.done @!p2 $0x0  }
0xf1: {  	[sflag:s20] =	ssyncadd.s32 @!p2 $0xFFFFC000  }
.Ltmp16:
0xf2: {  	(pc) =	sbr.rel .LBB2_9-.Ltmp16, $4  }
0xf3: {  	_ = 	snop  }
0xf4: {  	_ =	swait.ge [sflag:s2], $0x4000  }
0xf5: {  	[sflag:s2] =	ssyncset.done $0x0  }
0xf6: {  	[sflag:s2] =	ssyncadd.s32 $0xFFFFC000  }
.LBB2_10:
0xf7: {  	[bflag:$0x0] =	sbarrier.arrive $0xFFFF  }
0xf8: {  	s9 =	rddreg [dreg:$0xd]  }
0xf9: {  	s1 =	simm.s32 @p1 $0x1FCD;
	s11 =	rddreg [dreg:$0x16]  }
0xfa: {  	[hbm:s9], [sflag:s1] =	dma.local @p1 [spmem:s11], $0x2080  }
0xfb: {  	s1 =	simm.s32 @p1 $0xD  }
0xfc: {  	_ =	swait.ge @p1 [sflag:s1], $0x2080  }
0xfd: {  	s9 =	rddreg [dreg:$0x14]  }
0xfe: {  	[sflag:s1] =	ssyncset.done @p1 $0x0;
	s11 =	rddreg [dreg:$0x15]  }
0xff: {  	[sflag:s1] =	ssyncadd.s32 @p1 $0xFFFFDF80;
	s1 =	rddreg [dreg:$0xc]  }
0x100: {  	[hbm:s1], [sflag:s11] =	dma.local @!p1 [spmem:s9], $0x2780  }
.Ltmp17:
0x101: {  	_ = 	snop;
	(pc) =	sbr.rel .LBB2_20-.Ltmp17, $4  }
0x102: {  	s1 =	simm.s32 @!p1 $0xD  }
0x103: {  	_ =	swait.ge @!p1 [sflag:s1], $0x2780  }
0x104: {  	[sflag:s1] =	ssyncset.done @!p1 $0x0  }
0x105: {  	s9 =	rddreg [dreg:$0x13];
	[sflag:s1] =	ssyncadd.s32 @!p1 $0xFFFFD880  }
.LBB2_21:
0x106: {  	_ =	sfence.sel $0x180000  }
0x107: {  	[bflag:$0x0] =	sbarrier.arrive $0xFFFF  }
0x108: {  	_ =	strace $0x9000004A  }
0x109: {  	s0 =	stileid.u32;
	[bflag:$0x2] =	sbarrier.arrive $0xFFFF  }
0x10a: {  	p0 =	sne.s32 s0, $0x0;
	s0 =	rddreg [dreg:$0x3]  }
0x10b: {  	s0 =	sadd.s32 @!p0 $0x100000, s0  }
0x10c: {  	[sflag:s0] =	ssyncadd.tile.s32 @!p0 $0x1;
	_ =	shalt  }
.Lfunc_end2:
_tile_overlayer_lowered:
.L_overlay_start_2:
0x10d: {  	(tag) =	ssettag $0x2  }
0x10e: {  	s0 =	rddreg [dreg:$0x0];
	s2 =	stileid.u32  }
0x10f: {  	s1 =	rddreg [dreg:$0x1];
	p0 =	sne.s32 s2, $0x0  }
0x110: {  	s3 =	rddreg [dreg:$0x2];
	[bflag:$0x3] =	sbarrier.arrive $0xFFFF;
	s2 =	simm.s32 @!p0 $0x1C0D  }
0x111: {  	[timem:s3], [sflag:s2] =	dma.local @!p0 [hbm:s0], s1  }
0x112: {  	s0 =	simm.s32 @!p0 $0xD  }
0x113: {  	_ =	swait.ge @!p0 [sflag:s0], s1  }
0x114: {  	s1 =	ssub.s32 @!p0 $0x0, s1;
	[sflag:s0] =	ssyncset.done @!p0 $0x0  }
0x115: {  	[sflag:s0] =	ssyncadd.s32 @!p0 s1  }
0x116: {  	[bflag:$0x3] =	sbarrier.arrive $0xFFFF  }
0x117: {  	_ =	shalt  }

// kernel: kernel.14.cloned.1.call-start
scs
__scs_entry_jumppad:
0x0: {  	(pc) =	sbr.rel $0x88, $3  }
0x1: {  	(tag) =	ssettag $0x0;
	lr =	simm.s32 $0x1  }
0x2: {  	[smem:$0x3F9B] =	sst lr;
	_ =	strace $0xD0000000  }
0x3: {  	_ = 	snop  }
0x4: {  	_ = 	snop  }
0x5: {  	_ = 	snop  }
0x6: {  	_ = 	snop  }
0x7: {  	_ = 	snop  }
__scs_overlays_trampoline_lowered:
0x8: {  	[smem:$0x3FAA] =	sst s0  }
0x9: {  	[smem:$0x3FAB] =	sst s1  }
0xa: {  	[smem:$0x3FAC] =	sst s2  }
0xb: {  	[smem:$0x3FAD] =	sst s3  }
0xc: {  	[smem:$0x3FAE] =	sst s4  }
0xd: {  	[smem:$0x3FAF] =	sst s5  }
0xe: {  	[smem:$0x3FB0] =	sst s6  }
0xf: {  	[smem:$0x3FB1] =	sst s7  }
0x10: {  	[smem:$0x3FB2] =	sst s8  }
0x11: {  	[smem:$0x3FB3] =	sst s9;
	s0 =	simm.s32 @!p0 $0x0  }
0x12: {  	s1 =	sld [smem:$0x3F99];
	s0 =	simm.s32 @p0 $0x1  }
0x13: {  	[smem:$0x3FB4] =	sst s0;
	s0 =	simm.s32 @!p1 $0x0  }
0x14: {  	s2 =	sld [smem:$0x3F98];
	s0 =	simm.s32 @p1 $0x1  }
0x15: {  	[smem:$0x3FB5] =	sst s0;
	s0 =	simm.s32 @!p2 $0x0  }
0x16: {  	s3 =	sld [smem:$0x3FDB];
	s0 =	simm.s32 @p2 $0x1  }
0x17: {  	s4 =	simm.s32 $0x1BF5;
	[smem:$0x3FB7] =	sst s0  }
0x18: {  	s0 =	sld [smem:$0x3F9A];
	_ =	swait.ge [sflag:s4], $0x0  }
0x19: {  	s7 =	sld [smem:$0x3F9B]  }
0x1a: {  	s8 =	sadd.s32 $0xFFFFE003, lr  }
0x1b: {  	s9 =	sadd.s32 $0xFFFFFEF7, lr;
	s5 =	simm.s32 $0xFFFFFFFF;
	p2 =	slt.u32 s8, $0xFFFFF086  }
0x1c: {  	p1 =	slt.u32 s9, $0xF7A;
	s5 =	simm.s32 @!p2 $0x0  }
0x1d: {  	s5 =	simm.s32 @p1 $0x1;
	p0 =	seq.s32 s7, s2  }
0x1e: {  	s7 =	smul.u32 @!p0 $0xF7A, s2;
	p2 =	seq.s32 @!p0 s5, $0x0  }
0x1f: {  	s9 =	smul.u32 $0xF7A, s1;
	s8 =	simm.s32 @!p0 $0x1BF5;
	p2 =	por !p2, p0  }
0x20: {  	[sflag:s8] =	ssyncset.s32 @!p0 $0xFFFFF086;
	s6 =	sadd.s32 @!p0 s3, s7;
	s7 =	simm.s32 @!p0 $0x108  }
0x21: {  	s3 =	sadd.s32 s3, s9;
	s6 =	sadd.s32 @!p0 $0x88, s6;
	s7 =	simm.s32 @p2 $0x1082  }
0x22: {  	[simem:s7], [sflag:s8] =	dma.local @!p0 [hbm:s6], $0xF7A  }
0x23: {  	s9 =	sor.u32 $0xD0000000, s2;
	s6 =	simm.s32 $0x108;
	_ =	swait.ge @!p0 [sflag:s8], $0x0  }
0x24: {  	s3 =	sadd.s32 $0x88, s3;
	s6 =	simm.s32 @!p1 $0x1082;
	[sflag:s4] =	ssyncset.s32 $0xFFFFF086  }
0x25: {  	[simem:s6], [sflag:s4] =	dma.local [hbm:s3], $0xF7A  }
0x26: {  	[smem:$0x3F9B] =	sst s1;
	(tag) =	ssettag s2;
	_ =	strace s9  }
0x27: {  	s1 =	sld [smem:$0x3FAB]  }
0x28: {  	s2 =	sld [smem:$0x3FAC]  }
0x29: {  	s4 =	sld [smem:$0x3FAE]  }
0x2a: {  	p0 =	seq.s32 s5, $0x0;
	s5 =	sld [smem:$0x3FAF]  }
0x2b: {  	s6 =	sld [smem:$0x3FB0]  }
0x2c: {  	s7 =	sld [smem:$0x3FB1]  }
0x2d: {  	s3 =	simm.s32 $0x108;
	s8 =	sld [smem:$0x3FB2]  }
0x2e: {  	s3 =	simm.s32 @!p0 $0x1082;
	s9 =	sld [smem:$0x3FB3]  }
0x2f: {  	lr =	sadd.s32 s0, s3;
	s0 =	sld [smem:$0x3FAA]  }
0x30: {  	s3 =	sld [smem:$0x3FAD]  }
0x31: {  	[smem:$0x3FB6] =	sst s10  }
0x32: {  	s10 =	sld [smem:$0x3FB4];
	_ =	sdelay $0x3  }
0x33: {  	p0 =	seq.s32 s10, $0x1;
	s10 =	sld [smem:$0x3FB6];
	_ =	sdelay $0x3  }
0x34: {  	[smem:$0x3FB6] =	sst s10  }
0x35: {  	s10 =	sld [smem:$0x3FB5];
	_ =	sdelay $0x3  }
0x36: {  	p1 =	seq.s32 s10, $0x1;
	s10 =	sld [smem:$0x3FB6];
	_ =	sdelay $0x3  }
0x37: {  	[smem:$0x3FB6] =	sst s10  }
0x38: {  	s10 =	sld [smem:$0x3FB7]  }
0x39: {  	_ = 	snop;
	(pc) =	sbr.ind lr, $3  }
0x3a: {  	_ = 	snop  }
0x3b: {  	_ = 	snop  }
0x3c: {  	p2 =	seq.s32 s10, $0x1;
	s10 =	sld [smem:$0x3FB6]  }
0x3d: {  	_ =	shalt  }
0x3e: {  	_ =	shalt  }
0x3f: {  	_ =	shalt  }
0x40: {  	_ =	shalt  }
0x41: {  	_ =	shalt  }
0x42: {  	_ =	shalt  }
0x43: {  	_ =	shalt  }
0x44: {  	_ =	shalt  }
0x45: {  	_ =	shalt  }
0x46: {  	_ =	shalt  }
0x47: {  	_ =	shalt  }
0x48: {  	_ =	shalt  }
0x49: {  	_ =	shalt  }
0x4a: {  	_ =	shalt  }
0x4b: {  	_ =	shalt  }
0x4c: {  	_ =	shalt  }
0x4d: {  	_ =	shalt  }
0x4e: {  	_ =	shalt  }
0x4f: {  	_ =	shalt  }
0x50: {  	_ =	shalt  }
0x51: {  	_ =	shalt  }
0x52: {  	_ =	shalt  }
0x53: {  	_ =	shalt  }
0x54: {  	_ =	shalt  }
0x55: {  	_ =	shalt  }
0x56: {  	_ =	shalt  }
0x57: {  	_ =	shalt  }
0x58: {  	_ =	shalt  }
0x59: {  	_ =	shalt  }
0x5a: {  	_ =	shalt  }
0x5b: {  	_ =	shalt  }
0x5c: {  	_ =	shalt  }
0x5d: {  	_ =	shalt  }
0x5e: {  	_ =	shalt  }
0x5f: {  	_ =	shalt  }
0x60: {  	_ =	shalt  }
0x61: {  	_ =	shalt  }
0x62: {  	_ =	shalt  }
0x63: {  	_ =	shalt  }
0x64: {  	_ =	shalt  }
0x65: {  	_ =	shalt  }
0x66: {  	_ =	shalt  }
0x67: {  	_ =	shalt  }
0x68: {  	_ =	shalt  }
0x69: {  	_ =	shalt  }
0x6a: {  	_ =	shalt  }
0x6b: {  	_ =	shalt  }
0x6c: {  	_ =	shalt  }
0x6d: {  	_ =	shalt  }
0x6e: {  	_ =	shalt  }
0x6f: {  	_ =	shalt  }
0x70: {  	_ =	shalt  }
0x71: {  	_ =	shalt  }
0x72: {  	_ =	shalt  }
0x73: {  	_ =	shalt  }
0x74: {  	_ =	shalt  }
0x75: {  	_ =	shalt  }
0x76: {  	_ =	shalt  }
0x77: {  	_ =	shalt  }
0x78: {  	_ =	shalt  }
0x79: {  	_ =	shalt  }
0x7a: {  	_ =	shalt  }
0x7b: {  	_ =	shalt  }
0x7c: {  	_ =	shalt  }
0x7d: {  	_ =	shalt  }
0x7e: {  	_ =	shalt  }
0x7f: {  	_ =	shalt  }
0x80: {  	_ =	shalt  }
0x81: {  	_ =	shalt  }
0x82: {  	_ =	shalt  }
0x83: {  	_ =	shalt  }
0x84: {  	_ =	shalt  }
0x85: {  	_ =	shalt  }
0x86: {  	_ =	shalt  }
0x87: {  	_ =	shalt  }
.Lfunc_end0:
.L_simem_size_0:
called_computation.2_lowered:
.L_overlay_start_0:
0x88: {  	s2 =	sld [smem:$0x3FD9]  }
0x89: {  	s3 =	sld [smem:$0x3FFE];
	_ =	sdelay $0x1  }
0x8a: {  	s1 =	srdreg.scid  }
0x8b: {  	s0 =	sand.u32 $0x1, s1  }
0x8c: {  	s17 =	sshll.u32 s0, $0xA;
	s2 =	sadd.s32 s3, s2  }
0x8d: {  	s2 =	sadd.s32 s2, s17  }
0x8e: {  	[smem:$0x3FC2] =	sst s2  }
0x8f: {  	_ = 	snop  }
0x90: {  	s2 =	sld [smem:$0x3FD0];
	(tm) =	ssettm $0x1  }
0x91: {  	s18 =	sld [smem:$0x3FFB];
	_ =	sdelay $0x3  }
0x92: {  	_ =	strace s18  }
0x93: {  	s3 =	sld [smem:$0x3FFC];
	_ =	sdelay $0x3  }
0x94: {  	_ =	strace s3  }
0x95: {  	s3 =	sld [smem:$0x3FFD];
	_ =	sdelay $0x3  }
0x96: {  	_ =	strace s3  }
0x97: {  	_ =	strace $0x8FFFFFFF  }
0x98: {  	s19 =	sld [smem:$0x3FDB];
	_ =	sdelay $0x1  }
0x99: {  	s4 =	simm.s32 $_scs_section_size  }
0x9a: {  	s5 =	simm.s32 $_size__tile_overlayer_lowered;
	s6 =	simm.s32 $_tile_overlayer_lowered  }
0x9b: {  	s22 =	simm.s32 $0x1BFF;
	s21 =	sshll.u32 s6, $0x1;
	s3 =	sadd.s32 s4, s19  }
0x9c: {  	s7 =	simm.s32 $0x0;
	s20 =	sshll.u32 s5, $0x1;
	s5 =	sadd.s32 s21, s3  }
0x9d: {  	[timem:s7], [sflag:s22] =	dma.local [hbm:s5], s20  }
0x9e: {  	_ =	swait.ge [sflag:s22], s20  }
0x9f: {  	s4 =	ssub.s32 $0x0, s20;
	[sflag:s22] =	ssyncset.done $0x0  }
0xa0: {  	[sflag:s22] =	ssyncadd.s32 s4;
	_ =	sdelay $0x1  }
0xa1: {  	s23 =	simm.s32 $0x1B8B  }
0xa2: {  	_ =	swait.ge [sflag:s23], $0x1  }
0xa3: {  	[sflag:s23] =	ssyncset.done $0x0  }
0xa4: {  	s25 =	simm.s32 $0x1B8E;
	s24 =	sld [smem:$0x3FFE];
	[sflag:s23] =	ssyncadd.s32 $0xFFFFFFFF  }
0xa5: {  	s26 =	simm.s32 $execute0_lowered;
	[smem:$0x3FD2] =	sst s25  }
0xa6: {  	s5 =	sshll.u32 s26, $0x1;
	_ =	strace $0x8000004C;
	[dreg:$0x1] =	wrdreg $0xFFFFFFFF  }
0xa7: {  	s28 =	simm.s32 $_size_execute0_lowered;
	s3 =	sadd.s32 s3, s5;
	[dreg:$0x0] =	wrdreg $0x0  }
0xa8: {  	s5 =	sshll.u32 s28, $0x1;
	[dreg:$0x2] =	wrdreg s3  }
0xa9: {  	[dreg:$0x3] =	wrdreg s5  }
0xaa: {  	[dreg:$0x4] =	wrdreg $0xC0  }
0xab: {  	_ =	task [dreg:s7], $0x5FFFF  }
0xac: {  	[dreg:$0x1] =	wrdreg $0xFFFFFFFF  }
0xad: {  	[dreg:$0x0] =	wrdreg $0x60  }
0xae: {  	[dreg:$0x2] =	wrdreg s2  }
0xaf: {  	[dreg:$0x3] =	wrdreg s24  }
0xb0: {  	[dreg:$0x4] =	wrdreg $0x0  }
0xb1: {  	[dreg:$0x5] =	wrdreg $0x9  }
0xb2: {  	_ =	task.clear_ibuf [dreg:s7], $0x6FFFF;
	_ =	strace $0x9000004C  }
0xb3: {  	s29 =	simm.s32 $0x9;
	_ =	strace $0x8000004E  }
0xb4: {  	_ =	swait.ge [sflag:s29], $0x1  }
0xb5: {  	[sflag:s29] =	ssyncadd.s32 $0xFFFFFFFF  }
0xb6: {  	_ =	strace $0x9000004E  }
0xb7: {  	_ =	sfence  }
0xb8: {  	s30 =	sld [smem:$0x0];
	_ =	sdelay $0x2  }
0xb9: {  	s31 =	sshll.u32 s1, $0xD;
	s1 =	sshrl.u32 s1, $0x2  }
0xba: {  	s3 =	sand.u32 $0x4000, s31;
	s1 =	sadd.s32 s1, s30  }
0xbb: {  	s0 =	sor.u32 s3, s0;
	s1 =	sshll.u32 s1, $0x11  }
0xbc: {  	s0 =	sor.u32 s1, s0  }
0xbd: {  	s0 =	sadd.s32 $0x8F2B, s0  }
0xbe: {  	[sflag:s0] =	ssyncadd.remote.s32 $0x1  }
0xbf: {  	_ =	sfence.sel $0xFFFF  }
0xc0: {  	[dreg:$0x0] =	wrdreg $0xFFFFFFFF;
	(pc) =	sbr.abs _section_cstart, $3  }
0xc1: {  	[dreg:$0x1] =	wrdreg $0xFFFFFFFF  }
0xc2: {  	_ =	task.clear_ibuf [dreg:s7], $0x2FFFF;
	_ =	strace $0x9FFFFFFF  }
0xc3: {  	(tm) =	ssettm $0x7FFFFFFF  }
tec
execute0_lowered:
.L_overlay_start_1:
0x0: {  	(tag) =	ssettag $0x1  }
0x1: {  	s1 =	rddreg [dreg:$0x0]  }
0x2: {  	s0 =	rddreg [dreg:$0x1]  }
0x3: {  	s3 =	rddreg [dreg:$0x2]  }
0x4: {  	s4 =	simm.s32 $0x0;
	s13 =	stileid.u32;
	s2 =	srdreg.scid  }
0x5: {  	s31 =	simm.s32 $0x1F940;
	s28 =	simm.s32 $0x7;
	s29 =	simm.s32 $0x80  }
0x6: {  	s30 =	simm.s32 $0x138C0;
	[smem:$0x7FF] =	sst s4;
	s6 =	smul.u32 $0x2780, s13  }
0x7: {  	s2 =	sand.u32 $0x1, s2;
	s5 =	sadd.s32 $0x7C00, s0;
	s8 =	smul.u32 $0x4F000, s13  }
0x8: {  	s9 =	sadd.s32 $0x56800, s0;
	s10 =	sadd.s32 $0x2C00, s0;
	s15 =	sadd.s32 $0x128400, s3  }
0x9: {  	s21 =	sadd.s32 $0x53E80, s0;
	s23 =	sadd.s32 $0x2CC80, s0;
	s24 =	smul.u32 $0x4F0, s13  }
0xa: {  	p1 =	seq.s32 s13, $0xF;
	_ =	strace $0x8000004D;
	[dreg:$0x6] =	wrdreg s15  }
0xb: {  	s7 =	ssub.s32 $0x2, s2;
	p0 =	seq.s32 s2, $0x1;
	[dreg:$0xd] =	wrdreg s21  }
0xc: {  	[dreg:$0xf] =	wrdreg s23;
	s23 =	simm.s32 $0x1F8C0;
	s15 =	simm.s32 $0x1FB40  }
0xd: {  	s2 =	simm.s32 $0x4;
	s11 =	sshrl.u32 s7, $0x1;
	s12 =	sadd.s32 s6, s0  }
0xe: {  	s8 =	sshrl.u32 s8, $0x2;
	s14 =	sadd.s32 s1, s6;
	s1 =	sadd.s32 $0x25080, s1  }
0xf: {  	s22 =	sadd.s32 s5, s6;
	s0 =	sadd.s32 $0x80880, s0;
	[dreg:$0x5] =	wrdreg s14  }
0x10: {  	s21 =	sadd.s32 s24, s9;
	s7 =	ssub.s32 s7, s11;
	[dreg:$0x8] =	wrdreg s1  }
0x11: {  	s8 =	sadd.s32 s8, s3;
	s11 =	sshrl.u32 s6, $0x3;
	[dreg:$0xe] =	wrdreg s22  }
0x12: {  	s20 =	sadd.s32 $0x2EE00, s12;
	s25 =	sadd.s32 $0x5B800, s12;
	[dreg:$0x11] =	wrdreg s0  }
0x13: {  	s22 =	sadd.s32 s24, s10;
	s0 =	simm.s32 $0x8;
	[dreg:$0x4] =	wrdreg s8  }
0x14: {  	s14 =	simm.s32 $0xA;
	s6 =	simm.s32 $0x3;
	[dreg:$0xc] =	wrdreg s20  }
0x15: {  	s16 =	sadd.s32 s9, s11;
	s19 =	sadd.s32 s10, s11;
	[dreg:$0x10] =	wrdreg s25  }
0x16: {  	s26 =	smax.u32 s7, $0x1;
	s7 =	simm.s32 $0x178C0;
	s10 =	simm.s32 $0x1  }
.Ltmp0:
0x17: {  	s8 =	simm.s32 $0xC;
	[dreg:$0x7] =	wrdreg s16;
	(pc) =	sbr.rel .LBB2_1-.Ltmp0, $4  }
0x18: {  	s9 =	simm.s32 $0x0;
	s17 =	sadd.s32 $0x10, s16;
	[dreg:$0xb] =	wrdreg s19  }
0x19: {  	s18 =	sadd.s32 $0x20, s16;
	[dreg:$0x12] =	wrdreg s26;
	s26 =	simm.s32 $0x1FA40  }
0x1a: {  	s16 =	simm.s32 $0x9;
	s19 =	simm.s32 $0xB;
	[dreg:$0x9] =	wrdreg s17  }
0x1b: {  	[dreg:$0xa] =	wrdreg s18;
	s17 =	simm.s32 $0x1B8C0;
	s18 =	simm.s32 $0x2  }
.LBB2_19:
0x1c: {  	[bflag:$0x0] =	sbarrier.arrive $0xFFFF  }
0x1d: {  	s9 =	rddreg [dreg:$0x11]  }
0x1e: {  	s1 =	simm.s32 @p1 $0x1FCD;
	s11 =	rddreg [dreg:$0x16]  }
0x1f: {  	[hbm:s9], [sflag:s1] =	dma.local @p1 [spmem:s11], $0x2080  }
0x20: {  	s1 =	simm.s32 @p1 $0xD  }
0x21: {  	_ =	swait.ge @p1 [sflag:s1], $0x2080  }
0x22: {  	s9 =	rddreg [dreg:$0x14]  }
0x23: {  	[sflag:s1] =	ssyncset.done @p1 $0x0;
	s11 =	rddreg [dreg:$0x15]  }
0x24: {  	[sflag:s1] =	ssyncadd.s32 @p1 $0xFFFFDF80;
	s1 =	rddreg [dreg:$0x10]  }
0x25: {  	[hbm:s1], [sflag:s11] =	dma.local @!p1 [spmem:s9], $0x2780  }
0x26: {  	s1 =	simm.s32 @!p1 $0xD  }
0x27: {  	_ =	swait.ge @!p1 [sflag:s1], $0x2780  }
0x28: {  	[sflag:s1] =	ssyncset.done @!p1 $0x0  }
0x29: {  	s9 =	rddreg [dreg:$0x13];
	[sflag:s1] =	ssyncadd.s32 @!p1 $0xFFFFD880  }
.LBB2_20:
0x2a: {  	s9 =	sadd.s32 $0x1, s9;
	s1 =	rddreg [dreg:$0x12]  }
0x2b: {  	p2 =	sne.s32 s9, s1  }
.Ltmp1:
0x2c: {  	_ = 	snop;
	(pc) =	sbr.rel @!p2 .LBB2_21-.Ltmp1, $1  }
0x2d: {  	_ =	sdelay $0x3  }
.LBB2_1:
0x2e: {  	[dreg:$0x13] =	wrdreg s9;
	s1 =	stileid.u32  }
.Ltmp2:
0x2f: {  	s9 =	sshll.u32 @!p1 s1, $0x6;
	s1 =	rddreg [dreg:$0x6];
	(pc) =	sbr.rel @!p0 .LBB2_2-.Ltmp2, $4  }
0x30: {  	s13 =	sshrl.u32 @p1 s1, $0x3;
	s1 =	rddreg [dreg:$0x4];
	s12 =	sor.u32 @!p1 $0x1C0D, s9  }
0x31: {  	[dreg:$0x15] =	wrdreg s12  }
0x32: {  	s11 =	sshrl.u32 @!p1 s1, $0x3;
	[dreg:$0x16] =	wrdreg s13  }
0x33: {  	[dreg:$0x14] =	wrdreg s11  }
0x34: {  	s1 =	simm.s32 @p1 $0x1FCD;
	s9 =	rddreg [dreg:$0xf]  }
0x35: {  	[spmem:s13], [sflag:s1] =	dma.local @p1 [hbm:s9], $0x2080  }
0x36: {  	s1 =	simm.s32 @p1 $0xD  }
0x37: {  	_ =	swait.ge @p1 [sflag:s1], $0x2080  }
0x38: {  	[sflag:s1] =	ssyncset.done @p1 $0x0  }
0x39: {  	[sflag:s1] =	ssyncadd.s32 @p1 $0xFFFFDF80;
	s1 =	rddreg [dreg:$0xe]  }
0x3a: {  	[spmem:s11], [sflag:s12] =	dma.local @!p1 [hbm:s1], $0x2780  }
0x3b: {  	s1 =	simm.s32 @!p1 $0xD  }
0x3c: {  	_ =	swait.ge @!p1 [sflag:s1], $0x2780  }
0x3d: {  	[sflag:s1] =	ssyncset.done @!p1 $0x0  }
0x3e: {  	[sflag:s1] =	ssyncadd.s32 @!p1 $0xFFFFD880  }
0x3f: {  	[bflag:$0x0] =	sbarrier.arrive $0xFFFF  }
0x40: {  	s9 =	simm.s32 $0x0;
	s12 =	rddreg [dreg:$0x7]  }
0x41: {  	[tilespmem:s23], [sflag:$0x7] =	stream.linear.gather [hbm4b:s12+s9], $0x80, $0x38;
	[tilespmem:$0x1FBC0] =	vst v63  }
0x42: {  	s13 =	rddreg [dreg:$0x9]  }
0x43: {  	[tilespmem:s31], [sflag:$0x8] =	stream.linear.gather [hbm4b:s13+s9], $0x80, $0x38;
	[tilespmem:$0x1FBC0] =	vst v63  }
0x44: {  	s24 =	simm.s32 $0x1F9C0;
	s20 =	rddreg [dreg:$0xa]  }
0x45: {  	[tilespmem:s24], [sflag:$0x9] =	stream.linear.gather [hbm4b:s20+s9], $0x80, $0x38;
	[tilespmem:$0x1FBC0] =	vst v63  }
0x46: {  	s25 =	rddreg [dreg:$0xb]  }
0x47: {  	[tilespmem:s26], [sflag:$0xA] =	stream.linear.gather [hbm4b:s25+s9], $0x80, $0x38;
	[tilespmem:$0x1FBC0] =	vst v63  }
.Ltmp3:
0x48: {  	_ = 	snop;
	(pc) =	sbr.rel .LBB2_12-.Ltmp3, $4  }
0x49: {  	_ =	swait.ge [sflag:s28], $0x80  }
0x4a: {  	[sflag:s28] =	ssyncset.done $0x0  }
0x4b: {  	s12 =	simm.s32 $0xFFFFFFFE;
	s13 =	simm.s32 $0x0;
	[sflag:s28] =	ssyncadd.s32 $0xFFFFFF80  }
0x4c: {  	[tilespmem:s30], [sflag:$0x1] =	stream.indirect.gather [hbm4b:s5+s29], $0x80, s23, s29, $0xb8;
	[tilespmem:$0x1FBC0] =	vst v63  }
.LBB2_17:
0x4d: {  	s1 =	sadd.s32 s9, s22  }
0x4e: {  	s11 =	sadd.s32 $0x20, s1  }
0x4f: {  	[tilespmem:s15], [sflag:$0xC] =	stream.linear.gather [hbm4b:s11+s4], $0x80, $0x38;
	[tilespmem:$0x1FBC0] =	vst v63  }
0x50: {  	_ =	swait.ge [sflag:s16], $0x80  }
0x51: {  	[sflag:s16] =	ssyncset.done $0x0  }
0x52: {  	s24 =	simm.s32 $0x1F9C0;
	[sflag:s16] =	ssyncadd.s32 $0xFFFFFF80  }
0x53: {  	[tilespmem:s17], [sflag:$0x3] =	stream.indirect.gather [hbm4b:s5+s29], $0x80, s24, s29, $0xb8;
	[tilespmem:$0x1FBC0] =	vst v63  }
0x54: {  	p2 =	seq.s32 s9, $0x4B0;
	_ =	swait.ge [sflag:s18], $0x4000  }
0x55: {  	s25 =	simm.s32 @!p2 $0x1F940;
	s11 =	sadd.s32 @!p2 s9, s21;
	[sflag:s18] =	ssyncset.done $0x0  }
0x56: {  	s20 =	sadd.s32 @!p2 $0x40, s11;
	s24 =	simm.s32 @!p2 $0x0;
	[sflag:s18] =	ssyncadd.s32 $0xFFFFC000  }
0x57: {  	[tilespmem:s25], [sflag:$0x8] =	stream.linear.gather @!p2 [hbm4b:s20+s24], $0x80, $0x38;
	[tilespmem:$0x1FBC0] =	vst v63  }
0x58: {  	_ =	swait.ge [sflag:s19], $0x80  }
0x59: {  	[sflag:s19] =	ssyncset.done $0x0  }
0x5a: {  	s25 =	simm.s32 $0x1FAC0;
	[sflag:s19] =	ssyncadd.s32 $0xFFFFFF80  }
0x5b: {  	[spmem:s3] =	stream.indirect.scatter.add.f32 [tilespmem:s7], [sflag:$0x5], $0x80, s25, s29, $0xb8;
	[tilespmem:$0x1FBC0] =	vst v63  }
0x5c: {  	_ =	swait.ge [sflag:s2], $0x4000  }
0x5d: {  	[sflag:s2] =	ssyncset.done $0x0  }
0x5e: {  	s1 =	sadd.s32 $0x30, s1;
	[sflag:s2] =	ssyncadd.s32 $0xFFFFC000  }
0x5f: {  	[tilespmem:s26], [sflag:$0xA] =	stream.linear.gather [hbm4b:s1+s4], $0x80, $0x38;
	[tilespmem:$0x1FBC0] =	vst v63  }
0x60: {  	_ =	swait.ge [sflag:s28], $0x80  }
0x61: {  	[sflag:s28] =	ssyncset.done $0x0  }
0x62: {  	[sflag:s28] =	ssyncadd.s32 $0xFFFFFF80  }
0x63: {  	[tilespmem:s30], [sflag:$0x1] =	stream.indirect.gather [hbm4b:s5+s29], $0x80, s23, s29, $0xb8;
	[tilespmem:$0x1FBC0] =	vst v63  }
0x64: {  	_ =	swait.ge [sflag:s6], $0x4000  }
0x65: {  	[sflag:s6] =	ssyncset.done $0x0  }
0x66: {  	s1 =	sadd.s32 @!p2 $0x50, s11;
	s11 =	simm.s32 @!p2 $0x1F9C0;
	[sflag:s6] =	ssyncadd.s32 $0xFFFFC000  }
0x67: {  	[tilespmem:s11], [sflag:$0x9] =	stream.linear.gather @!p2 [hbm4b:s1+s24], $0x80, $0x38;
	[tilespmem:$0x1FBC0] =	vst v63  }
0x68: {  	_ =	swait.ge [sflag:s8], $0x80  }
0x69: {  	[sflag:s8] =	ssyncset.done $0x0  }
0x6a: {  	[sflag:s8] =	ssyncadd.s32 $0xFFFFFF80  }
0x6b: {  	[spmem:s3] =	stream.indirect.scatter.add.f32 [tilespmem:s17], [sflag:$0x6], $0x80, s15, s29, $0xb8;
	[tilespmem:$0x1FBC0] =	vst v63  }
.LBB2_18:
0x6c: {  	s9 =	sadd.s32 $0x30, s9  }
0x6d: {  	p2 =	sne.s32 s9, $0x540  }
.Ltmp4:
0x6e: {  	_ = 	snop;
	(pc) =	sbr.rel @!p2 .LBB2_19-.Ltmp4, $2  }
0x6f: {  	_ =	sdelay $0x2  }
0x70: {  	s13 =	sadd.s32 $0x1, s13;
	s12 =	sadd.s32 $0x3, s12  }
.LBB2_12:
0x71: {  	p3 =	slt.u32 s13, $0x1A  }
.Ltmp5:
0x72: {  	p2 =	sgt.u32 s12, $0x4E;
	(pc) =	sbr.rel @!p3 .LBB2_13-.Ltmp5, $4  }
0x73: {  	s1 =	simm.s32 @!p2 $0x5  }
0x74: {  	_ =	swait.ge @!p2 [sflag:s1], $0x4000  }
0x75: {  	[sflag:s1] =	ssyncset.done @!p2 $0x0  }
0x76: {  	[sflag:s1] =	ssyncadd.s32 @!p2 $0xFFFFC000  }
0x77: {  	s1 =	sadd.s32 s9, s22  }
0x78: {  	s11 =	simm.s32 $0x1FAC0;
	s1 =	sadd.s32 $0x10, s1  }
0x79: {  	[tilespmem:s11], [sflag:$0xB] =	stream.linear.gather [hbm4b:s1+s4], $0x80, $0x38;
	[tilespmem:$0x1FBC0] =	vst v63  }
0x7a: {  	_ =	swait.ge [sflag:s0], $0x80  }
0x7b: {  	[sflag:s0] =	ssyncset.done $0x0  }
0x7c: {  	[sflag:s0] =	ssyncadd.s32 $0xFFFFFF80  }
0x7d: {  	[tilespmem:s7], [sflag:$0x2] =	stream.indirect.gather [hbm4b:s5+s29], $0x80, s31, s29, $0xb8;
	[tilespmem:$0x1FBC0] =	vst v63  }
.Ltmp6:
0x7e: {  	_ = 	snop;
	(pc) =	sbr.rel .LBB2_16-.Ltmp6, $4  }
0x7f: {  	_ =	swait.ge [sflag:s10], $0x4000  }
0x80: {  	s25 =	sadd.s32 s9, s21;
	[sflag:s10] =	ssyncset.done $0x0  }
0x81: {  	s1 =	sadd.s32 $0x30, s25;
	[sflag:s10] =	ssyncadd.s32 $0xFFFFC000  }
0x82: {  	[tilespmem:s23], [sflag:$0x7] =	stream.linear.gather [hbm4b:s1+s4], $0x80, $0x38;
	[tilespmem:$0x1FBC0] =	vst v63  }
.LBB2_13:
0x83: {  	p2 =	seq.s32 s9, $0x510  }
.Ltmp7:
0x84: {  	_ = 	snop;
	(pc) =	sbr.rel @p2 .LBB2_19-.Ltmp7, $1  }
0x85: {  	_ =	sdelay $0x3  }
0x86: {  	_ =	swait.ge [sflag:s10], $0x4000  }
0x87: {  	[sflag:s10] =	ssyncset.done $0x0  }
0x88: {  	[sflag:s10] =	ssyncadd.s32 $0xFFFFC000  }
.LBB2_16:
0x89: {  	_ =	swait.ge [sflag:s14], $0x80;
	s1 =	sadd.s32 $0x1, s12  }
0x8a: {  	p3 =	sgt.u32 s13, $0x19;
	[sflag:s14] =	ssyncset.done $0x0;
	p2 =	sgt.u32 s1, $0x4E  }
.Ltmp8:
0x8b: {  	[sflag:s14] =	ssyncadd.s32 $0xFFFFFF80;
	s1 =	simm.s32 @!p2 $0x6;
	(pc) =	sbr.rel @!p3 .LBB2_17-.Ltmp8, $4  }
0x8c: {  	[spmem:s3] =	stream.indirect.scatter.add.f32 [tilespmem:s30], [sflag:$0x4], $0x80, s26, s29, $0xb8;
	[tilespmem:$0x1FBC0] =	vst v63  }
0x8d: {  	_ =	swait.ge @!p2 [sflag:s1], $0x4000  }
0x8e: {  	[sflag:s1] =	ssyncset.done @!p2 $0x0  }
0x8f: {  	[sflag:s1] =	ssyncadd.s32 @!p2 $0xFFFFC000  }
.Ltmp9:
0x90: {  	(pc) =	sbr.rel .LBB2_18-.Ltmp9, $4  }
0x91: {  	_ = 	snop  }
0x92: {  	_ =	swait.ge [sflag:s2], $0x4000  }
0x93: {  	[sflag:s2] =	ssyncset.done $0x0  }
0x94: {  	[sflag:s2] =	ssyncadd.s32 $0xFFFFC000  }
.LBB2_2:
0x95: {  	s9 =	simm.s32 @p1 $0x1FCD;
	s1 =	rddreg [dreg:$0x8]  }
0x96: {  	[spmem:s13], [sflag:s9] =	dma.local @p1 [hbm:s1], $0x2080  }
0x97: {  	s9 =	simm.s32 @p1 $0xD  }
0x98: {  	_ =	swait.ge @p1 [sflag:s9], $0x2080  }
0x99: {  	[sflag:s9] =	ssyncset.done @p1 $0x0  }
0x9a: {  	s1 =	rddreg [dreg:$0x5];
	[sflag:s9] =	ssyncadd.s32 @p1 $0xFFFFDF80;
	s9 =	simm.s32 @!p1 $0xD  }
0x9b: {  	[spmem:s11], [sflag:s12] =	dma.local @!p1 [hbm:s1], $0x2780  }
0x9c: {  	_ =	swait.ge @!p1 [sflag:s9], $0x2780  }
0x9d: {  	[sflag:s9] =	ssyncset.done @!p1 $0x0  }
0x9e: {  	[sflag:s9] =	ssyncadd.s32 @!p1 $0xFFFFD880  }
0x9f: {  	[bflag:$0x0] =	sbarrier.arrive $0xFFFF  }
0xa0: {  	s9 =	simm.s32 $0x0;
	s11 =	rddreg [dreg:$0x7]  }
0xa1: {  	[tilespmem:s23], [sflag:$0x7] =	stream.linear.gather [hbm4b:s11+s9], $0x80, $0x38;
	[tilespmem:$0x1FBC0] =	vst v63  }
0xa2: {  	s12 =	rddreg [dreg:$0x9]  }
0xa3: {  	[tilespmem:s31], [sflag:$0x8] =	stream.linear.gather [hbm4b:s12+s9], $0x80, $0x38;
	[tilespmem:$0x1FBC0] =	vst v63  }
0xa4: {  	s20 =	simm.s32 $0x1F9C0;
	s13 =	rddreg [dreg:$0xa]  }
0xa5: {  	[tilespmem:s20], [sflag:$0x9] =	stream.linear.gather [hbm4b:s13+s9], $0x80, $0x38;
	[tilespmem:$0x1FBC0] =	vst v63  }
0xa6: {  	s24 =	rddreg [dreg:$0xb]  }
0xa7: {  	[tilespmem:s26], [sflag:$0xA] =	stream.linear.gather [hbm4b:s24+s9], $0x80, $0x38;
	[tilespmem:$0x1FBC0] =	vst v63  }
.Ltmp10:
0xa8: {  	_ =	swait.ge [sflag:s28], $0x80;
	(pc) =	sbr.rel .LBB2_3-.Ltmp10, $4  }
0xa9: {  	[sflag:s28] =	ssyncset.done $0x0  }
0xaa: {  	[sflag:s28] =	ssyncadd.s32 $0xFFFFFF80  }
0xab: {  	s12 =	simm.s32 $0xFFFFFFFE;
	s13 =	simm.s32 $0x0;
	s25 =	rddreg [dreg:$0x0]  }
0xac: {  	[tilespmem:s30], [sflag:$0x1] =	stream.indirect.gather [hbm4b:s25+s29], $0x80, s23, s29, $0xb8;
	[tilespmem:$0x1FBC0] =	vst v63  }
.LBB2_8:
0xad: {  	s20 =	sadd.s32 s9, s22  }
0xae: {  	s25 =	sadd.s32 $0x20, s20  }
0xaf: {  	[tilespmem:s15], [sflag:$0xC] =	stream.linear.gather [hbm4b:s25+s4], $0x80, $0x38;
	[tilespmem:$0x1FBC0] =	vst v63  }
0xb0: {  	_ =	swait.ge [sflag:s16], $0x80  }
0xb1: {  	[sflag:s16] =	ssyncset.done $0x0  }
0xb2: {  	[sflag:s16] =	ssyncadd.s32 $0xFFFFFF80  }
0xb3: {  	s1 =	simm.s32 $0x1F9C0;
	s31 =	rddreg [dreg:$0x0]  }
0xb4: {  	[tilespmem:s17], [sflag:$0x3] =	stream.indirect.gather [hbm4b:s31+s29], $0x80, s1, s29, $0xb8;
	[tilespmem:$0x1FBC0] =	vst v63  }
0xb5: {  	p2 =	seq.s32 s9, $0x4B0;
	_ =	swait.ge [sflag:s18], $0x4000  }
0xb6: {  	s11 =	simm.s32 @!p2 $0x1F940;
	s25 =	sadd.s32 @!p2 s9, s21;
	[sflag:s18] =	ssyncset.done $0x0  }
0xb7: {  	s24 =	sadd.s32 @!p2 $0x40, s25;
	s1 =	simm.s32 @!p2 $0x0;
	[sflag:s18] =	ssyncadd.s32 $0xFFFFC000  }
0xb8: {  	[tilespmem:s11], [sflag:$0x8] =	stream.linear.gather @!p2 [hbm4b:s24+s1], $0x80, $0x38;
	[tilespmem:$0x1FBC0] =	vst v63  }
0xb9: {  	_ =	swait.ge [sflag:s19], $0x80  }
0xba: {  	[sflag:s19] =	ssyncset.done $0x0  }
0xbb: {  	s24 =	simm.s32 $0x1FAC0;
	[sflag:s19] =	ssyncadd.s32 $0xFFFFFF80  }
0xbc: {  	[spmem:s3] =	stream.indirect.scatter.add.f32 [tilespmem:s7], [sflag:$0x5], $0x80, s24, s29, $0xb8;
	[tilespmem:$0x1FBC0] =	vst v63  }
0xbd: {  	_ =	swait.ge [sflag:s2], $0x4000  }
0xbe: {  	[sflag:s2] =	ssyncset.done $0x0  }
0xbf: {  	s24 =	sadd.s32 $0x30, s20;
	[sflag:s2] =	ssyncadd.s32 $0xFFFFC000  }
0xc0: {  	[tilespmem:s26], [sflag:$0xA] =	stream.linear.gather [hbm4b:s24+s4], $0x80, $0x38;
	[tilespmem:$0x1FBC0] =	vst v63  }
0xc1: {  	_ =	swait.ge [sflag:s28], $0x80  }
0xc2: {  	[sflag:s28] =	ssyncset.done $0x0  }
0xc3: {  	[sflag:s28] =	ssyncadd.s32 $0xFFFFFF80  }
0xc4: {  	[tilespmem:s30], [sflag:$0x1] =	stream.indirect.gather [hbm4b:s31+s29], $0x80, s23, s29, $0xb8;
	[tilespmem:$0x1FBC0] =	vst v63  }
0xc5: {  	_ =	swait.ge [sflag:s6], $0x4000  }
0xc6: {  	[sflag:s6] =	ssyncset.done $0x0  }
0xc7: {  	s11 =	sadd.s32 @!p2 $0x50, s25;
	s20 =	simm.s32 @!p2 $0x1F9C0;
	[sflag:s6] =	ssyncadd.s32 $0xFFFFC000  }
0xc8: {  	[tilespmem:s20], [sflag:$0x9] =	stream.linear.gather @!p2 [hbm4b:s11+s1], $0x80, $0x38;
	[tilespmem:$0x1FBC0] =	vst v63  }
0xc9: {  	_ =	swait.ge [sflag:s8], $0x80  }
0xca: {  	[sflag:s8] =	ssyncset.done $0x0  }
0xcb: {  	s31 =	simm.s32 $0x1F940;
	[sflag:s8] =	ssyncadd.s32 $0xFFFFFF80  }
0xcc: {  	[spmem:s3] =	stream.indirect.scatter.add.f32 [tilespmem:s17], [sflag:$0x6], $0x80, s15, s29, $0xb8;
	[tilespmem:$0x1FBC0] =	vst v63  }
.LBB2_9:
0xcd: {  	s9 =	sadd.s32 $0x30, s9  }
0xce: {  	p2 =	sne.s32 s9, $0x540  }
.Ltmp11:
0xcf: {  	_ = 	snop;
	(pc) =	sbr.rel @!p2 .LBB2_10-.Ltmp11, $2  }
0xd0: {  	_ =	sdelay $0x2  }
0xd1: {  	s13 =	sadd.s32 $0x1, s13;
	s12 =	sadd.s32 $0x3, s12  }
.LBB2_3:
0xd2: {  	p3 =	slt.u32 s13, $0x1A  }
.Ltmp12:
0xd3: {  	p2 =	sgt.u32 s12, $0x4E;
	(pc) =	sbr.rel @!p3 .LBB2_4-.Ltmp12, $4  }
0xd4: {  	s20 =	simm.s32 @!p2 $0x5  }
0xd5: {  	_ =	swait.ge @!p2 [sflag:s20], $0x4000  }
0xd6: {  	[sflag:s20] =	ssyncset.done @!p2 $0x0  }
0xd7: {  	[sflag:s20] =	ssyncadd.s32 @!p2 $0xFFFFC000  }
0xd8: {  	s20 =	sadd.s32 s9, s22  }
0xd9: {  	s1 =	simm.s32 $0x1FAC0;
	s20 =	sadd.s32 $0x10, s20  }
0xda: {  	[tilespmem:s1], [sflag:$0xB] =	stream.linear.gather [hbm4b:s20+s4], $0x80, $0x38;
	[tilespmem:$0x1FBC0] =	vst v63  }
0xdb: {  	_ =	swait.ge [sflag:s0], $0x80  }
0xdc: {  	[sflag:s0] =	ssyncset.done $0x0  }
0xdd: {  	[sflag:s0] =	ssyncadd.s32 $0xFFFFFF80  }
0xde: {  	s24 =	rddreg [dreg:$0x0]  }
0xdf: {  	[tilespmem:s7], [sflag:$0x2] =	stream.indirect.gather [hbm4b:s24+s29], $0x80, s31, s29, $0xb8;
	[tilespmem:$0x1FBC0] =	vst v63  }
.Ltmp13:
0xe0: {  	_ = 	snop;
	(pc) =	sbr.rel .LBB2_7-.Ltmp13, $4  }
0xe1: {  	_ =	swait.ge [sflag:s10], $0x4000  }
0xe2: {  	s25 =	sadd.s32 s9, s21;
	[sflag:s10] =	ssyncset.done $0x0  }
0xe3: {  	s20 =	sadd.s32 $0x30, s25;
	[sflag:s10] =	ssyncadd.s32 $0xFFFFC000  }
0xe4: {  	[tilespmem:s23], [sflag:$0x7] =	stream.linear.gather [hbm4b:s20+s4], $0x80, $0x38;
	[tilespmem:$0x1FBC0] =	vst v63  }
.LBB2_4:
0xe5: {  	p2 =	seq.s32 s9, $0x510  }
.Ltmp14:
0xe6: {  	_ = 	snop;
	(pc) =	sbr.rel @p2 .LBB2_10-.Ltmp14, $1  }
0xe7: {  	_ =	sdelay $0x3  }
0xe8: {  	_ =	swait.ge [sflag:s10], $0x4000  }
0xe9: {  	[sflag:s10] =	ssyncset.done $0x0  }
0xea: {  	[sflag:s10] =	ssyncadd.s32 $0xFFFFC000  }
.LBB2_7:
0xeb: {  	_ =	swait.ge [sflag:s14], $0x80;
	s20 =	sadd.s32 $0x1, s12  }
0xec: {  	p3 =	sgt.u32 s13, $0x19;
	[sflag:s14] =	ssyncset.done $0x0;
	p2 =	sgt.u32 s20, $0x4E  }
.Ltmp15:
0xed: {  	[sflag:s14] =	ssyncadd.s32 $0xFFFFFF80;
	s20 =	simm.s32 @!p2 $0x6;
	(pc) =	sbr.rel @!p3 .LBB2_8-.Ltmp15, $4  }
0xee: {  	[spmem:s3] =	stream.indirect.scatter.add.f32 [tilespmem:s30], [sflag:$0x4], $0x80, s26, s29, $0xb8;
	[tilespmem:$0x1FBC0] =	vst v63  }
0xef: {  	_ =	swait.ge @!p2 [sflag:s20], $0x4000  }
0xf0: {  	[sflag:s20] =	ssyncset.done @!p2 $0x0  }
0xf1: {  	[sflag:s20] =	ssyncadd.s32 @!p2 $0xFFFFC000  }
.Ltmp16:
0xf2: {  	(pc) =	sbr.rel .LBB2_9-.Ltmp16, $4  }
0xf3: {  	_ = 	snop  }
0xf4: {  	_ =	swait.ge [sflag:s2], $0x4000  }
0xf5: {  	[sflag:s2] =	ssyncset.done $0x0  }
0xf6: {  	[sflag:s2] =	ssyncadd.s32 $0xFFFFC000  }
.LBB2_10:
0xf7: {  	[bflag:$0x0] =	sbarrier.arrive $0xFFFF  }
0xf8: {  	s9 =	rddreg [dreg:$0xd]  }
0xf9: {  	s1 =	simm.s32 @p1 $0x1FCD;
	s11 =	rddreg [dreg:$0x16]  }
0xfa: {  	[hbm:s9], [sflag:s1] =	dma.local @p1 [spmem:s11], $0x2080  }
0xfb: {  	s1 =	simm.s32 @p1 $0xD  }
0xfc: {  	_ =	swait.ge @p1 [sflag:s1], $0x2080  }
0xfd: {  	s9 =	rddreg [dreg:$0x14]  }
0xfe: {  	[sflag:s1] =	ssyncset.done @p1 $0x0;
	s11 =	rddreg [dreg:$0x15]  }
0xff: {  	[sflag:s1] =	ssyncadd.s32 @p1 $0xFFFFDF80;
	s1 =	rddreg [dreg:$0xc]  }
0x100: {  	[hbm:s1], [sflag:s11] =	dma.local @!p1 [spmem:s9], $0x2780  }
.Ltmp17:
0x101: {  	_ = 	snop;
	(pc) =	sbr.rel .LBB2_20-.Ltmp17, $4  }
0x102: {  	s1 =	simm.s32 @!p1 $0xD  }
0x103: {  	_ =	swait.ge @!p1 [sflag:s1], $0x2780  }
0x104: {  	[sflag:s1] =	ssyncset.done @!p1 $0x0  }
0x105: {  	s9 =	rddreg [dreg:$0x13];
	[sflag:s1] =	ssyncadd.s32 @!p1 $0xFFFFD880  }
.LBB2_21:
0x106: {  	_ =	sfence.sel $0x180000  }
0x107: {  	[bflag:$0x0] =	sbarrier.arrive $0xFFFF  }
0x108: {  	_ =	strace $0x9000004D  }
0x109: {  	s0 =	stileid.u32;
	[bflag:$0x2] =	sbarrier.arrive $0xFFFF  }
0x10a: {  	p0 =	sne.s32 s0, $0x0;
	s0 =	rddreg [dreg:$0x3]  }
0x10b: {  	s0 =	sadd.s32 @!p0 $0x100000, s0  }
0x10c: {  	[sflag:s0] =	ssyncadd.tile.s32 @!p0 $0x1;
	_ =	shalt  }
.Lfunc_end2:
_tile_overlayer_lowered:
.L_overlay_start_2:
0x10d: {  	(tag) =	ssettag $0x2  }
0x10e: {  	s0 =	rddreg [dreg:$0x0];
	s2 =	stileid.u32  }
0x10f: {  	s1 =	rddreg [dreg:$0x1];
	p0 =	sne.s32 s2, $0x0  }
0x110: {  	s3 =	rddreg [dreg:$0x2];
	[bflag:$0x3] =	sbarrier.arrive $0xFFFF;
	s2 =	simm.s32 @!p0 $0x1C0D  }
0x111: {  	[timem:s3], [sflag:s2] =	dma.local @!p0 [hbm:s0], s1  }
0x112: {  	s0 =	simm.s32 @!p0 $0xD  }
0x113: {  	_ =	swait.ge @!p0 [sflag:s0], s1  }
0x114: {  	s1 =	ssub.s32 @!p0 $0x0, s1;
	[sflag:s0] =	ssyncset.done @!p0 $0x0  }
0x115: {  	[sflag:s0] =	ssyncadd.s32 @!p0 s1  }
0x116: {  	[bflag:$0x3] =	sbarrier.arrive $0xFFFF  }
0x117: {  	_ =	shalt  }

// kernel: kernel.8.cloned.1.call-start
scs
__scs_entry_jumppad:
0x0: {  	(pc) =	sbr.rel $0x88, $3  }
0x1: {  	(tag) =	ssettag $0x0;
	lr =	simm.s32 $0x1  }
0x2: {  	[smem:$0x3F9B] =	sst lr;
	_ =	strace $0xD0000000  }
0x3: {  	_ = 	snop  }
0x4: {  	_ = 	snop  }
0x5: {  	_ = 	snop  }
0x6: {  	_ = 	snop  }
0x7: {  	_ = 	snop  }
__scs_overlays_trampoline_lowered:
0x8: {  	[smem:$0x3FAA] =	sst s0  }
0x9: {  	[smem:$0x3FAB] =	sst s1  }
0xa: {  	[smem:$0x3FAC] =	sst s2  }
0xb: {  	[smem:$0x3FAD] =	sst s3  }
0xc: {  	[smem:$0x3FAE] =	sst s4  }
0xd: {  	[smem:$0x3FAF] =	sst s5  }
0xe: {  	[smem:$0x3FB0] =	sst s6  }
0xf: {  	[smem:$0x3FB1] =	sst s7  }
0x10: {  	[smem:$0x3FB2] =	sst s8  }
0x11: {  	[smem:$0x3FB3] =	sst s9;
	s0 =	simm.s32 @!p0 $0x0  }
0x12: {  	s1 =	sld [smem:$0x3F99];
	s0 =	simm.s32 @p0 $0x1  }
0x13: {  	[smem:$0x3FB4] =	sst s0;
	s0 =	simm.s32 @!p1 $0x0  }
0x14: {  	s2 =	sld [smem:$0x3F98];
	s0 =	simm.s32 @p1 $0x1  }
0x15: {  	[smem:$0x3FB5] =	sst s0;
	s0 =	simm.s32 @!p2 $0x0  }
0x16: {  	s3 =	sld [smem:$0x3FDB];
	s0 =	simm.s32 @p2 $0x1  }
0x17: {  	s4 =	simm.s32 $0x1BF5;
	[smem:$0x3FB7] =	sst s0  }
0x18: {  	s0 =	sld [smem:$0x3F9A];
	_ =	swait.ge [sflag:s4], $0x0  }
0x19: {  	s7 =	sld [smem:$0x3F9B]  }
0x1a: {  	s8 =	sadd.s32 $0xFFFFE003, lr  }
0x1b: {  	s9 =	sadd.s32 $0xFFFFFEF7, lr;
	s5 =	simm.s32 $0xFFFFFFFF;
	p2 =	slt.u32 s8, $0xFFFFF086  }
0x1c: {  	p1 =	slt.u32 s9, $0xF7A;
	s5 =	simm.s32 @!p2 $0x0  }
0x1d: {  	s5 =	simm.s32 @p1 $0x1;
	p0 =	seq.s32 s7, s2  }
0x1e: {  	s7 =	smul.u32 @!p0 $0xF7A, s2;
	p2 =	seq.s32 @!p0 s5, $0x0  }
0x1f: {  	s9 =	smul.u32 $0xF7A, s1;
	s8 =	simm.s32 @!p0 $0x1BF5;
	p2 =	por !p2, p0  }
0x20: {  	[sflag:s8] =	ssyncset.s32 @!p0 $0xFFFFF086;
	s6 =	sadd.s32 @!p0 s3, s7;
	s7 =	simm.s32 @!p0 $0x108  }
0x21: {  	s3 =	sadd.s32 s3, s9;
	s6 =	sadd.s32 @!p0 $0x88, s6;
	s7 =	simm.s32 @p2 $0x1082  }
0x22: {  	[simem:s7], [sflag:s8] =	dma.local @!p0 [hbm:s6], $0xF7A  }
0x23: {  	s9 =	sor.u32 $0xD0000000, s2;
	s6 =	simm.s32 $0x108;
	_ =	swait.ge @!p0 [sflag:s8], $0x0  }
0x24: {  	s3 =	sadd.s32 $0x88, s3;
	s6 =	simm.s32 @!p1 $0x1082;
	[sflag:s4] =	ssyncset.s32 $0xFFFFF086  }
0x25: {  	[simem:s6], [sflag:s4] =	dma.local [hbm:s3], $0xF7A  }
0x26: {  	[smem:$0x3F9B] =	sst s1;
	(tag) =	ssettag s2;
	_ =	strace s9  }
0x27: {  	s1 =	sld [smem:$0x3FAB]  }
0x28: {  	s2 =	sld [smem:$0x3FAC]  }
0x29: {  	s4 =	sld [smem:$0x3FAE]  }
0x2a: {  	p0 =	seq.s32 s5, $0x0;
	s5 =	sld [smem:$0x3FAF]  }
0x2b: {  	s6 =	sld [smem:$0x3FB0]  }
0x2c: {  	s7 =	sld [smem:$0x3FB1]  }
0x2d: {  	s3 =	simm.s32 $0x108;
	s8 =	sld [smem:$0x3FB2]  }
0x2e: {  	s3 =	simm.s32 @!p0 $0x1082;
	s9 =	sld [smem:$0x3FB3]  }
0x2f: {  	lr =	sadd.s32 s0, s3;
	s0 =	sld [smem:$0x3FAA]  }
0x30: {  	s3 =	sld [smem:$0x3FAD]  }
0x31: {  	[smem:$0x3FB6] =	sst s10  }
0x32: {  	s10 =	sld [smem:$0x3FB4];
	_ =	sdelay $0x3  }
0x33: {  	p0 =	seq.s32 s10, $0x1;
	s10 =	sld [smem:$0x3FB6];
	_ =	sdelay $0x3  }
0x34: {  	[smem:$0x3FB6] =	sst s10  }
0x35: {  	s10 =	sld [smem:$0x3FB5];
	_ =	sdelay $0x3  }
0x36: {  	p1 =	seq.s32 s10, $0x1;
	s10 =	sld [smem:$0x3FB6];
	_ =	sdelay $0x3  }
0x37: {  	[smem:$0x3FB6] =	sst s10  }
0x38: {  	s10 =	sld [smem:$0x3FB7]  }
0x39: {  	_ = 	snop;
	(pc) =	sbr.ind lr, $3  }
0x3a: {  	_ = 	snop  }
0x3b: {  	_ = 	snop  }
0x3c: {  	p2 =	seq.s32 s10, $0x1;
	s10 =	sld [smem:$0x3FB6]  }
0x3d: {  	_ =	shalt  }
0x3e: {  	_ =	shalt  }
0x3f: {  	_ =	shalt  }
0x40: {  	_ =	shalt  }
0x41: {  	_ =	shalt  }
0x42: {  	_ =	shalt  }
0x43: {  	_ =	shalt  }
0x44: {  	_ =	shalt  }
0x45: {  	_ =	shalt  }
0x46: {  	_ =	shalt  }
0x47: {  	_ =	shalt  }
0x48: {  	_ =	shalt  }
0x49: {  	_ =	shalt  }
0x4a: {  	_ =	shalt  }
0x4b: {  	_ =	shalt  }
0x4c: {  	_ =	shalt  }
0x4d: {  	_ =	shalt  }
0x4e: {  	_ =	shalt  }
0x4f: {  	_ =	shalt  }
0x50: {  	_ =	shalt  }
0x51: {  	_ =	shalt  }
0x52: {  	_ =	shalt  }
0x53: {  	_ =	shalt  }
0x54: {  	_ =	shalt  }
0x55: {  	_ =	shalt  }
0x56: {  	_ =	shalt  }
0x57: {  	_ =	shalt  }
0x58: {  	_ =	shalt  }
0x59: {  	_ =	shalt  }
0x5a: {  	_ =	shalt  }
0x5b: {  	_ =	shalt  }
0x5c: {  	_ =	shalt  }
0x5d: {  	_ =	shalt  }
0x5e: {  	_ =	shalt  }
0x5f: {  	_ =	shalt  }
0x60: {  	_ =	shalt  }
0x61: {  	_ =	shalt  }
0x62: {  	_ =	shalt  }
0x63: {  	_ =	shalt  }
0x64: {  	_ =	shalt  }
0x65: {  	_ =	shalt  }
0x66: {  	_ =	shalt  }
0x67: {  	_ =	shalt  }
0x68: {  	_ =	shalt  }
0x69: {  	_ =	shalt  }
0x6a: {  	_ =	shalt  }
0x6b: {  	_ =	shalt  }
0x6c: {  	_ =	shalt  }
0x6d: {  	_ =	shalt  }
0x6e: {  	_ =	shalt  }
0x6f: {  	_ =	shalt  }
0x70: {  	_ =	shalt  }
0x71: {  	_ =	shalt  }
0x72: {  	_ =	shalt  }
0x73: {  	_ =	shalt  }
0x74: {  	_ =	shalt  }
0x75: {  	_ =	shalt  }
0x76: {  	_ =	shalt  }
0x77: {  	_ =	shalt  }
0x78: {  	_ =	shalt  }
0x79: {  	_ =	shalt  }
0x7a: {  	_ =	shalt  }
0x7b: {  	_ =	shalt  }
0x7c: {  	_ =	shalt  }
0x7d: {  	_ =	shalt  }
0x7e: {  	_ =	shalt  }
0x7f: {  	_ =	shalt  }
0x80: {  	_ =	shalt  }
0x81: {  	_ =	shalt  }
0x82: {  	_ =	shalt  }
0x83: {  	_ =	shalt  }
0x84: {  	_ =	shalt  }
0x85: {  	_ =	shalt  }
0x86: {  	_ =	shalt  }
0x87: {  	_ =	shalt  }
.Lfunc_end0:
.L_simem_size_0:
called_computation_lowered:
.L_overlay_start_0:
0x88: {  	s2 =	sld [smem:$0x3FD9]  }
0x89: {  	s3 =	sld [smem:$0x3FFE];
	_ =	sdelay $0x1  }
0x8a: {  	s1 =	srdreg.scid  }
0x8b: {  	s0 =	sand.u32 $0x1, s1  }
0x8c: {  	s17 =	sshll.u32 s0, $0xA;
	s2 =	sadd.s32 s3, s2  }
0x8d: {  	s2 =	sadd.s32 s2, s17  }
0x8e: {  	[smem:$0x3FC2] =	sst s2  }
0x8f: {  	_ = 	snop  }
0x90: {  	s2 =	sld [smem:$0x3FD0];
	(tm) =	ssettm $0x1  }
0x91: {  	s18 =	sld [smem:$0x3FFB];
	_ =	sdelay $0x3  }
0x92: {  	_ =	strace s18  }
0x93: {  	s3 =	sld [smem:$0x3FFC];
	_ =	sdelay $0x3  }
0x94: {  	_ =	strace s3  }
0x95: {  	s3 =	sld [smem:$0x3FFD];
	_ =	sdelay $0x3  }
0x96: {  	_ =	strace s3  }
0x97: {  	_ =	strace $0x8FFFFFFF  }
0x98: {  	s19 =	sld [smem:$0x3FDB];
	_ =	sdelay $0x1  }
0x99: {  	s4 =	simm.s32 $_scs_section_size  }
0x9a: {  	s5 =	simm.s32 $_size__tile_overlayer_lowered;
	s6 =	simm.s32 $_tile_overlayer_lowered  }
0x9b: {  	s22 =	simm.s32 $0x1BFF;
	s21 =	sshll.u32 s6, $0x1;
	s3 =	sadd.s32 s4, s19  }
0x9c: {  	s7 =	simm.s32 $0x0;
	s20 =	sshll.u32 s5, $0x1;
	s5 =	sadd.s32 s21, s3  }
0x9d: {  	[timem:s7], [sflag:s22] =	dma.local [hbm:s5], s20  }
0x9e: {  	_ =	swait.ge [sflag:s22], s20  }
0x9f: {  	s4 =	ssub.s32 $0x0, s20;
	[sflag:s22] =	ssyncset.done $0x0  }
0xa0: {  	[sflag:s22] =	ssyncadd.s32 s4;
	_ =	sdelay $0x1  }
0xa1: {  	s23 =	simm.s32 $0x1B8B  }
0xa2: {  	_ =	swait.ge [sflag:s23], $0x1  }
0xa3: {  	[sflag:s23] =	ssyncset.done $0x0  }
0xa4: {  	s25 =	simm.s32 $0x1B8E;
	s24 =	sld [smem:$0x3FFE];
	[sflag:s23] =	ssyncadd.s32 $0xFFFFFFFF  }
0xa5: {  	s26 =	simm.s32 $execute0_lowered;
	[smem:$0x3FD2] =	sst s25  }
0xa6: {  	s5 =	sshll.u32 s26, $0x1;
	_ =	strace $0x80000046;
	[dreg:$0x1] =	wrdreg $0xFFFFFFFF  }
0xa7: {  	s28 =	simm.s32 $_size_execute0_lowered;
	s3 =	sadd.s32 s3, s5;
	[dreg:$0x0] =	wrdreg $0x0  }
0xa8: {  	s5 =	sshll.u32 s28, $0x1;
	[dreg:$0x2] =	wrdreg s3  }
0xa9: {  	[dreg:$0x3] =	wrdreg s5  }
0xaa: {  	[dreg:$0x4] =	wrdreg $0xC0  }
0xab: {  	_ =	task [dreg:s7], $0x5FFFF  }
0xac: {  	[dreg:$0x1] =	wrdreg $0xFFFFFFFF  }
0xad: {  	[dreg:$0x0] =	wrdreg $0x60  }
0xae: {  	[dreg:$0x2] =	wrdreg s24  }
0xaf: {  	[dreg:$0x3] =	wrdreg s2  }
0xb0: {  	[dreg:$0x4] =	wrdreg $0x0  }
0xb1: {  	[dreg:$0x5] =	wrdreg $0x9  }
0xb2: {  	_ =	task.clear_ibuf [dreg:s7], $0x6FFFF;
	_ =	strace $0x90000046  }
0xb3: {  	s29 =	simm.s32 $0x9;
	_ =	strace $0x80000048  }
0xb4: {  	_ =	swait.ge [sflag:s29], $0x1  }
0xb5: {  	[sflag:s29] =	ssyncadd.s32 $0xFFFFFFFF  }
0xb6: {  	_ =	strace $0x90000048  }
0xb7: {  	_ =	sfence  }
0xb8: {  	s30 =	sld [smem:$0x0];
	_ =	sdelay $0x2  }
0xb9: {  	s31 =	sshll.u32 s1, $0xD;
	s1 =	sshrl.u32 s1, $0x2  }
0xba: {  	s3 =	sand.u32 $0x4000, s31;
	s1 =	sadd.s32 s1, s30  }
0xbb: {  	s0 =	sor.u32 s3, s0;
	s1 =	sshll.u32 s1, $0x11  }
0xbc: {  	s0 =	sor.u32 s1, s0  }
0xbd: {  	s0 =	sadd.s32 $0x8F2B, s0  }
0xbe: {  	[sflag:s0] =	ssyncadd.remote.s32 $0x1  }
0xbf: {  	_ =	sfence.sel $0xFFFF  }
0xc0: {  	[dreg:$0x0] =	wrdreg $0xFFFFFFFF;
	(pc) =	sbr.abs _section_cstart, $3  }
0xc1: {  	[dreg:$0x1] =	wrdreg $0xFFFFFFFF  }
0xc2: {  	_ =	task.clear_ibuf [dreg:s7], $0x2FFFF;
	_ =	strace $0x9FFFFFFF  }
0xc3: {  	(tm) =	ssettm $0x7FFFFFFF  }
tec
execute0_lowered:
.L_overlay_start_1:
0x0: {  	(tag) =	ssettag $0x1  }
0x1: {  	s0 =	rddreg [dreg:$0x0]  }
0x2: {  	s3 =	rddreg [dreg:$0x1]  }
0x3: {  	s2 =	rddreg [dreg:$0x2];
	s1 =	simm.s32 $0x0;
	s5 =	srdreg.scid  }
0x4: {  	s11 =	simm.s32 $0x2A;
	[smem:$0x7FF] =	sst s1;
	s1 =	stileid.u32  }
0x5: {  	s6 =	sadd.s32 $0x2C00, s0;
	s12 =	sand.u32 $0x1, s5;
	s4 =	smul.u32 $0x2780, s1  }
0x6: {  	s7 =	sadd.s32 $0x7C00, s0;
	_ =	strace $0x80000047;
	s15 =	smul.u32 $0x270, s12  }
0x7: {  	s26 =	ssub.s32 $0x2, s12;
	s9 =	sshll.u32 s12, $0x4;
	s17 =	smul.u32 $0x27, s1  }
0x8: {  	p1 =	seq.s32 s1, $0xF;
	s8 =	sshrl.u32 s26, $0x1;
	s28 =	sor.u32 s1, s9  }
0x9: {  	s14 =	sadd.s32 s4, s0;
	s16 =	ssub.s32 s26, s8;
	s4 =	sadd.s32 s3, s4  }
0xa: {  	s29 =	smul.u32 $0x27, s28;
	p0 =	slt.u32 s28, $0x2;
	s13 =	smin.u32 s28, $0x2  }
0xb: {  	s8 =	simm.s32 $0x28;
	s3 =	sadd.s32 $0x25080, s3;
	s31 =	sadd.s32 s17, s15  }
0xc: {  	s15 =	sadd.s32 $0x54680, s0;
	[dreg:$0x6] =	wrdreg s3;
	s3 =	sadd.s32 s13, s31  }
0xd: {  	[dreg:$0x5] =	wrdreg s4;
	s8 =	simm.s32 @!p0 $0x27;
	s3 =	sshll.u32 s3, $0x4  }
0xe: {  	s11 =	simm.s32 @!p0 $0x29;
	p0 =	seq.s32 s12, $0x1;
	s3 =	sadd.s32 s3, s6  }
0xf: {  	s4 =	sadd.s32 s13, s29;
	s13 =	sadd.s32 $0x2D480, s0;
	s0 =	sadd.s32 $0x30, s3  }
0x10: {  	s18 =	sadd.s32 $0x20, s3;
	s19 =	sadd.s32 $0x10, s3;
	s3 =	simm.s32 @!p1 $0x0  }
0x11: {  	s3 =	simm.s32 @p1 $0x1;
	p1 =	seq.s32 @p0 s1, $0xF  }
0x12: {  	p2 =	por !p1, !p0  }
0x13: {  	[smem:$0x7F9] =	sst s3;
	s3 =	simm.s32 @!p2 $0x0  }
0x14: {  	s21 =	simm.s32 $0x7;
	p1 =	por p1, !p0;
	s3 =	simm.s32 @p2 $0x1  }
0x15: {  	s23 =	simm.s32 $0x0;
	[smem:$0x7FA] =	sst s3;
	s3 =	simm.s32 @!p1 $0x0  }
0x16: {  	s25 =	smul.u32 $0x4F000, s1;
	s3 =	simm.s32 @p1 $0x1;
	p1 =	seq.s32 @!p0 s1, $0xF  }
0x17: {  	[dreg:$0x4] =	wrdreg s7;
	s7 =	sadd.s32 $0x128400, s2;
	p2 =	por !p1, p0  }
0x18: {  	s5 =	sshrl.u32 s25, $0x2;
	[smem:$0x7FB] =	sst s3;
	s3 =	simm.s32 @!p2 $0x0  }
0x19: {  	s5 =	sadd.s32 s5, s2;
	p0 =	por p1, p0;
	s3 =	simm.s32 @p2 $0x1  }
0x1a: {  	s12 =	sadd.s32 $0x8400, s14;
	[smem:$0x7FC] =	sst s3;
	s3 =	simm.s32 @!p0 $0x0  }
0x1b: {  	s14 =	sadd.s32 $0x2F600, s14;
	s30 =	sshll.u32 s4, $0x4;
	s3 =	simm.s32 @p0 $0x1  }
0x1c: {  	s16 =	smax.u32 s16, $0x1;
	s10 =	sadd.s32 s6, s30;
	[smem:$0x7FD] =	sst s3  }
.LBB2_1:
0x1d: {  	s3 =	sld [smem:$0x7F9];
	_ =	sdelay $0x2  }
0x1e: {  	p0 =	seq.s32 s3, $0x1  }
0x1f: {  	s6 =	rddreg [dreg:$0x6];
	s3 =	sshrl.u32 @p0 s7, $0x3;
	s4 =	simm.s32 @p0 $0x1FC7  }
0x20: {  	[spmem:s3], [sflag:s4] =	dma.local @p0 [hbm:s6], $0x2080  }
0x21: {  	s3 =	simm.s32 @p0 $0x7  }
0x22: {  	_ =	swait.ge @p0 [sflag:s3], $0x2080  }
0x23: {  	s4 =	sshll.u32 @!p0 s1, $0x6;
	[sflag:s3] =	ssyncset.done @p0 $0x0;
	s6 =	rddreg [dreg:$0x5]  }
0x24: {  	[sflag:s3] =	ssyncadd.s32 @p0 $0xFFFFDF80;
	s3 =	sor.u32 @!p0 $0x1C07, s4;
	s4 =	sshrl.u32 @!p0 s5, $0x3  }
0x25: {  	[spmem:s4], [sflag:s3] =	dma.local @!p0 [hbm:s6], $0x2780  }
0x26: {  	s3 =	simm.s32 @!p0 $0x7  }
0x27: {  	_ =	swait.ge @!p0 [sflag:s3], $0x2780  }
0x28: {  	s24 =	simm.s32 $0x0;
	[sflag:s3] =	ssyncset.done @!p0 $0x0  }
0x29: {  	s26 =	simm.s32 $0x13A40;
	s25 =	rddreg [dreg:$0x4];
	[sflag:s3] =	ssyncadd.s32 @!p0 $0xFFFFD880  }
0x2a: {  	[tilespmem:s26], [sflag:$0x7] =	stream.linear.gather [hbm4b:s25+s24], $0x4000, $0x38;
	[tilespmem:$0x17A40] =	vst v63  }
0x2b: {  	s31 =	simm.s32 $0x138C0;
	p2 =	por $0x1, $0x1;
	_ =	swait.ge [sflag:s21], $0x4000  }
0x2c: {  	p1 =	sle.u32 s8, $0x1;
	p0 =	sle.u32 @!p2 s11, $0x0;
	[sflag:s21] =	ssyncset.done $0x0  }
0x2d: {  	p5 =	sle.u32 s8, $0x2;
	p3 =	por p0, p2;
	[sflag:s21] =	ssyncadd.s32 $0xFFFFC000  }
0x2e: {  	s29 =	simm.s32 $0x9;
	s3 =	simm.s32 @!p3 $0x5;
	[bflag:$0x0] =	sbarrier.arrive $0xFFFF  }
0x2f: {  	[tilespmem:s31], [sflag:$0x1] =	stream.linear.gather [hbm4b:s10+s24], $0x80, $0x38;
	[tilespmem:$0x17A40] =	vst v63  }
0x30: {  	s28 =	sadd.s32 $0x30, s19;
	p6 =	por $0x0, $0x0;
	_ =	swait.ge @!p3 [sflag:s3], $0x4000  }
0x31: {  	s6 =	simm.s32 @!p1 $0x13940;
	p0 =	sle.u32 s8, $0x0;
	[sflag:s3] =	ssyncset.done @!p3 $0x0  }
0x32: {  	s4 =	simm.s32 @!p0 $0x1;
	[sflag:s3] =	ssyncadd.s32 @!p3 $0xFFFFC000;
	s3 =	simm.s32 @!p1 $0x0  }
0x33: {  	[tilespmem:s6], [sflag:$0x2] =	stream.linear.gather @!p1 [hbm4b:s19+s3], $0x80, $0x38;
	[tilespmem:$0x17A40] =	vst v63  }
0x34: {  	s17 =	simm.s32 @!p0 $0x80;
	p3 =	sle.u32 @!p2 s11, $0x1;
	_ =	swait.ge @!p0 [sflag:s4], $0x80  }
0x35: {  	s3 =	simm.s32 @!p0 $0x13A40;
	p2 =	por p3, p2;
	[sflag:s4] =	ssyncset.done @!p0 $0x0  }
0x36: {  	s20 =	simm.s32 @!p2 $0x6;
	[sflag:s4] =	ssyncadd.s32 @!p0 $0xFFFFFF80;
	s4 =	simm.s32 @!p0 $0x138C0  }
0x37: {  	[spmem:s2] =	stream.indirect.scatter.add.f32 @!p0 [tilespmem:s3], [sflag:$0x4], $0x80, s4, s17, $0xb8;
	[tilespmem:$0x17A40] =	vst v63  }
0x38: {  	s30 =	simm.s32 @!p5 $0x139C0;
	s26 =	sadd.s32 $0x30, s18;
	_ =	swait.ge @!p2 [sflag:s20], $0x4000  }
0x39: {  	s25 =	smov.u32 s0;
	s24 =	simm.s32 $0x6;
	[sflag:s20] =	ssyncset.done @!p2 $0x0  }
0x3a: {  	s3 =	simm.s32 @!p5 $0x0;
	s4 =	simm.s32 @!p1 $0x2;
	[sflag:s20] =	ssyncadd.s32 @!p2 $0xFFFFC000  }
0x3b: {  	[tilespmem:s30], [sflag:$0x3] =	stream.linear.gather @!p5 [hbm4b:s18+s3], $0x80, $0x38;
	[tilespmem:$0x17A40] =	vst v63  }
0x3c: {  	p3 =	sle.u32 s8, $0x3;
	s17 =	simm.s32 @!p1 $0x13A40;
	_ =	swait.ge @!p1 [sflag:s4], $0x80  }
0x3d: {  	p0 =	sle.u32 @!p6 s11, $0x3;
	p2 =	sle.u32 s11, $0x2;
	[sflag:s4] =	ssyncset.done @!p1 $0x0  }
0x3e: {  	s20 =	simm.s32 $0x3;
	s3 =	simm.s32 @!p1 $0x80;
	[sflag:s4] =	ssyncadd.s32 @!p1 $0xFFFFFF80  }
0x3f: {  	[spmem:s2] =	stream.indirect.scatter.add.f32 @!p1 [tilespmem:s17], [sflag:$0x5], $0x80, s6, s3, $0xb8;
	[tilespmem:$0x17A40] =	vst v63  }
0x40: {  	s22 =	simm.s32 @!p2 $0x4;
	s4 =	simm.s32 @!p3 $0x138C0;
	s6 =	simm.s32 @!p3 $0x0  }
0x41: {  	s3 =	simm.s32 @!p5 $0x3;
	s17 =	smov.u32 s0;
	_ =	swait.ge @!p2 [sflag:s22], $0x4000  }
.LBB2_2:
0x42: {  	[sflag:s22] =	ssyncset.done @!p2 $0x0;
	s25 =	sadd.s32 $0x30, s25  }
0x43: {  	s31 =	smov.u32 s24;
	s24 =	smov.u32 s29;
	s29 =	sadd.s32 $0x3, s29  }
0x44: {  	p4 =	por p0, p6;
	[sflag:s22] =	ssyncadd.s32 @!p2 $0xFFFFC000;
	s22 =	simm.s32 @!p5 $0x13A40  }
0x45: {  	[tilespmem:s4], [sflag:$0x1] =	stream.linear.gather @!p3 [hbm4b:s17+s6], $0x80, $0x38;
	[tilespmem:$0x17A40] =	vst v63  }
0x46: {  	s4 =	sadd.s32 $0xFFFFFFFE, s31;
	s6 =	simm.s32 @!p5 $0x80;
	_ =	swait.ge @!p5 [sflag:s3], $0x80  }
0x47: {  	s9 =	simm.s32 @!p4 $0x5;
	p0 =	sge.u32 @!p6 s4, s11;
	[sflag:s3] =	ssyncset.done @!p5 $0x0  }
0x48: {  	p2 =	sge.u32 s20, s8;
	p3 =	sge.u32 s4, s8;
	[sflag:s3] =	ssyncadd.s32 @!p5 $0xFFFFFF80  }
0x49: {  	[spmem:s2] =	stream.indirect.scatter.add.f32 @!p5 [tilespmem:s22], [sflag:$0x6], $0x80, s30, s6, $0xb8;
	[tilespmem:$0x17A40] =	vst v63  }
0x4a: {  	p1 =	sne.s32 s29, $0x30;
	s3 =	simm.s32 @!p2 $0x1;
	_ =	swait.ge @!p4 [sflag:s9], $0x4000  }
0x4b: {  	s17 =	smov.u32 s25;
	[sflag:s9] =	ssyncset.done @!p4 $0x0  }
0x4c: {  	s4 =	simm.s32 @!p3 $0x0;
	s6 =	simm.s32 @!p3 $0x13940;
	[sflag:s9] =	ssyncadd.s32 @!p4 $0xFFFFC000  }
0x4d: {  	[tilespmem:s6], [sflag:$0x2] =	stream.linear.gather @!p3 [hbm4b:s28+s4], $0x80, $0x38;
	[tilespmem:$0x17A40] =	vst v63  }
0x4e: {  	p0 =	por p0, p6;
	s4 =	simm.s32 @!p2 $0x13A40;
	_ =	swait.ge @!p2 [sflag:s3], $0x80  }
0x4f: {  	s20 =	simm.s32 @!p0 $0x6;
	s9 =	simm.s32 @!p2 $0x80;
	[sflag:s3] =	ssyncset.done @!p2 $0x0  }
0x50: {  	s22 =	sadd.s32 $0xFFFFFFFF, s31;
	[sflag:s3] =	ssyncadd.s32 @!p2 $0xFFFFFF80;
	s3 =	simm.s32 @!p2 $0x138C0  }
0x51: {  	[spmem:s2] =	stream.indirect.scatter.add.f32 @!p2 [tilespmem:s4], [sflag:$0x4], $0x80, s3, s9, $0xb8;
	[tilespmem:$0x17A40] =	vst v63  }
0x52: {  	p5 =	sge.u32 s22, s8;
	_ =	swait.ge @!p0 [sflag:s20], $0x4000  }
0x53: {  	s3 =	simm.s32 @!p5 $0x0;
	s4 =	simm.s32 @!p3 $0x2;
	[sflag:s20] =	ssyncset.done @!p0 $0x0  }
0x54: {  	s30 =	simm.s32 @!p5 $0x139C0;
	[sflag:s20] =	ssyncadd.s32 @!p0 $0xFFFFC000  }
0x55: {  	[tilespmem:s30], [sflag:$0x3] =	stream.linear.gather @!p5 [hbm4b:s26+s3], $0x80, $0x38;
	[tilespmem:$0x17A40] =	vst v63  }
0x56: {  	s28 =	sadd.s32 $0x30, s28;
	p2 =	sge.u32 s22, s11;
	_ =	swait.ge @!p3 [sflag:s4], $0x80  }
0x57: {  	s9 =	simm.s32 @!p3 $0x13A40;
	s3 =	simm.s32 @!p3 $0x80;
	[sflag:s4] =	ssyncset.done @!p3 $0x0  }
.Ltmp0:
0x58: {  	s22 =	simm.s32 @!p2 $0x4;
	[sflag:s4] =	ssyncadd.s32 @!p3 $0xFFFFFF80;
	(pc) =	sbr.rel @p1 .LBB2_2-.Ltmp0, $4  }
0x59: {  	[spmem:s2] =	stream.indirect.scatter.add.f32 @!p3 [tilespmem:s9], [sflag:$0x5], $0x80, s6, s3, $0xb8;
	[tilespmem:$0x17A40] =	vst v63  }
0x5a: {  	s26 =	sadd.s32 $0x30, s26;
	p3 =	sge.u32 s31, s8;
	_ =	swait.ge @!p2 [sflag:s22], $0x4000  }
0x5b: {  	p6 =	seq.s32 s24, $0x3;
	s20 =	sadd.s32 $0xFFFFFFFD, s24;
	s4 =	simm.s32 @!p3 $0x138C0  }
0x5c: {  	p0 =	sge.u32 @!p6 s20, s11;
	s3 =	simm.s32 @!p5 $0x3;
	s6 =	simm.s32 @!p3 $0x0  }
0x5d: {  	[sflag:s22] =	ssyncset.done @!p2 $0x0  }
0x5e: {  	[sflag:s22] =	ssyncadd.s32 @!p2 $0xFFFFC000  }
0x5f: {  	[tilespmem:s4], [sflag:$0x1] =	stream.linear.gather @!p3 [hbm4b:s17+s6], $0x80, $0x38;
	[tilespmem:$0x17A40] =	vst v63  }
0x60: {  	_ =	swait.ge @!p5 [sflag:s3], $0x80  }
0x61: {  	p2 =	por p0, p6;
	s4 =	simm.s32 @!p5 $0x13A40;
	[sflag:s3] =	ssyncset.done @!p5 $0x0  }
0x62: {  	s6 =	simm.s32 @!p5 $0x80;
	s9 =	simm.s32 @!p2 $0x5;
	[sflag:s3] =	ssyncadd.s32 @!p5 $0xFFFFFF80  }
0x63: {  	[spmem:s2] =	stream.indirect.scatter.add.f32 @!p5 [tilespmem:s4], [sflag:$0x6], $0x80, s30, s6, $0xb8;
	[tilespmem:$0x17A40] =	vst v63  }
0x64: {  	p0 =	sge.u32 s20, s8;
	s3 =	sadd.s32 $0xFFFFFFFE, s24;
	_ =	swait.ge @!p2 [sflag:s9], $0x4000  }
0x65: {  	p1 =	sge.u32 s3, s8;
	s4 =	simm.s32 @!p0 $0x1;
	[sflag:s9] =	ssyncset.done @!p2 $0x0  }
0x66: {  	s6 =	simm.s32 @!p1 $0x0;
	[sflag:s9] =	ssyncadd.s32 @!p2 $0xFFFFC000;
	s9 =	simm.s32 @!p1 $0x13940  }
0x67: {  	[tilespmem:s9], [sflag:$0x2] =	stream.linear.gather @!p1 [hbm4b:s28+s6], $0x80, $0x38;
	[tilespmem:$0x17A40] =	vst v63  }
0x68: {  	p2 =	sge.u32 @!p6 s3, s11;
	_ =	swait.ge @!p0 [sflag:s4], $0x80  }
0x69: {  	s3 =	simm.s32 @!p0 $0x13A40;
	p2 =	por p2, p6;
	[sflag:s4] =	ssyncset.done @!p0 $0x0  }
0x6a: {  	s6 =	simm.s32 @!p0 $0x80;
	[sflag:s4] =	ssyncadd.s32 @!p0 $0xFFFFFF80;
	s4 =	simm.s32 @!p0 $0x138C0  }
0x6b: {  	[spmem:s2] =	stream.indirect.scatter.add.f32 @!p0 [tilespmem:s3], [sflag:$0x4], $0x80, s4, s6, $0xb8;
	[tilespmem:$0x17A40] =	vst v63  }
0x6c: {  	s3 =	simm.s32 @!p2 $0x6  }
0x6d: {  	_ =	swait.ge @!p2 [sflag:s3], $0x4000  }
0x6e: {  	s22 =	sadd.s32 $0xFFFFFFFF, s24;
	[sflag:s3] =	ssyncset.done @!p2 $0x0  }
0x6f: {  	[sflag:s3] =	ssyncadd.s32 @!p2 $0xFFFFC000;
	p2 =	sge.u32 s22, s8  }
0x70: {  	s6 =	simm.s32 @!p1 $0x2;
	s3 =	simm.s32 @!p2 $0x0;
	s17 =	simm.s32 @!p2 $0x139C0  }
0x71: {  	[tilespmem:s17], [sflag:$0x3] =	stream.linear.gather @!p2 [hbm4b:s26+s3], $0x80, $0x38;
	[tilespmem:$0x17A40] =	vst v63  }
0x72: {  	_ =	swait.ge @!p1 [sflag:s6], $0x80  }
0x73: {  	s20 =	simm.s32 @!p1 $0x13A40;
	[sflag:s6] =	ssyncset.done @!p1 $0x0  }
0x74: {  	p0 =	sge.u32 s22, s11;
	s3 =	simm.s32 @!p1 $0x80;
	[sflag:s6] =	ssyncadd.s32 @!p1 $0xFFFFFF80  }
0x75: {  	[spmem:s2] =	stream.indirect.scatter.add.f32 @!p1 [tilespmem:s20], [sflag:$0x5], $0x80, s9, s3, $0xb8;
	[tilespmem:$0x17A40] =	vst v63  }
0x76: {  	s3 =	simm.s32 @!p0 $0x4  }
0x77: {  	_ =	swait.ge @!p0 [sflag:s3], $0x4000  }
0x78: {  	[sflag:s3] =	ssyncset.done @!p0 $0x0  }
0x79: {  	[sflag:s3] =	ssyncadd.s32 @!p0 $0xFFFFC000;
	p0 =	sge.u32 s24, s8  }
0x7a: {  	s3 =	sadd.s32 $0x30, s25;
	s4 =	simm.s32 @!p0 $0x138C0;
	s6 =	simm.s32 @!p0 $0x0  }
0x7b: {  	[tilespmem:s4], [sflag:$0x1] =	stream.linear.gather @!p0 [hbm4b:s3+s6], $0x80, $0x38;
	[tilespmem:$0x17A40] =	vst v63  }
0x7c: {  	s3 =	simm.s32 @!p2 $0x3  }
0x7d: {  	_ =	swait.ge @!p2 [sflag:s3], $0x80  }
0x7e: {  	[sflag:s3] =	ssyncset.done @!p2 $0x0  }
0x7f: {  	s4 =	simm.s32 @!p2 $0x13A40;
	s6 =	simm.s32 @!p2 $0x80;
	[sflag:s3] =	ssyncadd.s32 @!p2 $0xFFFFFF80  }
0x80: {  	[spmem:s2] =	stream.indirect.scatter.add.f32 @!p2 [tilespmem:s4], [sflag:$0x6], $0x80, s17, s6, $0xb8;
	[tilespmem:$0x17A40] =	vst v63  }
0x81: {  	[bflag:$0x0] =	sbarrier.arrive $0xFFFF  }
0x82: {  	s28 =	sld [smem:$0x7FA];
	_ =	sdelay $0x2  }
0x83: {  	p0 =	seq.s32 s28, $0x1  }
0x84: {  	s3 =	sshrl.u32 @!p0 s7, $0x3;
	s4 =	simm.s32 @!p0 $0x1FC7  }
0x85: {  	[hbm:s15], [sflag:s4] =	dma.local @!p0 [spmem:s3], $0x2080  }
0x86: {  	s3 =	simm.s32 @!p0 $0x7  }
0x87: {  	_ =	swait.ge @!p0 [sflag:s3], $0x2080  }
0x88: {  	s29 =	sld [smem:$0x7FB];
	_ =	sdelay $0x2  }
0x89: {  	p1 =	seq.s32 s29, $0x1  }
0x8a: {  	[sflag:s3] =	ssyncset.done @!p0 $0x0;
	s4 =	sshll.u32 @!p1 s1, $0x6  }
0x8b: {  	[sflag:s3] =	ssyncadd.s32 @!p0 $0xFFFFDF80;
	s3 =	sor.u32 @!p1 $0x1C07, s4;
	s4 =	sshrl.u32 @!p1 s5, $0x3  }
0x8c: {  	[hbm:s14], [sflag:s3] =	dma.local @!p1 [spmem:s4], $0x2780  }
0x8d: {  	s3 =	simm.s32 @!p1 $0x7  }
0x8e: {  	_ =	swait.ge @!p1 [sflag:s3], $0x2780  }
0x8f: {  	s30 =	sld [smem:$0x7FC];
	_ =	sdelay $0x2  }
0x90: {  	[sflag:s3] =	ssyncset.done @!p1 $0x0;
	p0 =	seq.s32 s30, $0x1  }
0x91: {  	[sflag:s3] =	ssyncadd.s32 @!p1 $0xFFFFD880;
	s3 =	sshrl.u32 @!p0 s7, $0x3;
	s4 =	simm.s32 @!p0 $0x1FC7  }
0x92: {  	[hbm:s13], [sflag:s4] =	dma.local @!p0 [spmem:s3], $0x2080  }
0x93: {  	s3 =	simm.s32 @!p0 $0x7  }
0x94: {  	_ =	swait.ge @!p0 [sflag:s3], $0x2080  }
0x95: {  	s31 =	sld [smem:$0x7FD];
	_ =	sdelay $0x2  }
0x96: {  	[sflag:s3] =	ssyncset.done @!p0 $0x0;
	p1 =	seq.s32 s31, $0x1  }
0x97: {  	s23 =	sadd.s32 $0x1, s23;
	[sflag:s3] =	ssyncadd.s32 @!p0 $0xFFFFDF80;
	s4 =	sshll.u32 @!p1 s1, $0x6  }
0x98: {  	p0 =	sne.s32 s23, s16;
	s3 =	sor.u32 @!p1 $0x1C07, s4;
	s4 =	sshrl.u32 @!p1 s5, $0x3  }
0x99: {  	[hbm:s12], [sflag:s3] =	dma.local @!p1 [spmem:s4], $0x2780  }
.Ltmp1:
0x9a: {  	_ = 	snop;
	(pc) =	sbr.rel @p0 .LBB2_1-.Ltmp1, $4  }
0x9b: {  	s3 =	simm.s32 @!p1 $0x7  }
0x9c: {  	_ =	swait.ge @!p1 [sflag:s3], $0x2780  }
0x9d: {  	[sflag:s3] =	ssyncset.done @!p1 $0x0  }
0x9e: {  	[sflag:s3] =	ssyncadd.s32 @!p1 $0xFFFFD880  }
0x9f: {  	_ =	sfence.sel $0x180000  }
0xa0: {  	[bflag:$0x0] =	sbarrier.arrive $0xFFFF  }
0xa1: {  	_ =	strace $0x90000047  }
0xa2: {  	[bflag:$0x2] =	sbarrier.arrive $0xFFFF  }
0xa3: {  	p0 =	sne.s32 s1, $0x0;
	s0 =	rddreg [dreg:$0x3]  }
0xa4: {  	s0 =	sadd.s32 @!p0 $0x100000, s0  }
0xa5: {  	[sflag:s0] =	ssyncadd.tile.s32 @!p0 $0x1;
	_ =	shalt  }
.Lfunc_end2:
_tile_overlayer_lowered:
.L_overlay_start_2:
0xa6: {  	(tag) =	ssettag $0x2  }
0xa7: {  	s0 =	rddreg [dreg:$0x0];
	s2 =	stileid.u32  }
0xa8: {  	s1 =	rddreg [dreg:$0x1];
	p0 =	sne.s32 s2, $0x0  }
0xa9: {  	s3 =	rddreg [dreg:$0x2];
	[bflag:$0x3] =	sbarrier.arrive $0xFFFF;
	s2 =	simm.s32 @!p0 $0x1C07  }
0xaa: {  	[timem:s3], [sflag:s2] =	dma.local @!p0 [hbm:s0], s1  }
0xab: {  	s0 =	simm.s32 @!p0 $0x7  }
0xac: {  	_ =	swait.ge @!p0 [sflag:s0], s1  }
0xad: {  	s1 =	ssub.s32 @!p0 $0x0, s1;
	[sflag:s0] =	ssyncset.done @!p0 $0x0  }
0xae: {  	[sflag:s0] =	ssyncadd.s32 @!p0 s1  }
0xaf: {  	[bflag:$0x3] =	sbarrier.arrive $0xFFFF  }
0xb0: {  	_ =	shalt  }

</sc_bundles>
